<compile_context>
chip_gen: v7x
topology: tpu7x:2x2x1
jax: 0.10.2.dev20260603
libtpu: 0.0.44.dev20260713+nightly
codegen_flags: <defaults>
</compile_context>

<pallas_src>
import functools

import jax
import jax.numpy as jnp
from jax import lax
from jax.experimental import pallas as pl
from jax.experimental.pallas import tpu as pltpu
from jax.experimental.pallas import tpu_sc as plsc

_L = 16
_GCHUNK = 80


def kernel(input, w):
    B, I = input.shape
    O = w.shape[0]
    w_flat = w.reshape(O * I)
    mesh = plsc.VectorSubcoreMesh(core_axis_name="c", subcore_axis_name="s")
    NW = mesh.num_cores * mesh.num_subcores
    spw = B // NW

    @functools.partial(
        pl.kernel,
        out_type=jax.ShapeDtypeStruct((B, O), jnp.float32),
        mesh=mesh,
        scratch_types=[
            pltpu.VMEM((I,), jnp.float32),
            pltpu.VMEM((O,), jnp.int32),
            pltpu.VMEM((O,), jnp.float32),
            pltpu.VMEM((O,), jnp.float32),
            pltpu.SemaphoreType.DMA,
        ],
        compiler_params=pltpu.CompilerParams(needs_layout_passes=False),
    )
    def snn_sc(x_hbm, w_hbm, out_hbm, x_v, idx_v, col_v, out_v, sem):
        wid = lax.axis_index("s") * mesh.num_cores + lax.axis_index("c")
        lane = lax.iota(jnp.int32, _L)
        for t in range(spw):
            b = wid * spw + t
            pltpu.sync_copy(x_hbm.at[b], x_v)
            vmin = jnp.full((_L,), jnp.inf, jnp.float32)
            jvec = jnp.zeros((_L,), jnp.int32)
            for c in range(I // _L):
                v = jnp.exp(x_v[pl.ds(c * _L, _L)] * jnp.float32(1.79))
                upd = v < vmin
                vmin = jnp.where(upd, v, vmin)
                jvec = jnp.where(upd, lane + (c * _L), jvec)
            m_vec = -plsc.cummax(lax.rev(plsc.cummax(-vmin), (0,)))
            cand = jnp.where(vmin == m_vec, jvec, jnp.int32(2 * O * I))
            j_vec = -plsc.cummax(lax.rev(plsc.cummax(-cand), (0,)))
            for c in range(O // _L):
                idx_v[pl.ds(c * _L, _L)] = (lane + (c * _L)) * I + j_vec
            copies = [
                pltpu.async_copy(
                    w_hbm.at[idx_v.at[pl.ds(g * _GCHUNK, _GCHUNK)]],
                    col_v.at[pl.ds(g * _GCHUNK, _GCHUNK)],
                    sem,
                )
                for g in range(O // _GCHUNK)
            ]
            for cp in copies:
                cp.wait()
            den = jnp.full((_L,), jnp.float32(1e-10), jnp.float32)
            for c in range(O // _L):
                out_v[pl.ds(c * _L, _L)] = (
                    col_v[pl.ds(c * _L, _L)] * m_vec) / den
            pltpu.sync_copy(out_v, out_hbm.at[b])

    return snn_sc(input, w_flat)

# --- scband reference (transcript-rebuilt; emitter-appended) ---
"""Pipeline reference for scband-snnlayer-1958505087425 (READ-ONLY COPY).

The authoritative reference and input builder live on the scoring server;
editing this copy changes nothing except your own understanding.
"""

import jax, jax.numpy as jnp
import numpy as np

INPUT_SIZE = 784
OUTPUT_SIZE = 400
BATCH = 64


def setup_inputs(seed: int = 0) -> dict:
    key = jax.random.key(seed)
    k1, k2 = jax.random.split(key)
    x = jax.random.uniform(k1, (BATCH, INPUT_SIZE), dtype=jnp.float32)
    w = jax.random.uniform(k2, (OUTPUT_SIZE, INPUT_SIZE), dtype=jnp.float32) * (3.0 / INPUT_SIZE) + 1.0 / INPUT_SIZE
    return {"input": x, "w": w}


def reference(input, w):
    inp = jnp.exp(input * 1.79)
    B, I = inp.shape
    O = w.shape[0]
    # sort inputs per sample (ascending), keep permutation
    sorted_indices = jnp.argsort(inp, axis=1)
    sorted_input = jnp.take_along_axis(inp, sorted_indices, axis=1)
    # gather weights into sorted-input order: weight_outsize[b,o,i] = w[o, sorted_indices[b,i]]
    weight_outsize = jnp.transpose(w[:, sorted_indices], (1, 0, 2))  # [B, O, I]
    input_outsize = jnp.broadcast_to(sorted_input[:, None, :], (B, O, I))
    weight_input_mul = input_outsize * weight_outsize
    # faithful to the torch loop: entry 0 = x[0]; entry i>=1 = x[i] + x[i-1] (adjacent pair sums, NOT cumsum)
    weight_input_mul_sum = jnp.concatenate(
        [weight_input_mul[:, :, :1], weight_input_mul[:, :, 1:] + weight_input_mul[:, :, :-1]], axis=2)
    weight_outsize_sum = jnp.concatenate(
        [weight_outsize[:, :, :1], weight_outsize[:, :, 1:] + weight_outsize[:, :, :-1]], axis=2)
    out_all = weight_input_mul_sum / jnp.clip(weight_outsize_sum - 1.0, 1e-10, 1e10)
    out_all = jnp.concatenate([out_all, 1e10 * jnp.ones((B, O, 1), dtype=jnp.float32)], axis=2)
    # torch: cat(inf[B,O,2], input)[:, :, 1:I+2] == [inf, input[0..I-1]]
    padded_input = jnp.concatenate(
        [jnp.full((B, O, 1), jnp.inf, dtype=jnp.float32), input_outsize], axis=2)
    out_cond1 = out_all < padded_input
    out_cond2 = jnp.concatenate(
        [weight_outsize_sum > 1.0, jnp.ones((B, O, 1), dtype=bool)], axis=2)
    out_cond = out_cond1 & out_cond2
    index = jnp.argmax(out_cond, axis=2)  # first True along last dim (or 0 if none)
    out = jnp.take_along_axis(out_all, index[:, :, None], axis=2)
    return jnp.squeeze(out)

if __name__ == "__main__":
    import jax
    _d = setup_inputs()
    print(jax.jit(kernel)(*tuple(_d.values())))

</pallas_src>

<mosaic_0001>
#map = affine_map<(d0, d1) -> (0, 0)>
#map1 = affine_map<(d0, d1) -> (0)>
module attributes {stable_mosaic.version = 14 : i64} {
  func.func @snn_sc(%arg0: i32, %arg1: i32, %arg2: memref<64x784xf32, #tpu.memory_space<hbm>>, %arg3: memref<313600xf32, #tpu.memory_space<hbm>>, %arg4: memref<64x400xf32, #tpu.memory_space<hbm>>, %arg5: memref<784xf32, #tpu.memory_space<vmem>>, %arg6: memref<400xi32, #tpu.memory_space<vmem>>, %arg7: memref<400xf32, #tpu.memory_space<vmem>>, %arg8: memref<400xf32, #tpu.memory_space<vmem>>, %arg9: memref<!tpu.dma_semaphore, #tpu.memory_space<semaphore_mem>>) attributes {dimension_semantics = [#tpu.dimension_semantics<core_parallel>, #tpu.dimension_semantics<subcore_parallel>], iteration_bounds = array<i64: 2, 16>, scalar_prefetch = 0 : i64, scratch_operands = 5 : i64, tpu.core_type = #tpu.core_type<sc_vector_subcore>, window_params = [{transform_indices = #map}, {transform_indices = #map1}, {transform_indices = #map}]} {
    %mul3A = arith.constant 2 : i32
    %mul3A_0 = arith.muli %arg1, %mul3A : i32
    %add3A = arith.addi %mul3A_0, %arg0 : i32
    %iota3A = tpu.iota {dimensions = array<i32: 0>} : vector<16xi32>
    %mul3A_1 = arith.constant 2 : i32
    %mul3A_2 = arith.muli %add3A, %mul3A_1 : i32
    %add3A_3 = arith.constant 0 : i32
    %add3A_4 = arith.addi %mul3A_2, %add3A_3 : i32
    "tpu.region"() ({
      %run_scoped3A = tpu.sem_alloc : memref<!tpu.dma_semaphore, #tpu.memory_space<semaphore_mem>>
      %dma_start3A_2145 = arith.constant 0 : i32
      %dma_start3A_2146 = tpu.memref_slice %arg2[%add3A_4, %dma_start3A_2145] : memref<64x784xf32, #tpu.memory_space<hbm>> -> memref<1x784xf32, #tpu.memory_space<hbm>>
      %dma_start3A_2147 = tpu.memref_squeeze %dma_start3A_2146 : memref<1x784xf32, #tpu.memory_space<hbm>> -> memref<784xf32, #tpu.memory_space<hbm>>
      %dma_start3A_2148 = arith.constant 0 : i32
      %dma_start3A_2149 = tpu.memref_slice %arg2[%add3A_4, %dma_start3A_2148] : memref<64x784xf32, #tpu.memory_space<hbm>> -> memref<1x784xf32, #tpu.memory_space<hbm>>
      %dma_start3A_2150 = tpu.memref_squeeze %dma_start3A_2149 : memref<1x784xf32, #tpu.memory_space<hbm>> -> memref<784xf32, #tpu.memory_space<hbm>>
      tpu.enqueue_dma source(%dma_start3A_2150 : memref<784xf32, #tpu.memory_space<hbm>>) target(%arg5 : memref<784xf32, #tpu.memory_space<vmem>>) target_semaphore(%run_scoped3A : memref<!tpu.dma_semaphore, #tpu.memory_space<semaphore_mem>>)
      %dma_wait3A_2151 = arith.constant 0 : i32
      %dma_wait3A_2152 = tpu.memref_slice %arg2[%add3A_4, %dma_wait3A_2151] : memref<64x784xf32, #tpu.memory_space<hbm>> -> memref<1x784xf32, #tpu.memory_space<hbm>>
      %dma_wait3A_2153 = tpu.memref_squeeze %dma_wait3A_2152 : memref<1x784xf32, #tpu.memory_space<hbm>> -> memref<784xf32, #tpu.memory_space<hbm>>
      %dma_wait3A_2154 = arith.constant 0 : i32
      %dma_wait3A_2155 = tpu.memref_slice %arg2[%add3A_4, %dma_wait3A_2154] : memref<64x784xf32, #tpu.memory_space<hbm>> -> memref<1x784xf32, #tpu.memory_space<hbm>>
      %dma_wait3A_2156 = tpu.memref_squeeze %dma_wait3A_2155 : memref<1x784xf32, #tpu.memory_space<hbm>> -> memref<784xf32, #tpu.memory_space<hbm>>
      tpu.wait_dma2 semaphore(%run_scoped3A : memref<!tpu.dma_semaphore, #tpu.memory_space<semaphore_mem>>) src(%dma_wait3A_2156 : memref<784xf32, #tpu.memory_space<hbm>>) dst(%arg5 : memref<784xf32, #tpu.memory_space<vmem>>)
      tpu.yield
    }) : () -> ()
    %broadcast_in_dim3A = arith.constant 0x7F800000 : f32
    %broadcast_in_dim3A_5 = vector.broadcast %broadcast_in_dim3A : f32 to vector<16xf32>
    %broadcast_in_dim3A_6 = arith.constant 0 : i32
    %broadcast_in_dim3A_7 = vector.broadcast %broadcast_in_dim3A_6 : i32 to vector<16xi32>
    %get3A = arith.constant 0 : index
    %get3A_8 = tpu.vector_load %arg5[%get3A] {strides = array<i32>} : memref<784xf32, #tpu.memory_space<vmem>>, vector<16xf32>,
    %mul3A_9 = arith.constant 1.790000e+00 : f32
    %mul3A_10 = vector.broadcast %mul3A_9 : f32 to vector<16xf32>
    %mul3A_11 = arith.mulf %get3A_8, %mul3A_10 : vector<16xf32>
    %exp3A = math.exp %mul3A_11 : vector<16xf32>
    %lt3A = arith.cmpf olt, %exp3A, %broadcast_in_dim3A_5 : vector<16xf32>
    %select_n3A = arith.select %lt3A, %exp3A, %broadcast_in_dim3A_5 : vector<16xi1>, vector<16xf32>
    %add3A_12 = arith.constant 0 : i32
    %add3A_13 = vector.broadcast %add3A_12 : i32 to vector<16xi32>
    %add3A_14 = arith.addi %iota3A, %add3A_13 : vector<16xi32>
    %select_n3A_15 = arith.select %lt3A, %add3A_14, %broadcast_in_dim3A_7 : vector<16xi1>, vector<16xi32>
    %get3A_16 = arith.constant 16 : index
    %get3A_17 = tpu.vector_load %arg5[%get3A_16] {strides = array<i32>} : memref<784xf32, #tpu.memory_space<vmem>>, vector<16xf32>,
    %mul3A_18 = arith.constant 1.790000e+00 : f32
    %mul3A_19 = vector.broadcast %mul3A_18 : f32 to vector<16xf32>
    %mul3A_20 = arith.mulf %get3A_17, %mul3A_19 : vector<16xf32>
    %exp3A_21 = math.exp %mul3A_20 : vector<16xf32>
    %lt3A_22 = arith.cmpf olt, %exp3A_21, %select_n3A : vector<16xf32>
    %select_n3A_23 = arith.select %lt3A_22, %exp3A_21, %select_n3A : vector<16xi1>, vector<16xf32>
    %add3A_24 = arith.constant 16 : i32
    %add3A_25 = vector.broadcast %add3A_24 : i32 to vector<16xi32>
    %add3A_26 = arith.addi %iota3A, %add3A_25 : vector<16xi32>
    %select_n3A_27 = arith.select %lt3A_22, %add3A_26, %select_n3A_15 : vector<16xi1>, vector<16xi32>
    %get3A_28 = arith.constant 32 : index
    %get3A_29 = tpu.vector_load %arg5[%get3A_28] {strides = array<i32>} : memref<784xf32, #tpu.memory_space<vmem>>, vector<16xf32>,
    %mul3A_30 = arith.constant 1.790000e+00 : f32
    %mul3A_31 = vector.broadcast %mul3A_30 : f32 to vector<16xf32>
    %mul3A_32 = arith.mulf %get3A_29, %mul3A_31 : vector<16xf32>
    %exp3A_33 = math.exp %mul3A_32 : vector<16xf32>
    %lt3A_34 = arith.cmpf olt, %exp3A_33, %select_n3A_23 : vector<16xf32>
    %select_n3A_35 = arith.select %lt3A_34, %exp3A_33, %select_n3A_23 : vector<16xi1>, vector<16xf32>
    %add3A_36 = arith.constant 32 : i32
    %add3A_37 = vector.broadcast %add3A_36 : i32 to vector<16xi32>
    %add3A_38 = arith.addi %iota3A, %add3A_37 : vector<16xi32>
    %select_n3A_39 = arith.select %lt3A_34, %add3A_38, %select_n3A_27 : vector<16xi1>, vector<16xi32>
    %get3A_40 = arith.constant 48 : index
    %get3A_41 = tpu.vector_load %arg5[%get3A_40] {strides = array<i32>} : memref<784xf32, #tpu.memory_space<vmem>>, vector<16xf32>,
    %mul3A_42 = arith.constant 1.790000e+00 : f32
    %mul3A_43 = vector.broadcast %mul3A_42 : f32 to vector<16xf32>
    %mul3A_44 = arith.mulf %get3A_41, %mul3A_43 : vector<16xf32>
    %exp3A_45 = math.exp %mul3A_44 : vector<16xf32>
    %lt3A_46 = arith.cmpf olt, %exp3A_45, %select_n3A_35 : vector<16xf32>
    %select_n3A_47 = arith.select %lt3A_46, %exp3A_45, %select_n3A_35 : vector<16xi1>, vector<16xf32>
    %add3A_48 = arith.constant 48 : i32
    %add3A_49 = vector.broadcast %add3A_48 : i32 to vector<16xi32>
    %add3A_50 = arith.addi %iota3A, %add3A_49 : vector<16xi32>
    %select_n3A_51 = arith.select %lt3A_46, %add3A_50, %select_n3A_39 : vector<16xi1>, vector<16xi32>
    %get3A_52 = arith.constant 64 : index
    %get3A_53 = tpu.vector_load %arg5[%get3A_52] {strides = array<i32>} : memref<784xf32, #tpu.memory_space<vmem>>, vector<16xf32>,
    %mul3A_54 = arith.constant 1.790000e+00 : f32
    %mul3A_55 = vector.broadcast %mul3A_54 : f32 to vector<16xf32>
    %mul3A_56 = arith.mulf %get3A_53, %mul3A_55 : vector<16xf32>
    %exp3A_57 = math.exp %mul3A_56 : vector<16xf32>
    %lt3A_58 = arith.cmpf olt, %exp3A_57, %select_n3A_47 : vector<16xf32>
    %select_n3A_59 = arith.select %lt3A_58, %exp3A_57, %select_n3A_47 : vector<16xi1>, vector<16xf32>
    %add3A_60 = arith.constant 64 : i32
    %add3A_61 = vector.broadcast %add3A_60 : i32 to vector<16xi32>
    %add3A_62 = arith.addi %iota3A, %add3A_61 : vector<16xi32>
    %select_n3A_63 = arith.select %lt3A_58, %add3A_62, %select_n3A_51 : vector<16xi1>, vector<16xi32>
    %get3A_64 = arith.constant 80 : index
    %get3A_65 = tpu.vector_load %arg5[%get3A_64] {strides = array<i32>} : memref<784xf32, #tpu.memory_space<vmem>>, vector<16xf32>,
    %mul3A_66 = arith.constant 1.790000e+00 : f32
    %mul3A_67 = vector.broadcast %mul3A_66 : f32 to vector<16xf32>
    %mul3A_68 = arith.mulf %get3A_65, %mul3A_67 : vector<16xf32>
    %exp3A_69 = math.exp %mul3A_68 : vector<16xf32>
    %lt3A_70 = arith.cmpf olt, %exp3A_69, %select_n3A_59 : vector<16xf32>
    %select_n3A_71 = arith.select %lt3A_70, %exp3A_69, %select_n3A_59 : vector<16xi1>, vector<16xf32>
    %add3A_72 = arith.constant 80 : i32
    %add3A_73 = vector.broadcast %add3A_72 : i32 to vector<16xi32>
    %add3A_74 = arith.addi %iota3A, %add3A_73 : vector<16xi32>
    %select_n3A_75 = arith.select %lt3A_70, %add3A_74, %select_n3A_63 : vector<16xi1>, vector<16xi32>
    %get3A_76 = arith.constant 96 : index
    %get3A_77 = tpu.vector_load %arg5[%get3A_76] {strides = array<i32>} : memref<784xf32, #tpu.memory_space<vmem>>, vector<16xf32>,
    %mul3A_78 = arith.constant 1.790000e+00 : f32
    %mul3A_79 = vector.broadcast %mul3A_78 : f32 to vector<16xf32>
    %mul3A_80 = arith.mulf %get3A_77, %mul3A_79 : vector<16xf32>
    %exp3A_81 = math.exp %mul3A_80 : vector<16xf32>
    %lt3A_82 = arith.cmpf olt, %exp3A_81, %select_n3A_71 : vector<16xf32>
    %select_n3A_83 = arith.select %lt3A_82, %exp3A_81, %select_n3A_71 : vector<16xi1>, vector<16xf32>
    %add3A_84 = arith.constant 96 : i32
    %add3A_85 = vector.broadcast %add3A_84 : i32 to vector<16xi32>
    %add3A_86 = arith.addi %iota3A, %add3A_85 : vector<16xi32>
    %select_n3A_87 = arith.select %lt3A_82, %add3A_86, %select_n3A_75 : vector<16xi1>, vector<16xi32>
    %get3A_88 = arith.constant 112 : index
    %get3A_89 = tpu.vector_load %arg5[%get3A_88] {strides = array<i32>} : memref<784xf32, #tpu.memory_space<vmem>>, vector<16xf32>,
    %mul3A_90 = arith.constant 1.790000e+00 : f32
    %mul3A_91 = vector.broadcast %mul3A_90 : f32 to vector<16xf32>
    %mul3A_92 = arith.mulf %get3A_89, %mul3A_91 : vector<16xf32>
    %exp3A_93 = math.exp %mul3A_92 : vector<16xf32>
    %lt3A_94 = arith.cmpf olt, %exp3A_93, %select_n3A_83 : vector<16xf32>
    %select_n3A_95 = arith.select %lt3A_94, %exp3A_93, %select_n3A_83 : vector<16xi1>, vector<16xf32>
    %add3A_96 = arith.constant 112 : i32
    %add3A_97 = vector.broadcast %add3A_96 : i32 to vector<16xi32>
    %add3A_98 = arith.addi %iota3A, %add3A_97 : vector<16xi32>
    %select_n3A_99 = arith.select %lt3A_94, %add3A_98, %select_n3A_87 : vector<16xi1>, vector<16xi32>
    %get3A_100 = arith.constant 128 : index
    %get3A_101 = tpu.vector_load %arg5[%get3A_100] {strides = array<i32>} : memref<784xf32, #tpu.memory_space<vmem>>, vector<16xf32>,
    %mul3A_102 = arith.constant 1.790000e+00 : f32
    %mul3A_103 = vector.broadcast %mul3A_102 : f32 to vector<16xf32>
    %mul3A_104 = arith.mulf %get3A_101, %mul3A_103 : vector<16xf32>
    %exp3A_105 = math.exp %mul3A_104 : vector<16xf32>
    %lt3A_106 = arith.cmpf olt, %exp3A_105, %select_n3A_95 : vector<16xf32>
    %select_n3A_107 = arith.select %lt3A_106, %exp3A_105, %select_n3A_95 : vector<16xi1>, vector<16xf32>
    %add3A_108 = arith.constant 128 : i32
    %add3A_109 = vector.broadcast %add3A_108 : i32 to vector<16xi32>
    %add3A_110 = arith.addi %iota3A, %add3A_109 : vector<16xi32>
    %select_n3A_111 = arith.select %lt3A_106, %add3A_110, %select_n3A_99 : vector<16xi1>, vector<16xi32>
    %get3A_112 = arith.constant 144 : index
    %get3A_113 = tpu.vector_load %arg5[%get3A_112] {strides = array<i32>} : memref<784xf32, #tpu.memory_space<vmem>>, vector<16xf32>,
    %mul3A_114 = arith.constant 1.790000e+00 : f32
    %mul3A_115 = vector.broadcast %mul3A_114 : f32 to vector<16xf32>
    %mul3A_116 = arith.mulf %get3A_113, %mul3A_115 : vector<16xf32>
    %exp3A_117 = math.exp %mul3A_116 : vector<16xf32>
    %lt3A_118 = arith.cmpf olt, %exp3A_117, %select_n3A_107 : vector<16xf32>
    %select_n3A_119 = arith.select %lt3A_118, %exp3A_117, %select_n3A_107 : vector<16xi1>, vector<16xf32>
    %add3A_120 = arith.constant 144 : i32
    %add3A_121 = vector.broadcast %add3A_120 : i32 to vector<16xi32>
    %add3A_122 = arith.addi %iota3A, %add3A_121 : vector<16xi32>
    %select_n3A_123 = arith.select %lt3A_118, %add3A_122, %select_n3A_111 : vector<16xi1>, vector<16xi32>
    %get3A_124 = arith.constant 160 : index
    %get3A_125 = tpu.vector_load %arg5[%get3A_124] {strides = array<i32>} : memref<784xf32, #tpu.memory_space<vmem>>, vector<16xf32>,
    %mul3A_126 = arith.constant 1.790000e+00 : f32
    %mul3A_127 = vector.broadcast %mul3A_126 : f32 to vector<16xf32>
    %mul3A_128 = arith.mulf %get3A_125, %mul3A_127 : vector<16xf32>
    %exp3A_129 = math.exp %mul3A_128 : vector<16xf32>
    %lt3A_130 = arith.cmpf olt, %exp3A_129, %select_n3A_119 : vector<16xf32>
    %select_n3A_131 = arith.select %lt3A_130, %exp3A_129, %select_n3A_119 : vector<16xi1>, vector<16xf32>
    %add3A_132 = arith.constant 160 : i32
    %add3A_133 = vector.broadcast %add3A_132 : i32 to vector<16xi32>
    %add3A_134 = arith.addi %iota3A, %add3A_133 : vector<16xi32>
    %select_n3A_135 = arith.select %lt3A_130, %add3A_134, %select_n3A_123 : vector<16xi1>, vector<16xi32>
    %get3A_136 = arith.constant 176 : index
    %get3A_137 = tpu.vector_load %arg5[%get3A_136] {strides = array<i32>} : memref<784xf32, #tpu.memory_space<vmem>>, vector<16xf32>,
    %mul3A_138 = arith.constant 1.790000e+00 : f32
    %mul3A_139 = vector.broadcast %mul3A_138 : f32 to vector<16xf32>
    %mul3A_140 = arith.mulf %get3A_137, %mul3A_139 : vector<16xf32>
    %exp3A_141 = math.exp %mul3A_140 : vector<16xf32>
    %lt3A_142 = arith.cmpf olt, %exp3A_141, %select_n3A_131 : vector<16xf32>
    %select_n3A_143 = arith.select %lt3A_142, %exp3A_141, %select_n3A_131 : vector<16xi1>, vector<16xf32>
    %add3A_144 = arith.constant 176 : i32
    %add3A_145 = vector.broadcast %add3A_144 : i32 to vector<16xi32>
    %add3A_146 = arith.addi %iota3A, %add3A_145 : vector<16xi32>
    %select_n3A_147 = arith.select %lt3A_142, %add3A_146, %select_n3A_135 : vector<16xi1>, vector<16xi32>
    %get3A_148 = arith.constant 192 : index
    %get3A_149 = tpu.vector_load %arg5[%get3A_148] {strides = array<i32>} : memref<784xf32, #tpu.memory_space<vmem>>, vector<16xf32>,
    %mul3A_150 = arith.constant 1.790000e+00 : f32
    %mul3A_151 = vector.broadcast %mul3A_150 : f32 to vector<16xf32>
    %mul3A_152 = arith.mulf %get3A_149, %mul3A_151 : vector<16xf32>
    %exp3A_153 = math.exp %mul3A_152 : vector<16xf32>
    %lt3A_154 = arith.cmpf olt, %exp3A_153, %select_n3A_143 : vector<16xf32>
    %select_n3A_155 = arith.select %lt3A_154, %exp3A_153, %select_n3A_143 : vector<16xi1>, vector<16xf32>
    %add3A_156 = arith.constant 192 : i32
    %add3A_157 = vector.broadcast %add3A_156 : i32 to vector<16xi32>
    %add3A_158 = arith.addi %iota3A, %add3A_157 : vector<16xi32>
    %select_n3A_159 = arith.select %lt3A_154, %add3A_158, %select_n3A_147 : vector<16xi1>, vector<16xi32>
    %get3A_160 = arith.constant 208 : index
    %get3A_161 = tpu.vector_load %arg5[%get3A_160] {strides = array<i32>} : memref<784xf32, #tpu.memory_space<vmem>>, vector<16xf32>,
    %mul3A_162 = arith.constant 1.790000e+00 : f32
    %mul3A_163 = vector.broadcast %mul3A_162 : f32 to vector<16xf32>
    %mul3A_164 = arith.mulf %get3A_161, %mul3A_163 : vector<16xf32>
    %exp3A_165 = math.exp %mul3A_164 : vector<16xf32>
    %lt3A_166 = arith.cmpf olt, %exp3A_165, %select_n3A_155 : vector<16xf32>
    %select_n3A_167 = arith.select %lt3A_166, %exp3A_165, %select_n3A_155 : vector<16xi1>, vector<16xf32>
    %add3A_168 = arith.constant 208 : i32
    %add3A_169 = vector.broadcast %add3A_168 : i32 to vector<16xi32>
    %add3A_170 = arith.addi %iota3A, %add3A_169 : vector<16xi32>
    %select_n3A_171 = arith.select %lt3A_166, %add3A_170, %select_n3A_159 : vector<16xi1>, vector<16xi32>
    %get3A_172 = arith.constant 224 : index
    %get3A_173 = tpu.vector_load %arg5[%get3A_172] {strides = array<i32>} : memref<784xf32, #tpu.memory_space<vmem>>, vector<16xf32>,
    %mul3A_174 = arith.constant 1.790000e+00 : f32
    %mul3A_175 = vector.broadcast %mul3A_174 : f32 to vector<16xf32>
    %mul3A_176 = arith.mulf %get3A_173, %mul3A_175 : vector<16xf32>
    %exp3A_177 = math.exp %mul3A_176 : vector<16xf32>
    %lt3A_178 = arith.cmpf olt, %exp3A_177, %select_n3A_167 : vector<16xf32>
    %select_n3A_179 = arith.select %lt3A_178, %exp3A_177, %select_n3A_167 : vector<16xi1>, vector<16xf32>
    %add3A_180 = arith.constant 224 : i32
    %add3A_181 = vector.broadcast %add3A_180 : i32 to vector<16xi32>
    %add3A_182 = arith.addi %iota3A, %add3A_181 : vector<16xi32>
    %select_n3A_183 = arith.select %lt3A_178, %add3A_182, %select_n3A_171 : vector<16xi1>, vector<16xi32>
    %get3A_184 = arith.constant 240 : index
    %get3A_185 = tpu.vector_load %arg5[%get3A_184] {strides = array<i32>} : memref<784xf32, #tpu.memory_space<vmem>>, vector<16xf32>,
    %mul3A_186 = arith.constant 1.790000e+00 : f32
    %mul3A_187 = vector.broadcast %mul3A_186 : f32 to vector<16xf32>
    %mul3A_188 = arith.mulf %get3A_185, %mul3A_187 : vector<16xf32>
    %exp3A_189 = math.exp %mul3A_188 : vector<16xf32>
    %lt3A_190 = arith.cmpf olt, %exp3A_189, %select_n3A_179 : vector<16xf32>
    %select_n3A_191 = arith.select %lt3A_190, %exp3A_189, %select_n3A_179 : vector<16xi1>, vector<16xf32>
    %add3A_192 = arith.constant 240 : i32
    %add3A_193 = vector.broadcast %add3A_192 : i32 to vector<16xi32>
    %add3A_194 = arith.addi %iota3A, %add3A_193 : vector<16xi32>
    %select_n3A_195 = arith.select %lt3A_190, %add3A_194, %select_n3A_183 : vector<16xi1>, vector<16xi32>
    %get3A_196 = arith.constant 256 : index
    %get3A_197 = tpu.vector_load %arg5[%get3A_196] {strides = array<i32>} : memref<784xf32, #tpu.memory_space<vmem>>, vector<16xf32>,
    %mul3A_198 = arith.constant 1.790000e+00 : f32
    %mul3A_199 = vector.broadcast %mul3A_198 : f32 to vector<16xf32>
    %mul3A_200 = arith.mulf %get3A_197, %mul3A_199 : vector<16xf32>
    %exp3A_201 = math.exp %mul3A_200 : vector<16xf32>
    %lt3A_202 = arith.cmpf olt, %exp3A_201, %select_n3A_191 : vector<16xf32>
    %select_n3A_203 = arith.select %lt3A_202, %exp3A_201, %select_n3A_191 : vector<16xi1>, vector<16xf32>
    %add3A_204 = arith.constant 256 : i32
    %add3A_205 = vector.broadcast %add3A_204 : i32 to vector<16xi32>
    %add3A_206 = arith.addi %iota3A, %add3A_205 : vector<16xi32>
    %select_n3A_207 = arith.select %lt3A_202, %add3A_206, %select_n3A_195 : vector<16xi1>, vector<16xi32>
    %get3A_208 = arith.constant 272 : index
    %get3A_209 = tpu.vector_load %arg5[%get3A_208] {strides = array<i32>} : memref<784xf32, #tpu.memory_space<vmem>>, vector<16xf32>,
    %mul3A_210 = arith.constant 1.790000e+00 : f32
    %mul3A_211 = vector.broadcast %mul3A_210 : f32 to vector<16xf32>
    %mul3A_212 = arith.mulf %get3A_209, %mul3A_211 : vector<16xf32>
    %exp3A_213 = math.exp %mul3A_212 : vector<16xf32>
    %lt3A_214 = arith.cmpf olt, %exp3A_213, %select_n3A_203 : vector<16xf32>
    %select_n3A_215 = arith.select %lt3A_214, %exp3A_213, %select_n3A_203 : vector<16xi1>, vector<16xf32>
    %add3A_216 = arith.constant 272 : i32
    %add3A_217 = vector.broadcast %add3A_216 : i32 to vector<16xi32>
    %add3A_218 = arith.addi %iota3A, %add3A_217 : vector<16xi32>
    %select_n3A_219 = arith.select %lt3A_214, %add3A_218, %select_n3A_207 : vector<16xi1>, vector<16xi32>
    %get3A_220 = arith.constant 288 : index
    %get3A_221 = tpu.vector_load %arg5[%get3A_220] {strides = array<i32>} : memref<784xf32, #tpu.memory_space<vmem>>, vector<16xf32>,
    %mul3A_222 = arith.constant 1.790000e+00 : f32
    %mul3A_223 = vector.broadcast %mul3A_222 : f32 to vector<16xf32>
    %mul3A_224 = arith.mulf %get3A_221, %mul3A_223 : vector<16xf32>
    %exp3A_225 = math.exp %mul3A_224 : vector<16xf32>
    %lt3A_226 = arith.cmpf olt, %exp3A_225, %select_n3A_215 : vector<16xf32>
    %select_n3A_227 = arith.select %lt3A_226, %exp3A_225, %select_n3A_215 : vector<16xi1>, vector<16xf32>
    %add3A_228 = arith.constant 288 : i32
    %add3A_229 = vector.broadcast %add3A_228 : i32 to vector<16xi32>
    %add3A_230 = arith.addi %iota3A, %add3A_229 : vector<16xi32>
    %select_n3A_231 = arith.select %lt3A_226, %add3A_230, %select_n3A_219 : vector<16xi1>, vector<16xi32>
    %get3A_232 = arith.constant 304 : index
    %get3A_233 = tpu.vector_load %arg5[%get3A_232] {strides = array<i32>} : memref<784xf32, #tpu.memory_space<vmem>>, vector<16xf32>,
    %mul3A_234 = arith.constant 1.790000e+00 : f32
    %mul3A_235 = vector.broadcast %mul3A_234 : f32 to vector<16xf32>
    %mul3A_236 = arith.mulf %get3A_233, %mul3A_235 : vector<16xf32>
    %exp3A_237 = math.exp %mul3A_236 : vector<16xf32>
    %lt3A_238 = arith.cmpf olt, %exp3A_237, %select_n3A_227 : vector<16xf32>
    %select_n3A_239 = arith.select %lt3A_238, %exp3A_237, %select_n3A_227 : vector<16xi1>, vector<16xf32>
    %add3A_240 = arith.constant 304 : i32
    %add3A_241 = vector.broadcast %add3A_240 : i32 to vector<16xi32>
    %add3A_242 = arith.addi %iota3A, %add3A_241 : vector<16xi32>
    %select_n3A_243 = arith.select %lt3A_238, %add3A_242, %select_n3A_231 : vector<16xi1>, vector<16xi32>
    %get3A_244 = arith.constant 320 : index
    %get3A_245 = tpu.vector_load %arg5[%get3A_244] {strides = array<i32>} : memref<784xf32, #tpu.memory_space<vmem>>, vector<16xf32>,
    %mul3A_246 = arith.constant 1.790000e+00 : f32
    %mul3A_247 = vector.broadcast %mul3A_246 : f32 to vector<16xf32>
    %mul3A_248 = arith.mulf %get3A_245, %mul3A_247 : vector<16xf32>
    %exp3A_249 = math.exp %mul3A_248 : vector<16xf32>
    %lt3A_250 = arith.cmpf olt, %exp3A_249, %select_n3A_239 : vector<16xf32>
    %select_n3A_251 = arith.select %lt3A_250, %exp3A_249, %select_n3A_239 : vector<16xi1>, vector<16xf32>
    %add3A_252 = arith.constant 320 : i32
    %add3A_253 = vector.broadcast %add3A_252 : i32 to vector<16xi32>
    %add3A_254 = arith.addi %iota3A, %add3A_253 : vector<16xi32>
    %select_n3A_255 = arith.select %lt3A_250, %add3A_254, %select_n3A_243 : vector<16xi1>, vector<16xi32>
    %get3A_256 = arith.constant 336 : index
    %get3A_257 = tpu.vector_load %arg5[%get3A_256] {strides = array<i32>} : memref<784xf32, #tpu.memory_space<vmem>>, vector<16xf32>,
    %mul3A_258 = arith.constant 1.790000e+00 : f32
    %mul3A_259 = vector.broadcast %mul3A_258 : f32 to vector<16xf32>
    %mul3A_260 = arith.mulf %get3A_257, %mul3A_259 : vector<16xf32>
    %exp3A_261 = math.exp %mul3A_260 : vector<16xf32>
    %lt3A_262 = arith.cmpf olt, %exp3A_261, %select_n3A_251 : vector<16xf32>
    %select_n3A_263 = arith.select %lt3A_262, %exp3A_261, %select_n3A_251 : vector<16xi1>, vector<16xf32>
    %add3A_264 = arith.constant 336 : i32
    %add3A_265 = vector.broadcast %add3A_264 : i32 to vector<16xi32>
    %add3A_266 = arith.addi %iota3A, %add3A_265 : vector<16xi32>
    %select_n3A_267 = arith.select %lt3A_262, %add3A_266, %select_n3A_255 : vector<16xi1>, vector<16xi32>
    %get3A_268 = arith.constant 352 : index
    %get3A_269 = tpu.vector_load %arg5[%get3A_268] {strides = array<i32>} : memref<784xf32, #tpu.memory_space<vmem>>, vector<16xf32>,
    %mul3A_270 = arith.constant 1.790000e+00 : f32
    %mul3A_271 = vector.broadcast %mul3A_270 : f32 to vector<16xf32>
    %mul3A_272 = arith.mulf %get3A_269, %mul3A_271 : vector<16xf32>
    %exp3A_273 = math.exp %mul3A_272 : vector<16xf32>
    %lt3A_274 = arith.cmpf olt, %exp3A_273, %select_n3A_263 : vector<16xf32>
    %select_n3A_275 = arith.select %lt3A_274, %exp3A_273, %select_n3A_263 : vector<16xi1>, vector<16xf32>
    %add3A_276 = arith.constant 352 : i32
    %add3A_277 = vector.broadcast %add3A_276 : i32 to vector<16xi32>
    %add3A_278 = arith.addi %iota3A, %add3A_277 : vector<16xi32>
    %select_n3A_279 = arith.select %lt3A_274, %add3A_278, %select_n3A_267 : vector<16xi1>, vector<16xi32>
    %get3A_280 = arith.constant 368 : index
    %get3A_281 = tpu.vector_load %arg5[%get3A_280] {strides = array<i32>} : memref<784xf32, #tpu.memory_space<vmem>>, vector<16xf32>,
    %mul3A_282 = arith.constant 1.790000e+00 : f32
    %mul3A_283 = vector.broadcast %mul3A_282 : f32 to vector<16xf32>
    %mul3A_284 = arith.mulf %get3A_281, %mul3A_283 : vector<16xf32>
    %exp3A_285 = math.exp %mul3A_284 : vector<16xf32>
    %lt3A_286 = arith.cmpf olt, %exp3A_285, %select_n3A_275 : vector<16xf32>
    %select_n3A_287 = arith.select %lt3A_286, %exp3A_285, %select_n3A_275 : vector<16xi1>, vector<16xf32>
    %add3A_288 = arith.constant 368 : i32
    %add3A_289 = vector.broadcast %add3A_288 : i32 to vector<16xi32>
    %add3A_290 = arith.addi %iota3A, %add3A_289 : vector<16xi32>
    %select_n3A_291 = arith.select %lt3A_286, %add3A_290, %select_n3A_279 : vector<16xi1>, vector<16xi32>
    %get3A_292 = arith.constant 384 : index
    %get3A_293 = tpu.vector_load %arg5[%get3A_292] {strides = array<i32>} : memref<784xf32, #tpu.memory_space<vmem>>, vector<16xf32>,
    %mul3A_294 = arith.constant 1.790000e+00 : f32
    %mul3A_295 = vector.broadcast %mul3A_294 : f32 to vector<16xf32>
    %mul3A_296 = arith.mulf %get3A_293, %mul3A_295 : vector<16xf32>
    %exp3A_297 = math.exp %mul3A_296 : vector<16xf32>
    %lt3A_298 = arith.cmpf olt, %exp3A_297, %select_n3A_287 : vector<16xf32>
    %select_n3A_299 = arith.select %lt3A_298, %exp3A_297, %select_n3A_287 : vector<16xi1>, vector<16xf32>
    %add3A_300 = arith.constant 384 : i32
    %add3A_301 = vector.broadcast %add3A_300 : i32 to vector<16xi32>
    %add3A_302 = arith.addi %iota3A, %add3A_301 : vector<16xi32>
    %select_n3A_303 = arith.select %lt3A_298, %add3A_302, %select_n3A_291 : vector<16xi1>, vector<16xi32>
    %get3A_304 = arith.constant 400 : index
    %get3A_305 = tpu.vector_load %arg5[%get3A_304] {strides = array<i32>} : memref<784xf32, #tpu.memory_space<vmem>>, vector<16xf32>,
    %mul3A_306 = arith.constant 1.790000e+00 : f32
    %mul3A_307 = vector.broadcast %mul3A_306 : f32 to vector<16xf32>
    %mul3A_308 = arith.mulf %get3A_305, %mul3A_307 : vector<16xf32>
    %exp3A_309 = math.exp %mul3A_308 : vector<16xf32>
    %lt3A_310 = arith.cmpf olt, %exp3A_309, %select_n3A_299 : vector<16xf32>
    %select_n3A_311 = arith.select %lt3A_310, %exp3A_309, %select_n3A_299 : vector<16xi1>, vector<16xf32>
    %add3A_312 = arith.constant 400 : i32
    %add3A_313 = vector.broadcast %add3A_312 : i32 to vector<16xi32>
    %add3A_314 = arith.addi %iota3A, %add3A_313 : vector<16xi32>
    %select_n3A_315 = arith.select %lt3A_310, %add3A_314, %select_n3A_303 : vector<16xi1>, vector<16xi32>
    %get3A_316 = arith.constant 416 : index
    %get3A_317 = tpu.vector_load %arg5[%get3A_316] {strides = array<i32>} : memref<784xf32, #tpu.memory_space<vmem>>, vector<16xf32>,
    %mul3A_318 = arith.constant 1.790000e+00 : f32
    %mul3A_319 = vector.broadcast %mul3A_318 : f32 to vector<16xf32>
    %mul3A_320 = arith.mulf %get3A_317, %mul3A_319 : vector<16xf32>
    %exp3A_321 = math.exp %mul3A_320 : vector<16xf32>
    %lt3A_322 = arith.cmpf olt, %exp3A_321, %select_n3A_311 : vector<16xf32>
    %select_n3A_323 = arith.select %lt3A_322, %exp3A_321, %select_n3A_311 : vector<16xi1>, vector<16xf32>
    %add3A_324 = arith.constant 416 : i32
    %add3A_325 = vector.broadcast %add3A_324 : i32 to vector<16xi32>
    %add3A_326 = arith.addi %iota3A, %add3A_325 : vector<16xi32>
    %select_n3A_327 = arith.select %lt3A_322, %add3A_326, %select_n3A_315 : vector<16xi1>, vector<16xi32>
    %get3A_328 = arith.constant 432 : index
    %get3A_329 = tpu.vector_load %arg5[%get3A_328] {strides = array<i32>} : memref<784xf32, #tpu.memory_space<vmem>>, vector<16xf32>,
    %mul3A_330 = arith.constant 1.790000e+00 : f32
    %mul3A_331 = vector.broadcast %mul3A_330 : f32 to vector<16xf32>
    %mul3A_332 = arith.mulf %get3A_329, %mul3A_331 : vector<16xf32>
    %exp3A_333 = math.exp %mul3A_332 : vector<16xf32>
    %lt3A_334 = arith.cmpf olt, %exp3A_333, %select_n3A_323 : vector<16xf32>
    %select_n3A_335 = arith.select %lt3A_334, %exp3A_333, %select_n3A_323 : vector<16xi1>, vector<16xf32>
    %add3A_336 = arith.constant 432 : i32
    %add3A_337 = vector.broadcast %add3A_336 : i32 to vector<16xi32>
    %add3A_338 = arith.addi %iota3A, %add3A_337 : vector<16xi32>
    %select_n3A_339 = arith.select %lt3A_334, %add3A_338, %select_n3A_327 : vector<16xi1>, vector<16xi32>
    %get3A_340 = arith.constant 448 : index
    %get3A_341 = tpu.vector_load %arg5[%get3A_340] {strides = array<i32>} : memref<784xf32, #tpu.memory_space<vmem>>, vector<16xf32>,
    %mul3A_342 = arith.constant 1.790000e+00 : f32
    %mul3A_343 = vector.broadcast %mul3A_342 : f32 to vector<16xf32>
    %mul3A_344 = arith.mulf %get3A_341, %mul3A_343 : vector<16xf32>
    %exp3A_345 = math.exp %mul3A_344 : vector<16xf32>
    %lt3A_346 = arith.cmpf olt, %exp3A_345, %select_n3A_335 : vector<16xf32>
    %select_n3A_347 = arith.select %lt3A_346, %exp3A_345, %select_n3A_335 : vector<16xi1>, vector<16xf32>
    %add3A_348 = arith.constant 448 : i32
    %add3A_349 = vector.broadcast %add3A_348 : i32 to vector<16xi32>
    %add3A_350 = arith.addi %iota3A, %add3A_349 : vector<16xi32>
    %select_n3A_351 = arith.select %lt3A_346, %add3A_350, %select_n3A_339 : vector<16xi1>, vector<16xi32>
    %get3A_352 = arith.constant 464 : index
    %get3A_353 = tpu.vector_load %arg5[%get3A_352] {strides = array<i32>} : memref<784xf32, #tpu.memory_space<vmem>>, vector<16xf32>,
    %mul3A_354 = arith.constant 1.790000e+00 : f32
    %mul3A_355 = vector.broadcast %mul3A_354 : f32 to vector<16xf32>
    %mul3A_356 = arith.mulf %get3A_353, %mul3A_355 : vector<16xf32>
    %exp3A_357 = math.exp %mul3A_356 : vector<16xf32>
    %lt3A_358 = arith.cmpf olt, %exp3A_357, %select_n3A_347 : vector<16xf32>
    %select_n3A_359 = arith.select %lt3A_358, %exp3A_357, %select_n3A_347 : vector<16xi1>, vector<16xf32>
    %add3A_360 = arith.constant 464 : i32
    %add3A_361 = vector.broadcast %add3A_360 : i32 to vector<16xi32>
    %add3A_362 = arith.addi %iota3A, %add3A_361 : vector<16xi32>
    %select_n3A_363 = arith.select %lt3A_358, %add3A_362, %select_n3A_351 : vector<16xi1>, vector<16xi32>
    %get3A_364 = arith.constant 480 : index
    %get3A_365 = tpu.vector_load %arg5[%get3A_364] {strides = array<i32>} : memref<784xf32, #tpu.memory_space<vmem>>, vector<16xf32>,
    %mul3A_366 = arith.constant 1.790000e+00 : f32
    %mul3A_367 = vector.broadcast %mul3A_366 : f32 to vector<16xf32>
    %mul3A_368 = arith.mulf %get3A_365, %mul3A_367 : vector<16xf32>
    %exp3A_369 = math.exp %mul3A_368 : vector<16xf32>
    %lt3A_370 = arith.cmpf olt, %exp3A_369, %select_n3A_359 : vector<16xf32>
    %select_n3A_371 = arith.select %lt3A_370, %exp3A_369, %select_n3A_359 : vector<16xi1>, vector<16xf32>
    %add3A_372 = arith.constant 480 : i32
    %add3A_373 = vector.broadcast %add3A_372 : i32 to vector<16xi32>
    %add3A_374 = arith.addi %iota3A, %add3A_373 : vector<16xi32>
    %select_n3A_375 = arith.select %lt3A_370, %add3A_374, %select_n3A_363 : vector<16xi1>, vector<16xi32>
    %get3A_376 = arith.constant 496 : index
    %get3A_377 = tpu.vector_load %arg5[%get3A_376] {strides = array<i32>} : memref<784xf32, #tpu.memory_space<vmem>>, vector<16xf32>,
    %mul3A_378 = arith.constant 1.790000e+00 : f32
    %mul3A_379 = vector.broadcast %mul3A_378 : f32 to vector<16xf32>
    %mul3A_380 = arith.mulf %get3A_377, %mul3A_379 : vector<16xf32>
    %exp3A_381 = math.exp %mul3A_380 : vector<16xf32>
    %lt3A_382 = arith.cmpf olt, %exp3A_381, %select_n3A_371 : vector<16xf32>
    %select_n3A_383 = arith.select %lt3A_382, %exp3A_381, %select_n3A_371 : vector<16xi1>, vector<16xf32>
    %add3A_384 = arith.constant 496 : i32
    %add3A_385 = vector.broadcast %add3A_384 : i32 to vector<16xi32>
    %add3A_386 = arith.addi %iota3A, %add3A_385 : vector<16xi32>
    %select_n3A_387 = arith.select %lt3A_382, %add3A_386, %select_n3A_375 : vector<16xi1>, vector<16xi32>
    %get3A_388 = arith.constant 512 : index
    %get3A_389 = tpu.vector_load %arg5[%get3A_388] {strides = array<i32>} : memref<784xf32, #tpu.memory_space<vmem>>, vector<16xf32>,
    %mul3A_390 = arith.constant 1.790000e+00 : f32
    %mul3A_391 = vector.broadcast %mul3A_390 : f32 to vector<16xf32>
    %mul3A_392 = arith.mulf %get3A_389, %mul3A_391 : vector<16xf32>
    %exp3A_393 = math.exp %mul3A_392 : vector<16xf32>
    %lt3A_394 = arith.cmpf olt, %exp3A_393, %select_n3A_383 : vector<16xf32>
    %select_n3A_395 = arith.select %lt3A_394, %exp3A_393, %select_n3A_383 : vector<16xi1>, vector<16xf32>
    %add3A_396 = arith.constant 512 : i32
    %add3A_397 = vector.broadcast %add3A_396 : i32 to vector<16xi32>
    %add3A_398 = arith.addi %iota3A, %add3A_397 : vector<16xi32>
    %select_n3A_399 = arith.select %lt3A_394, %add3A_398, %select_n3A_387 : vector<16xi1>, vector<16xi32>
    %get3A_400 = arith.constant 528 : index
    %get3A_401 = tpu.vector_load %arg5[%get3A_400] {strides = array<i32>} : memref<784xf32, #tpu.memory_space<vmem>>, vector<16xf32>,
    %mul3A_402 = arith.constant 1.790000e+00 : f32
    %mul3A_403 = vector.broadcast %mul3A_402 : f32 to vector<16xf32>
    %mul3A_404 = arith.mulf %get3A_401, %mul3A_403 : vector<16xf32>
    %exp3A_405 = math.exp %mul3A_404 : vector<16xf32>
    %lt3A_406 = arith.cmpf olt, %exp3A_405, %select_n3A_395 : vector<16xf32>
    %select_n3A_407 = arith.select %lt3A_406, %exp3A_405, %select_n3A_395 : vector<16xi1>, vector<16xf32>
    %add3A_408 = arith.constant 528 : i32
    %add3A_409 = vector.broadcast %add3A_408 : i32 to vector<16xi32>
    %add3A_410 = arith.addi %iota3A, %add3A_409 : vector<16xi32>
    %select_n3A_411 = arith.select %lt3A_406, %add3A_410, %select_n3A_399 : vector<16xi1>, vector<16xi32>
    %get3A_412 = arith.constant 544 : index
    %get3A_413 = tpu.vector_load %arg5[%get3A_412] {strides = array<i32>} : memref<784xf32, #tpu.memory_space<vmem>>, vector<16xf32>,
    %mul3A_414 = arith.constant 1.790000e+00 : f32
    %mul3A_415 = vector.broadcast %mul3A_414 : f32 to vector<16xf32>
    %mul3A_416 = arith.mulf %get3A_413, %mul3A_415 : vector<16xf32>
    %exp3A_417 = math.exp %mul3A_416 : vector<16xf32>
    %lt3A_418 = arith.cmpf olt, %exp3A_417, %select_n3A_407 : vector<16xf32>
    %select_n3A_419 = arith.select %lt3A_418, %exp3A_417, %select_n3A_407 : vector<16xi1>, vector<16xf32>
    %add3A_420 = arith.constant 544 : i32
    %add3A_421 = vector.broadcast %add3A_420 : i32 to vector<16xi32>
    %add3A_422 = arith.addi %iota3A, %add3A_421 : vector<16xi32>
    %select_n3A_423 = arith.select %lt3A_418, %add3A_422, %select_n3A_411 : vector<16xi1>, vector<16xi32>
    %get3A_424 = arith.constant 560 : index
    %get3A_425 = tpu.vector_load %arg5[%get3A_424] {strides = array<i32>} : memref<784xf32, #tpu.memory_space<vmem>>, vector<16xf32>,
    %mul3A_426 = arith.constant 1.790000e+00 : f32
    %mul3A_427 = vector.broadcast %mul3A_426 : f32 to vector<16xf32>
    %mul3A_428 = arith.mulf %get3A_425, %mul3A_427 : vector<16xf32>
    %exp3A_429 = math.exp %mul3A_428 : vector<16xf32>
    %lt3A_430 = arith.cmpf olt, %exp3A_429, %select_n3A_419 : vector<16xf32>
    %select_n3A_431 = arith.select %lt3A_430, %exp3A_429, %select_n3A_419 : vector<16xi1>, vector<16xf32>
    %add3A_432 = arith.constant 560 : i32
    %add3A_433 = vector.broadcast %add3A_432 : i32 to vector<16xi32>
    %add3A_434 = arith.addi %iota3A, %add3A_433 : vector<16xi32>
    %select_n3A_435 = arith.select %lt3A_430, %add3A_434, %select_n3A_423 : vector<16xi1>, vector<16xi32>
    %get3A_436 = arith.constant 576 : index
    %get3A_437 = tpu.vector_load %arg5[%get3A_436] {strides = array<i32>} : memref<784xf32, #tpu.memory_space<vmem>>, vector<16xf32>,
    %mul3A_438 = arith.constant 1.790000e+00 : f32
    %mul3A_439 = vector.broadcast %mul3A_438 : f32 to vector<16xf32>
    %mul3A_440 = arith.mulf %get3A_437, %mul3A_439 : vector<16xf32>
    %exp3A_441 = math.exp %mul3A_440 : vector<16xf32>
    %lt3A_442 = arith.cmpf olt, %exp3A_441, %select_n3A_431 : vector<16xf32>
    %select_n3A_443 = arith.select %lt3A_442, %exp3A_441, %select_n3A_431 : vector<16xi1>, vector<16xf32>
    %add3A_444 = arith.constant 576 : i32
    %add3A_445 = vector.broadcast %add3A_444 : i32 to vector<16xi32>
    %add3A_446 = arith.addi %iota3A, %add3A_445 : vector<16xi32>
    %select_n3A_447 = arith.select %lt3A_442, %add3A_446, %select_n3A_435 : vector<16xi1>, vector<16xi32>
    %get3A_448 = arith.constant 592 : index
    %get3A_449 = tpu.vector_load %arg5[%get3A_448] {strides = array<i32>} : memref<784xf32, #tpu.memory_space<vmem>>, vector<16xf32>,
    %mul3A_450 = arith.constant 1.790000e+00 : f32
    %mul3A_451 = vector.broadcast %mul3A_450 : f32 to vector<16xf32>
    %mul3A_452 = arith.mulf %get3A_449, %mul3A_451 : vector<16xf32>
    %exp3A_453 = math.exp %mul3A_452 : vector<16xf32>
    %lt3A_454 = arith.cmpf olt, %exp3A_453, %select_n3A_443 : vector<16xf32>
    %select_n3A_455 = arith.select %lt3A_454, %exp3A_453, %select_n3A_443 : vector<16xi1>, vector<16xf32>
    %add3A_456 = arith.constant 592 : i32
    %add3A_457 = vector.broadcast %add3A_456 : i32 to vector<16xi32>
    %add3A_458 = arith.addi %iota3A, %add3A_457 : vector<16xi32>
    %select_n3A_459 = arith.select %lt3A_454, %add3A_458, %select_n3A_447 : vector<16xi1>, vector<16xi32>
    %get3A_460 = arith.constant 608 : index
    %get3A_461 = tpu.vector_load %arg5[%get3A_460] {strides = array<i32>} : memref<784xf32, #tpu.memory_space<vmem>>, vector<16xf32>,
    %mul3A_462 = arith.constant 1.790000e+00 : f32
    %mul3A_463 = vector.broadcast %mul3A_462 : f32 to vector<16xf32>
    %mul3A_464 = arith.mulf %get3A_461, %mul3A_463 : vector<16xf32>
    %exp3A_465 = math.exp %mul3A_464 : vector<16xf32>
    %lt3A_466 = arith.cmpf olt, %exp3A_465, %select_n3A_455 : vector<16xf32>
    %select_n3A_467 = arith.select %lt3A_466, %exp3A_465, %select_n3A_455 : vector<16xi1>, vector<16xf32>
    %add3A_468 = arith.constant 608 : i32
    %add3A_469 = vector.broadcast %add3A_468 : i32 to vector<16xi32>
    %add3A_470 = arith.addi %iota3A, %add3A_469 : vector<16xi32>
    %select_n3A_471 = arith.select %lt3A_466, %add3A_470, %select_n3A_459 : vector<16xi1>, vector<16xi32>
    %get3A_472 = arith.constant 624 : index
    %get3A_473 = tpu.vector_load %arg5[%get3A_472] {strides = array<i32>} : memref<784xf32, #tpu.memory_space<vmem>>, vector<16xf32>,
    %mul3A_474 = arith.constant 1.790000e+00 : f32
    %mul3A_475 = vector.broadcast %mul3A_474 : f32 to vector<16xf32>
    %mul3A_476 = arith.mulf %get3A_473, %mul3A_475 : vector<16xf32>
    %exp3A_477 = math.exp %mul3A_476 : vector<16xf32>
    %lt3A_478 = arith.cmpf olt, %exp3A_477, %select_n3A_467 : vector<16xf32>
    %select_n3A_479 = arith.select %lt3A_478, %exp3A_477, %select_n3A_467 : vector<16xi1>, vector<16xf32>
    %add3A_480 = arith.constant 624 : i32
    %add3A_481 = vector.broadcast %add3A_480 : i32 to vector<16xi32>
    %add3A_482 = arith.addi %iota3A, %add3A_481 : vector<16xi32>
    %select_n3A_483 = arith.select %lt3A_478, %add3A_482, %select_n3A_471 : vector<16xi1>, vector<16xi32>
    %get3A_484 = arith.constant 640 : index
    %get3A_485 = tpu.vector_load %arg5[%get3A_484] {strides = array<i32>} : memref<784xf32, #tpu.memory_space<vmem>>, vector<16xf32>,
    %mul3A_486 = arith.constant 1.790000e+00 : f32
    %mul3A_487 = vector.broadcast %mul3A_486 : f32 to vector<16xf32>
    %mul3A_488 = arith.mulf %get3A_485, %mul3A_487 : vector<16xf32>
    %exp3A_489 = math.exp %mul3A_488 : vector<16xf32>
    %lt3A_490 = arith.cmpf olt, %exp3A_489, %select_n3A_479 : vector<16xf32>
    %select_n3A_491 = arith.select %lt3A_490, %exp3A_489, %select_n3A_479 : vector<16xi1>, vector<16xf32>
    %add3A_492 = arith.constant 640 : i32
    %add3A_493 = vector.broadcast %add3A_492 : i32 to vector<16xi32>
    %add3A_494 = arith.addi %iota3A, %add3A_493 : vector<16xi32>
    %select_n3A_495 = arith.select %lt3A_490, %add3A_494, %select_n3A_483 : vector<16xi1>, vector<16xi32>
    %get3A_496 = arith.constant 656 : index
    %get3A_497 = tpu.vector_load %arg5[%get3A_496] {strides = array<i32>} : memref<784xf32, #tpu.memory_space<vmem>>, vector<16xf32>,
    %mul3A_498 = arith.constant 1.790000e+00 : f32
    %mul3A_499 = vector.broadcast %mul3A_498 : f32 to vector<16xf32>
    %mul3A_500 = arith.mulf %get3A_497, %mul3A_499 : vector<16xf32>
    %exp3A_501 = math.exp %mul3A_500 : vector<16xf32>
    %lt3A_502 = arith.cmpf olt, %exp3A_501, %select_n3A_491 : vector<16xf32>
    %select_n3A_503 = arith.select %lt3A_502, %exp3A_501, %select_n3A_491 : vector<16xi1>, vector<16xf32>
    %add3A_504 = arith.constant 656 : i32
    %add3A_505 = vector.broadcast %add3A_504 : i32 to vector<16xi32>
    %add3A_506 = arith.addi %iota3A, %add3A_505 : vector<16xi32>
    %select_n3A_507 = arith.select %lt3A_502, %add3A_506, %select_n3A_495 : vector<16xi1>, vector<16xi32>
    %get3A_508 = arith.constant 672 : index
    %get3A_509 = tpu.vector_load %arg5[%get3A_508] {strides = array<i32>} : memref<784xf32, #tpu.memory_space<vmem>>, vector<16xf32>,
    %mul3A_510 = arith.constant 1.790000e+00 : f32
    %mul3A_511 = vector.broadcast %mul3A_510 : f32 to vector<16xf32>
    %mul3A_512 = arith.mulf %get3A_509, %mul3A_511 : vector<16xf32>
    %exp3A_513 = math.exp %mul3A_512 : vector<16xf32>
    %lt3A_514 = arith.cmpf olt, %exp3A_513, %select_n3A_503 : vector<16xf32>
    %select_n3A_515 = arith.select %lt3A_514, %exp3A_513, %select_n3A_503 : vector<16xi1>, vector<16xf32>
    %add3A_516 = arith.constant 672 : i32
    %add3A_517 = vector.broadcast %add3A_516 : i32 to vector<16xi32>
    %add3A_518 = arith.addi %iota3A, %add3A_517 : vector<16xi32>
    %select_n3A_519 = arith.select %lt3A_514, %add3A_518, %select_n3A_507 : vector<16xi1>, vector<16xi32>
    %get3A_520 = arith.constant 688 : index
    %get3A_521 = tpu.vector_load %arg5[%get3A_520] {strides = array<i32>} : memref<784xf32, #tpu.memory_space<vmem>>, vector<16xf32>,
    %mul3A_522 = arith.constant 1.790000e+00 : f32
    %mul3A_523 = vector.broadcast %mul3A_522 : f32 to vector<16xf32>
    %mul3A_524 = arith.mulf %get3A_521, %mul3A_523 : vector<16xf32>
    %exp3A_525 = math.exp %mul3A_524 : vector<16xf32>
    %lt3A_526 = arith.cmpf olt, %exp3A_525, %select_n3A_515 : vector<16xf32>
    %select_n3A_527 = arith.select %lt3A_526, %exp3A_525, %select_n3A_515 : vector<16xi1>, vector<16xf32>
    %add3A_528 = arith.constant 688 : i32
    %add3A_529 = vector.broadcast %add3A_528 : i32 to vector<16xi32>
    %add3A_530 = arith.addi %iota3A, %add3A_529 : vector<16xi32>
    %select_n3A_531 = arith.select %lt3A_526, %add3A_530, %select_n3A_519 : vector<16xi1>, vector<16xi32>
    %get3A_532 = arith.constant 704 : index
    %get3A_533 = tpu.vector_load %arg5[%get3A_532] {strides = array<i32>} : memref<784xf32, #tpu.memory_space<vmem>>, vector<16xf32>,
    %mul3A_534 = arith.constant 1.790000e+00 : f32
    %mul3A_535 = vector.broadcast %mul3A_534 : f32 to vector<16xf32>
    %mul3A_536 = arith.mulf %get3A_533, %mul3A_535 : vector<16xf32>
    %exp3A_537 = math.exp %mul3A_536 : vector<16xf32>
    %lt3A_538 = arith.cmpf olt, %exp3A_537, %select_n3A_527 : vector<16xf32>
    %select_n3A_539 = arith.select %lt3A_538, %exp3A_537, %select_n3A_527 : vector<16xi1>, vector<16xf32>
    %add3A_540 = arith.constant 704 : i32
    %add3A_541 = vector.broadcast %add3A_540 : i32 to vector<16xi32>
    %add3A_542 = arith.addi %iota3A, %add3A_541 : vector<16xi32>
    %select_n3A_543 = arith.select %lt3A_538, %add3A_542, %select_n3A_531 : vector<16xi1>, vector<16xi32>
    %get3A_544 = arith.constant 720 : index
    %get3A_545 = tpu.vector_load %arg5[%get3A_544] {strides = array<i32>} : memref<784xf32, #tpu.memory_space<vmem>>, vector<16xf32>,
    %mul3A_546 = arith.constant 1.790000e+00 : f32
    %mul3A_547 = vector.broadcast %mul3A_546 : f32 to vector<16xf32>
    %mul3A_548 = arith.mulf %get3A_545, %mul3A_547 : vector<16xf32>
    %exp3A_549 = math.exp %mul3A_548 : vector<16xf32>
    %lt3A_550 = arith.cmpf olt, %exp3A_549, %select_n3A_539 : vector<16xf32>
    %select_n3A_551 = arith.select %lt3A_550, %exp3A_549, %select_n3A_539 : vector<16xi1>, vector<16xf32>
    %add3A_552 = arith.constant 720 : i32
    %add3A_553 = vector.broadcast %add3A_552 : i32 to vector<16xi32>
    %add3A_554 = arith.addi %iota3A, %add3A_553 : vector<16xi32>
    %select_n3A_555 = arith.select %lt3A_550, %add3A_554, %select_n3A_543 : vector<16xi1>, vector<16xi32>
    %get3A_556 = arith.constant 736 : index
    %get3A_557 = tpu.vector_load %arg5[%get3A_556] {strides = array<i32>} : memref<784xf32, #tpu.memory_space<vmem>>, vector<16xf32>,
    %mul3A_558 = arith.constant 1.790000e+00 : f32
    %mul3A_559 = vector.broadcast %mul3A_558 : f32 to vector<16xf32>
    %mul3A_560 = arith.mulf %get3A_557, %mul3A_559 : vector<16xf32>
    %exp3A_561 = math.exp %mul3A_560 : vector<16xf32>
    %lt3A_562 = arith.cmpf olt, %exp3A_561, %select_n3A_551 : vector<16xf32>
    %select_n3A_563 = arith.select %lt3A_562, %exp3A_561, %select_n3A_551 : vector<16xi1>, vector<16xf32>
    %add3A_564 = arith.constant 736 : i32
    %add3A_565 = vector.broadcast %add3A_564 : i32 to vector<16xi32>
    %add3A_566 = arith.addi %iota3A, %add3A_565 : vector<16xi32>
    %select_n3A_567 = arith.select %lt3A_562, %add3A_566, %select_n3A_555 : vector<16xi1>, vector<16xi32>
    %get3A_568 = arith.constant 752 : index
    %get3A_569 = tpu.vector_load %arg5[%get3A_568] {strides = array<i32>} : memref<784xf32, #tpu.memory_space<vmem>>, vector<16xf32>,
    %mul3A_570 = arith.constant 1.790000e+00 : f32
    %mul3A_571 = vector.broadcast %mul3A_570 : f32 to vector<16xf32>
    %mul3A_572 = arith.mulf %get3A_569, %mul3A_571 : vector<16xf32>
    %exp3A_573 = math.exp %mul3A_572 : vector<16xf32>
    %lt3A_574 = arith.cmpf olt, %exp3A_573, %select_n3A_563 : vector<16xf32>
    %select_n3A_575 = arith.select %lt3A_574, %exp3A_573, %select_n3A_563 : vector<16xi1>, vector<16xf32>
    %add3A_576 = arith.constant 752 : i32
    %add3A_577 = vector.broadcast %add3A_576 : i32 to vector<16xi32>
    %add3A_578 = arith.addi %iota3A, %add3A_577 : vector<16xi32>
    %select_n3A_579 = arith.select %lt3A_574, %add3A_578, %select_n3A_567 : vector<16xi1>, vector<16xi32>
    %get3A_580 = arith.constant 768 : index
    %get3A_581 = tpu.vector_load %arg5[%get3A_580] {strides = array<i32>} : memref<784xf32, #tpu.memory_space<vmem>>, vector<16xf32>,
    %mul3A_582 = arith.constant 1.790000e+00 : f32
    %mul3A_583 = vector.broadcast %mul3A_582 : f32 to vector<16xf32>
    %mul3A_584 = arith.mulf %get3A_581, %mul3A_583 : vector<16xf32>
    %exp3A_585 = math.exp %mul3A_584 : vector<16xf32>
    %lt3A_586 = arith.cmpf olt, %exp3A_585, %select_n3A_575 : vector<16xf32>
    %select_n3A_587 = arith.select %lt3A_586, %exp3A_585, %select_n3A_575 : vector<16xi1>, vector<16xf32>
    %add3A_588 = arith.constant 768 : i32
    %add3A_589 = vector.broadcast %add3A_588 : i32 to vector<16xi32>
    %add3A_590 = arith.addi %iota3A, %add3A_589 : vector<16xi32>
    %select_n3A_591 = arith.select %lt3A_586, %add3A_590, %select_n3A_579 : vector<16xi1>, vector<16xi32>
    %neg3A = arith.constant 0.000000e+00 : f32
    %neg3A_592 = vector.broadcast %neg3A : f32 to vector<16xf32>
    %neg3A_593 = arith.subf %neg3A_592, %select_n3A_587 : vector<16xf32>
    %broadcast_in_dim3A_594 = arith.constant true
    %broadcast_in_dim3A_595 = vector.broadcast %broadcast_in_dim3A_594 : i1 to vector<16xi1>
    %masked_cummax3A = tpu.scan <max>, %neg3A_593 masked %broadcast_in_dim3A_595 : vector<16xf32>, vector<16xi1> -> vector<16xf32>
    %rev3A = arith.constant 15 : i32
    %rev3A_596 = vector.broadcast %rev3A : i32 to vector<16xi32>
    %rev3A_597 = tpu.iota {dimensions = array<i32: 0>} : vector<16xi32>
    %rev3A_598 = arith.subi %rev3A_596, %rev3A_597 : vector<16xi32>
    %rev3A_599 = tpu.dynamic_gather %masked_cummax3A[%rev3A_598] in [0] : vector<16xf32>, vector<16xi32> -> vector<16xf32>
    %broadcast_in_dim3A_600 = arith.constant true
    %broadcast_in_dim3A_601 = vector.broadcast %broadcast_in_dim3A_600 : i1 to vector<16xi1>
    %masked_cummax3A_602 = tpu.scan <max>, %rev3A_599 masked %broadcast_in_dim3A_601 : vector<16xf32>, vector<16xi1> -> vector<16xf32>
    %neg3A_603 = arith.constant 0.000000e+00 : f32
    %neg3A_604 = vector.broadcast %neg3A_603 : f32 to vector<16xf32>
    %neg3A_605 = arith.subf %neg3A_604, %masked_cummax3A_602 : vector<16xf32>
    %eq3A = arith.cmpf oeq, %select_n3A_587, %neg3A_605 : vector<16xf32>
    %jit3A = arith.constant 627200 : i32
    %broadcast_in_dim3A_606 = vector.broadcast %jit3A : i32 to vector<16xi32>
    %select_n3A_607 = arith.select %eq3A, %select_n3A_591, %broadcast_in_dim3A_606 : vector<16xi1>, vector<16xi32>
    %neg3A_608 = arith.constant 0 : i32
    %neg3A_609 = vector.broadcast %neg3A_608 : i32 to vector<16xi32>
    %neg3A_610 = arith.subi %neg3A_609, %select_n3A_607 : vector<16xi32>
    %broadcast_in_dim3A_611 = arith.constant true
    %broadcast_in_dim3A_612 = vector.broadcast %broadcast_in_dim3A_611 : i1 to vector<16xi1>
    %masked_cummax3A_613 = arith.constant -2147483648 : i32
    %masked_cummax3A_614 = vector.broadcast %masked_cummax3A_613 : i32 to vector<16xi32>
    %masked_cummax3A_615 = arith.xori %neg3A_610, %masked_cummax3A_614 : vector<16xi32>
    %masked_cummax3A_616 = tpu.scan <max>, %masked_cummax3A_615 masked %broadcast_in_dim3A_612 : vector<16xi32>, vector<16xi1> -> vector<16xi32>
    %masked_cummax3A_617 = arith.xori %masked_cummax3A_616, %masked_cummax3A_614 : vector<16xi32>
    %rev3A_618 = arith.constant 15 : i32
    %rev3A_619 = vector.broadcast %rev3A_618 : i32 to vector<16xi32>
    %rev3A_620 = tpu.iota {dimensions = array<i32: 0>} : vector<16xi32>
    %rev3A_621 = arith.subi %rev3A_619, %rev3A_620 : vector<16xi32>
    %rev3A_622 = tpu.dynamic_gather %masked_cummax3A_617[%rev3A_621] in [0] : vector<16xi32>, vector<16xi32> -> vector<16xi32>
    %broadcast_in_dim3A_623 = arith.constant true
    %broadcast_in_dim3A_624 = vector.broadcast %broadcast_in_dim3A_623 : i1 to vector<16xi1>
    %masked_cummax3A_625 = arith.constant -2147483648 : i32
    %masked_cummax3A_626 = vector.broadcast %masked_cummax3A_625 : i32 to vector<16xi32>
    %masked_cummax3A_627 = arith.xori %rev3A_622, %masked_cummax3A_626 : vector<16xi32>
    %masked_cummax3A_628 = tpu.scan <max>, %masked_cummax3A_627 masked %broadcast_in_dim3A_624 : vector<16xi32>, vector<16xi1> -> vector<16xi32>
    %masked_cummax3A_629 = arith.xori %masked_cummax3A_628, %masked_cummax3A_626 : vector<16xi32>
    %neg3A_630 = arith.constant 0 : i32
    %neg3A_631 = vector.broadcast %neg3A_630 : i32 to vector<16xi32>
    %neg3A_632 = arith.subi %neg3A_631, %masked_cummax3A_629 : vector<16xi32>
    %add3A_633 = arith.constant 0 : i32
    %add3A_634 = vector.broadcast %add3A_633 : i32 to vector<16xi32>
    %add3A_635 = arith.addi %iota3A, %add3A_634 : vector<16xi32>
    %mul3A_636 = arith.constant 784 : i32
    %mul3A_637 = vector.broadcast %mul3A_636 : i32 to vector<16xi32>
    %mul3A_638 = arith.muli %add3A_635, %mul3A_637 : vector<16xi32>
    %add3A_639 = arith.addi %mul3A_638, %neg3A_632 : vector<16xi32>
    %swap3A = arith.constant 0 : index
    %swap3A_640 = tpu.vector_load %arg6[%swap3A] {strides = array<i32>} : memref<400xi32, #tpu.memory_space<vmem>>, vector<16xi32>,
    tpu.vector_store %arg6[%swap3A], %add3A_639 {strides = array<i32>} : memref<400xi32, #tpu.memory_space<vmem>>, vector<16xi32>,
    %add3A_641 = arith.constant 16 : i32
    %add3A_642 = vector.broadcast %add3A_641 : i32 to vector<16xi32>
    %add3A_643 = arith.addi %iota3A, %add3A_642 : vector<16xi32>
    %mul3A_644 = arith.constant 784 : i32
    %mul3A_645 = vector.broadcast %mul3A_644 : i32 to vector<16xi32>
    %mul3A_646 = arith.muli %add3A_643, %mul3A_645 : vector<16xi32>
    %add3A_647 = arith.addi %mul3A_646, %neg3A_632 : vector<16xi32>
    %swap3A_648 = arith.constant 16 : index
    %swap3A_649 = tpu.vector_load %arg6[%swap3A_648] {strides = array<i32>} : memref<400xi32, #tpu.memory_space<vmem>>, vector<16xi32>,
    tpu.vector_store %arg6[%swap3A_648], %add3A_647 {strides = array<i32>} : memref<400xi32, #tpu.memory_space<vmem>>, vector<16xi32>,
    %add3A_650 = arith.constant 32 : i32
    %add3A_651 = vector.broadcast %add3A_650 : i32 to vector<16xi32>
    %add3A_652 = arith.addi %iota3A, %add3A_651 : vector<16xi32>
    %mul3A_653 = arith.constant 784 : i32
    %mul3A_654 = vector.broadcast %mul3A_653 : i32 to vector<16xi32>
    %mul3A_655 = arith.muli %add3A_652, %mul3A_654 : vector<16xi32>
    %add3A_656 = arith.addi %mul3A_655, %neg3A_632 : vector<16xi32>
    %swap3A_657 = arith.constant 32 : index
    %swap3A_658 = tpu.vector_load %arg6[%swap3A_657] {strides = array<i32>} : memref<400xi32, #tpu.memory_space<vmem>>, vector<16xi32>,
    tpu.vector_store %arg6[%swap3A_657], %add3A_656 {strides = array<i32>} : memref<400xi32, #tpu.memory_space<vmem>>, vector<16xi32>,
    %add3A_659 = arith.constant 48 : i32
    %add3A_660 = vector.broadcast %add3A_659 : i32 to vector<16xi32>
    %add3A_661 = arith.addi %iota3A, %add3A_660 : vector<16xi32>
    %mul3A_662 = arith.constant 784 : i32
    %mul3A_663 = vector.broadcast %mul3A_662 : i32 to vector<16xi32>
    %mul3A_664 = arith.muli %add3A_661, %mul3A_663 : vector<16xi32>
    %add3A_665 = arith.addi %mul3A_664, %neg3A_632 : vector<16xi32>
    %swap3A_666 = arith.constant 48 : index
    %swap3A_667 = tpu.vector_load %arg6[%swap3A_666] {strides = array<i32>} : memref<400xi32, #tpu.memory_space<vmem>>, vector<16xi32>,
    tpu.vector_store %arg6[%swap3A_666], %add3A_665 {strides = array<i32>} : memref<400xi32, #tpu.memory_space<vmem>>, vector<16xi32>,
    %add3A_668 = arith.constant 64 : i32
    %add3A_669 = vector.broadcast %add3A_668 : i32 to vector<16xi32>
    %add3A_670 = arith.addi %iota3A, %add3A_669 : vector<16xi32>
    %mul3A_671 = arith.constant 784 : i32
    %mul3A_672 = vector.broadcast %mul3A_671 : i32 to vector<16xi32>
    %mul3A_673 = arith.muli %add3A_670, %mul3A_672 : vector<16xi32>
    %add3A_674 = arith.addi %mul3A_673, %neg3A_632 : vector<16xi32>
    %swap3A_675 = arith.constant 64 : index
    %swap3A_676 = tpu.vector_load %arg6[%swap3A_675] {strides = array<i32>} : memref<400xi32, #tpu.memory_space<vmem>>, vector<16xi32>,
    tpu.vector_store %arg6[%swap3A_675], %add3A_674 {strides = array<i32>} : memref<400xi32, #tpu.memory_space<vmem>>, vector<16xi32>,
    %add3A_677 = arith.constant 80 : i32
    %add3A_678 = vector.broadcast %add3A_677 : i32 to vector<16xi32>
    %add3A_679 = arith.addi %iota3A, %add3A_678 : vector<16xi32>
    %mul3A_680 = arith.constant 784 : i32
    %mul3A_681 = vector.broadcast %mul3A_680 : i32 to vector<16xi32>
    %mul3A_682 = arith.muli %add3A_679, %mul3A_681 : vector<16xi32>
    %add3A_683 = arith.addi %mul3A_682, %neg3A_632 : vector<16xi32>
    %swap3A_684 = arith.constant 80 : index
    %swap3A_685 = tpu.vector_load %arg6[%swap3A_684] {strides = array<i32>} : memref<400xi32, #tpu.memory_space<vmem>>, vector<16xi32>,
    tpu.vector_store %arg6[%swap3A_684], %add3A_683 {strides = array<i32>} : memref<400xi32, #tpu.memory_space<vmem>>, vector<16xi32>,
    %add3A_686 = arith.constant 96 : i32
    %add3A_687 = vector.broadcast %add3A_686 : i32 to vector<16xi32>
    %add3A_688 = arith.addi %iota3A, %add3A_687 : vector<16xi32>
    %mul3A_689 = arith.constant 784 : i32
    %mul3A_690 = vector.broadcast %mul3A_689 : i32 to vector<16xi32>
    %mul3A_691 = arith.muli %add3A_688, %mul3A_690 : vector<16xi32>
    %add3A_692 = arith.addi %mul3A_691, %neg3A_632 : vector<16xi32>
    %swap3A_693 = arith.constant 96 : index
    %swap3A_694 = tpu.vector_load %arg6[%swap3A_693] {strides = array<i32>} : memref<400xi32, #tpu.memory_space<vmem>>, vector<16xi32>,
    tpu.vector_store %arg6[%swap3A_693], %add3A_692 {strides = array<i32>} : memref<400xi32, #tpu.memory_space<vmem>>, vector<16xi32>,
    %add3A_695 = arith.constant 112 : i32
    %add3A_696 = vector.broadcast %add3A_695 : i32 to vector<16xi32>
    %add3A_697 = arith.addi %iota3A, %add3A_696 : vector<16xi32>
    %mul3A_698 = arith.constant 784 : i32
    %mul3A_699 = vector.broadcast %mul3A_698 : i32 to vector<16xi32>
    %mul3A_700 = arith.muli %add3A_697, %mul3A_699 : vector<16xi32>
    %add3A_701 = arith.addi %mul3A_700, %neg3A_632 : vector<16xi32>
    %swap3A_702 = arith.constant 112 : index
    %swap3A_703 = tpu.vector_load %arg6[%swap3A_702] {strides = array<i32>} : memref<400xi32, #tpu.memory_space<vmem>>, vector<16xi32>,
    tpu.vector_store %arg6[%swap3A_702], %add3A_701 {strides = array<i32>} : memref<400xi32, #tpu.memory_space<vmem>>, vector<16xi32>,
    %add3A_704 = arith.constant 128 : i32
    %add3A_705 = vector.broadcast %add3A_704 : i32 to vector<16xi32>
    %add3A_706 = arith.addi %iota3A, %add3A_705 : vector<16xi32>
    %mul3A_707 = arith.constant 784 : i32
    %mul3A_708 = vector.broadcast %mul3A_707 : i32 to vector<16xi32>
    %mul3A_709 = arith.muli %add3A_706, %mul3A_708 : vector<16xi32>
    %add3A_710 = arith.addi %mul3A_709, %neg3A_632 : vector<16xi32>
    %swap3A_711 = arith.constant 128 : index
    %swap3A_712 = tpu.vector_load %arg6[%swap3A_711] {strides = array<i32>} : memref<400xi32, #tpu.memory_space<vmem>>, vector<16xi32>,
    tpu.vector_store %arg6[%swap3A_711], %add3A_710 {strides = array<i32>} : memref<400xi32, #tpu.memory_space<vmem>>, vector<16xi32>,
    %add3A_713 = arith.constant 144 : i32
    %add3A_714 = vector.broadcast %add3A_713 : i32 to vector<16xi32>
    %add3A_715 = arith.addi %iota3A, %add3A_714 : vector<16xi32>
    %mul3A_716 = arith.constant 784 : i32
    %mul3A_717 = vector.broadcast %mul3A_716 : i32 to vector<16xi32>
    %mul3A_718 = arith.muli %add3A_715, %mul3A_717 : vector<16xi32>
    %add3A_719 = arith.addi %mul3A_718, %neg3A_632 : vector<16xi32>
    %swap3A_720 = arith.constant 144 : index
    %swap3A_721 = tpu.vector_load %arg6[%swap3A_720] {strides = array<i32>} : memref<400xi32, #tpu.memory_space<vmem>>, vector<16xi32>,
    tpu.vector_store %arg6[%swap3A_720], %add3A_719 {strides = array<i32>} : memref<400xi32, #tpu.memory_space<vmem>>, vector<16xi32>,
    %add3A_722 = arith.constant 160 : i32
    %add3A_723 = vector.broadcast %add3A_722 : i32 to vector<16xi32>
    %add3A_724 = arith.addi %iota3A, %add3A_723 : vector<16xi32>
    %mul3A_725 = arith.constant 784 : i32
    %mul3A_726 = vector.broadcast %mul3A_725 : i32 to vector<16xi32>
    %mul3A_727 = arith.muli %add3A_724, %mul3A_726 : vector<16xi32>
    %add3A_728 = arith.addi %mul3A_727, %neg3A_632 : vector<16xi32>
    %swap3A_729 = arith.constant 160 : index
    %swap3A_730 = tpu.vector_load %arg6[%swap3A_729] {strides = array<i32>} : memref<400xi32, #tpu.memory_space<vmem>>, vector<16xi32>,
    tpu.vector_store %arg6[%swap3A_729], %add3A_728 {strides = array<i32>} : memref<400xi32, #tpu.memory_space<vmem>>, vector<16xi32>,
    %add3A_731 = arith.constant 176 : i32
    %add3A_732 = vector.broadcast %add3A_731 : i32 to vector<16xi32>
    %add3A_733 = arith.addi %iota3A, %add3A_732 : vector<16xi32>
    %mul3A_734 = arith.constant 784 : i32
    %mul3A_735 = vector.broadcast %mul3A_734 : i32 to vector<16xi32>
    %mul3A_736 = arith.muli %add3A_733, %mul3A_735 : vector<16xi32>
    %add3A_737 = arith.addi %mul3A_736, %neg3A_632 : vector<16xi32>
    %swap3A_738 = arith.constant 176 : index
    %swap3A_739 = tpu.vector_load %arg6[%swap3A_738] {strides = array<i32>} : memref<400xi32, #tpu.memory_space<vmem>>, vector<16xi32>,
    tpu.vector_store %arg6[%swap3A_738], %add3A_737 {strides = array<i32>} : memref<400xi32, #tpu.memory_space<vmem>>, vector<16xi32>,
    %add3A_740 = arith.constant 192 : i32
    %add3A_741 = vector.broadcast %add3A_740 : i32 to vector<16xi32>
    %add3A_742 = arith.addi %iota3A, %add3A_741 : vector<16xi32>
    %mul3A_743 = arith.constant 784 : i32
    %mul3A_744 = vector.broadcast %mul3A_743 : i32 to vector<16xi32>
    %mul3A_745 = arith.muli %add3A_742, %mul3A_744 : vector<16xi32>
    %add3A_746 = arith.addi %mul3A_745, %neg3A_632 : vector<16xi32>
    %swap3A_747 = arith.constant 192 : index
    %swap3A_748 = tpu.vector_load %arg6[%swap3A_747] {strides = array<i32>} : memref<400xi32, #tpu.memory_space<vmem>>, vector<16xi32>,
    tpu.vector_store %arg6[%swap3A_747], %add3A_746 {strides = array<i32>} : memref<400xi32, #tpu.memory_space<vmem>>, vector<16xi32>,
    %add3A_749 = arith.constant 208 : i32
    %add3A_750 = vector.broadcast %add3A_749 : i32 to vector<16xi32>
    %add3A_751 = arith.addi %iota3A, %add3A_750 : vector<16xi32>
    %mul3A_752 = arith.constant 784 : i32
    %mul3A_753 = vector.broadcast %mul3A_752 : i32 to vector<16xi32>
    %mul3A_754 = arith.muli %add3A_751, %mul3A_753 : vector<16xi32>
    %add3A_755 = arith.addi %mul3A_754, %neg3A_632 : vector<16xi32>
    %swap3A_756 = arith.constant 208 : index
    %swap3A_757 = tpu.vector_load %arg6[%swap3A_756] {strides = array<i32>} : memref<400xi32, #tpu.memory_space<vmem>>, vector<16xi32>,
    tpu.vector_store %arg6[%swap3A_756], %add3A_755 {strides = array<i32>} : memref<400xi32, #tpu.memory_space<vmem>>, vector<16xi32>,
    %add3A_758 = arith.constant 224 : i32
    %add3A_759 = vector.broadcast %add3A_758 : i32 to vector<16xi32>
    %add3A_760 = arith.addi %iota3A, %add3A_759 : vector<16xi32>
    %mul3A_761 = arith.constant 784 : i32
    %mul3A_762 = vector.broadcast %mul3A_761 : i32 to vector<16xi32>
    %mul3A_763 = arith.muli %add3A_760, %mul3A_762 : vector<16xi32>
    %add3A_764 = arith.addi %mul3A_763, %neg3A_632 : vector<16xi32>
    %swap3A_765 = arith.constant 224 : index
    %swap3A_766 = tpu.vector_load %arg6[%swap3A_765] {strides = array<i32>} : memref<400xi32, #tpu.memory_space<vmem>>, vector<16xi32>,
    tpu.vector_store %arg6[%swap3A_765], %add3A_764 {strides = array<i32>} : memref<400xi32, #tpu.memory_space<vmem>>, vector<16xi32>,
    %add3A_767 = arith.constant 240 : i32
    %add3A_768 = vector.broadcast %add3A_767 : i32 to vector<16xi32>
    %add3A_769 = arith.addi %iota3A, %add3A_768 : vector<16xi32>
    %mul3A_770 = arith.constant 784 : i32
    %mul3A_771 = vector.broadcast %mul3A_770 : i32 to vector<16xi32>
    %mul3A_772 = arith.muli %add3A_769, %mul3A_771 : vector<16xi32>
    %add3A_773 = arith.addi %mul3A_772, %neg3A_632 : vector<16xi32>
    %swap3A_774 = arith.constant 240 : index
    %swap3A_775 = tpu.vector_load %arg6[%swap3A_774] {strides = array<i32>} : memref<400xi32, #tpu.memory_space<vmem>>, vector<16xi32>,
    tpu.vector_store %arg6[%swap3A_774], %add3A_773 {strides = array<i32>} : memref<400xi32, #tpu.memory_space<vmem>>, vector<16xi32>,
    %add3A_776 = arith.constant 256 : i32
    %add3A_777 = vector.broadcast %add3A_776 : i32 to vector<16xi32>
    %add3A_778 = arith.addi %iota3A, %add3A_777 : vector<16xi32>
    %mul3A_779 = arith.constant 784 : i32
    %mul3A_780 = vector.broadcast %mul3A_779 : i32 to vector<16xi32>
    %mul3A_781 = arith.muli %add3A_778, %mul3A_780 : vector<16xi32>
    %add3A_782 = arith.addi %mul3A_781, %neg3A_632 : vector<16xi32>
    %swap3A_783 = arith.constant 256 : index
    %swap3A_784 = tpu.vector_load %arg6[%swap3A_783] {strides = array<i32>} : memref<400xi32, #tpu.memory_space<vmem>>, vector<16xi32>,
    tpu.vector_store %arg6[%swap3A_783], %add3A_782 {strides = array<i32>} : memref<400xi32, #tpu.memory_space<vmem>>, vector<16xi32>,
    %add3A_785 = arith.constant 272 : i32
    %add3A_786 = vector.broadcast %add3A_785 : i32 to vector<16xi32>
    %add3A_787 = arith.addi %iota3A, %add3A_786 : vector<16xi32>
    %mul3A_788 = arith.constant 784 : i32
    %mul3A_789 = vector.broadcast %mul3A_788 : i32 to vector<16xi32>
    %mul3A_790 = arith.muli %add3A_787, %mul3A_789 : vector<16xi32>
    %add3A_791 = arith.addi %mul3A_790, %neg3A_632 : vector<16xi32>
    %swap3A_792 = arith.constant 272 : index
    %swap3A_793 = tpu.vector_load %arg6[%swap3A_792] {strides = array<i32>} : memref<400xi32, #tpu.memory_space<vmem>>, vector<16xi32>,
    tpu.vector_store %arg6[%swap3A_792], %add3A_791 {strides = array<i32>} : memref<400xi32, #tpu.memory_space<vmem>>, vector<16xi32>,
    %add3A_794 = arith.constant 288 : i32
    %add3A_795 = vector.broadcast %add3A_794 : i32 to vector<16xi32>
    %add3A_796 = arith.addi %iota3A, %add3A_795 : vector<16xi32>
    %mul3A_797 = arith.constant 784 : i32
    %mul3A_798 = vector.broadcast %mul3A_797 : i32 to vector<16xi32>
    %mul3A_799 = arith.muli %add3A_796, %mul3A_798 : vector<16xi32>
    %add3A_800 = arith.addi %mul3A_799, %neg3A_632 : vector<16xi32>
    %swap3A_801 = arith.constant 288 : index
    %swap3A_802 = tpu.vector_load %arg6[%swap3A_801] {strides = array<i32>} : memref<400xi32, #tpu.memory_space<vmem>>, vector<16xi32>,
    tpu.vector_store %arg6[%swap3A_801], %add3A_800 {strides = array<i32>} : memref<400xi32, #tpu.memory_space<vmem>>, vector<16xi32>,
    %add3A_803 = arith.constant 304 : i32
    %add3A_804 = vector.broadcast %add3A_803 : i32 to vector<16xi32>
    %add3A_805 = arith.addi %iota3A, %add3A_804 : vector<16xi32>
    %mul3A_806 = arith.constant 784 : i32
    %mul3A_807 = vector.broadcast %mul3A_806 : i32 to vector<16xi32>
    %mul3A_808 = arith.muli %add3A_805, %mul3A_807 : vector<16xi32>
    %add3A_809 = arith.addi %mul3A_808, %neg3A_632 : vector<16xi32>
    %swap3A_810 = arith.constant 304 : index
    %swap3A_811 = tpu.vector_load %arg6[%swap3A_810] {strides = array<i32>} : memref<400xi32, #tpu.memory_space<vmem>>, vector<16xi32>,
    tpu.vector_store %arg6[%swap3A_810], %add3A_809 {strides = array<i32>} : memref<400xi32, #tpu.memory_space<vmem>>, vector<16xi32>,
    %add3A_812 = arith.constant 320 : i32
    %add3A_813 = vector.broadcast %add3A_812 : i32 to vector<16xi32>
    %add3A_814 = arith.addi %iota3A, %add3A_813 : vector<16xi32>
    %mul3A_815 = arith.constant 784 : i32
    %mul3A_816 = vector.broadcast %mul3A_815 : i32 to vector<16xi32>
    %mul3A_817 = arith.muli %add3A_814, %mul3A_816 : vector<16xi32>
    %add3A_818 = arith.addi %mul3A_817, %neg3A_632 : vector<16xi32>
    %swap3A_819 = arith.constant 320 : index
    %swap3A_820 = tpu.vector_load %arg6[%swap3A_819] {strides = array<i32>} : memref<400xi32, #tpu.memory_space<vmem>>, vector<16xi32>,
    tpu.vector_store %arg6[%swap3A_819], %add3A_818 {strides = array<i32>} : memref<400xi32, #tpu.memory_space<vmem>>, vector<16xi32>,
    %add3A_821 = arith.constant 336 : i32
    %add3A_822 = vector.broadcast %add3A_821 : i32 to vector<16xi32>
    %add3A_823 = arith.addi %iota3A, %add3A_822 : vector<16xi32>
    %mul3A_824 = arith.constant 784 : i32
    %mul3A_825 = vector.broadcast %mul3A_824 : i32 to vector<16xi32>
    %mul3A_826 = arith.muli %add3A_823, %mul3A_825 : vector<16xi32>
    %add3A_827 = arith.addi %mul3A_826, %neg3A_632 : vector<16xi32>
    %swap3A_828 = arith.constant 336 : index
    %swap3A_829 = tpu.vector_load %arg6[%swap3A_828] {strides = array<i32>} : memref<400xi32, #tpu.memory_space<vmem>>, vector<16xi32>,
    tpu.vector_store %arg6[%swap3A_828], %add3A_827 {strides = array<i32>} : memref<400xi32, #tpu.memory_space<vmem>>, vector<16xi32>,
    %add3A_830 = arith.constant 352 : i32
    %add3A_831 = vector.broadcast %add3A_830 : i32 to vector<16xi32>
    %add3A_832 = arith.addi %iota3A, %add3A_831 : vector<16xi32>
    %mul3A_833 = arith.constant 784 : i32
    %mul3A_834 = vector.broadcast %mul3A_833 : i32 to vector<16xi32>
    %mul3A_835 = arith.muli %add3A_832, %mul3A_834 : vector<16xi32>
    %add3A_836 = arith.addi %mul3A_835, %neg3A_632 : vector<16xi32>
    %swap3A_837 = arith.constant 352 : index
    %swap3A_838 = tpu.vector_load %arg6[%swap3A_837] {strides = array<i32>} : memref<400xi32, #tpu.memory_space<vmem>>, vector<16xi32>,
    tpu.vector_store %arg6[%swap3A_837], %add3A_836 {strides = array<i32>} : memref<400xi32, #tpu.memory_space<vmem>>, vector<16xi32>,
    %add3A_839 = arith.constant 368 : i32
    %add3A_840 = vector.broadcast %add3A_839 : i32 to vector<16xi32>
    %add3A_841 = arith.addi %iota3A, %add3A_840 : vector<16xi32>
    %mul3A_842 = arith.constant 784 : i32
    %mul3A_843 = vector.broadcast %mul3A_842 : i32 to vector<16xi32>
    %mul3A_844 = arith.muli %add3A_841, %mul3A_843 : vector<16xi32>
    %add3A_845 = arith.addi %mul3A_844, %neg3A_632 : vector<16xi32>
    %swap3A_846 = arith.constant 368 : index
    %swap3A_847 = tpu.vector_load %arg6[%swap3A_846] {strides = array<i32>} : memref<400xi32, #tpu.memory_space<vmem>>, vector<16xi32>,
    tpu.vector_store %arg6[%swap3A_846], %add3A_845 {strides = array<i32>} : memref<400xi32, #tpu.memory_space<vmem>>, vector<16xi32>,
    %add3A_848 = arith.constant 384 : i32
    %add3A_849 = vector.broadcast %add3A_848 : i32 to vector<16xi32>
    %add3A_850 = arith.addi %iota3A, %add3A_849 : vector<16xi32>
    %mul3A_851 = arith.constant 784 : i32
    %mul3A_852 = vector.broadcast %mul3A_851 : i32 to vector<16xi32>
    %mul3A_853 = arith.muli %add3A_850, %mul3A_852 : vector<16xi32>
    %add3A_854 = arith.addi %mul3A_853, %neg3A_632 : vector<16xi32>
    %swap3A_855 = arith.constant 384 : index
    %swap3A_856 = tpu.vector_load %arg6[%swap3A_855] {strides = array<i32>} : memref<400xi32, #tpu.memory_space<vmem>>, vector<16xi32>,
    tpu.vector_store %arg6[%swap3A_855], %add3A_854 {strides = array<i32>} : memref<400xi32, #tpu.memory_space<vmem>>, vector<16xi32>,
    %dma_start3A = arith.constant 0 : i32
    %dma_start3A_857 = tpu.memref_slice %arg7[%dma_start3A] : memref<400xf32, #tpu.memory_space<vmem>> -> memref<80xf32, #tpu.memory_space<vmem>>
    %dma_start3A_858 = arith.constant 0 : i32
    %dma_start3A_859 = tpu.memref_slice %arg6[%dma_start3A_858] : memref<400xi32, #tpu.memory_space<vmem>> -> memref<80xi32, #tpu.memory_space<vmem>>
    %dma_start3A_860 = arith.constant 0 : i32
    %dma_start3A_861 = tpu.memref_slice %arg3[%dma_start3A_860] : memref<313600xf32, #tpu.memory_space<hbm>> -> memref<313600xf32, #tpu.memory_space<hbm>>
    tpu.enqueue_indirect_dma source(%dma_start3A_861 : memref<313600xf32, #tpu.memory_space<hbm>>) target(%dma_start3A_857 : memref<80xf32, #tpu.memory_space<vmem>>) offsets(%dma_start3A_859 : memref<80xi32, #tpu.memory_space<vmem>>) semaphore(%arg9 : memref<!tpu.dma_semaphore, #tpu.memory_space<semaphore_mem>>)
    %dma_start3A_862 = arith.constant 80 : i32
    %dma_start3A_863 = tpu.memref_slice %arg7[%dma_start3A_862] : memref<400xf32, #tpu.memory_space<vmem>> -> memref<80xf32, #tpu.memory_space<vmem>>
    %dma_start3A_864 = arith.constant 80 : i32
    %dma_start3A_865 = tpu.memref_slice %arg6[%dma_start3A_864] : memref<400xi32, #tpu.memory_space<vmem>> -> memref<80xi32, #tpu.memory_space<vmem>>
    %dma_start3A_866 = arith.constant 0 : i32
    %dma_start3A_867 = tpu.memref_slice %arg3[%dma_start3A_866] : memref<313600xf32, #tpu.memory_space<hbm>> -> memref<313600xf32, #tpu.memory_space<hbm>>
    tpu.enqueue_indirect_dma source(%dma_start3A_867 : memref<313600xf32, #tpu.memory_space<hbm>>) target(%dma_start3A_863 : memref<80xf32, #tpu.memory_space<vmem>>) offsets(%dma_start3A_865 : memref<80xi32, #tpu.memory_space<vmem>>) semaphore(%arg9 : memref<!tpu.dma_semaphore, #tpu.memory_space<semaphore_mem>>)
    %dma_start3A_868 = arith.constant 160 : i32
    %dma_start3A_869 = tpu.memref_slice %arg7[%dma_start3A_868] : memref<400xf32, #tpu.memory_space<vmem>> -> memref<80xf32, #tpu.memory_space<vmem>>
    %dma_start3A_870 = arith.constant 160 : i32
    %dma_start3A_871 = tpu.memref_slice %arg6[%dma_start3A_870] : memref<400xi32, #tpu.memory_space<vmem>> -> memref<80xi32, #tpu.memory_space<vmem>>
    %dma_start3A_872 = arith.constant 0 : i32
    %dma_start3A_873 = tpu.memref_slice %arg3[%dma_start3A_872] : memref<313600xf32, #tpu.memory_space<hbm>> -> memref<313600xf32, #tpu.memory_space<hbm>>
    tpu.enqueue_indirect_dma source(%dma_start3A_873 : memref<313600xf32, #tpu.memory_space<hbm>>) target(%dma_start3A_869 : memref<80xf32, #tpu.memory_space<vmem>>) offsets(%dma_start3A_871 : memref<80xi32, #tpu.memory_space<vmem>>) semaphore(%arg9 : memref<!tpu.dma_semaphore, #tpu.memory_space<semaphore_mem>>)
    %dma_start3A_874 = arith.constant 240 : i32
    %dma_start3A_875 = tpu.memref_slice %arg7[%dma_start3A_874] : memref<400xf32, #tpu.memory_space<vmem>> -> memref<80xf32, #tpu.memory_space<vmem>>
    %dma_start3A_876 = arith.constant 240 : i32
    %dma_start3A_877 = tpu.memref_slice %arg6[%dma_start3A_876] : memref<400xi32, #tpu.memory_space<vmem>> -> memref<80xi32, #tpu.memory_space<vmem>>
    %dma_start3A_878 = arith.constant 0 : i32
    %dma_start3A_879 = tpu.memref_slice %arg3[%dma_start3A_878] : memref<313600xf32, #tpu.memory_space<hbm>> -> memref<313600xf32, #tpu.memory_space<hbm>>
    tpu.enqueue_indirect_dma source(%dma_start3A_879 : memref<313600xf32, #tpu.memory_space<hbm>>) target(%dma_start3A_875 : memref<80xf32, #tpu.memory_space<vmem>>) offsets(%dma_start3A_877 : memref<80xi32, #tpu.memory_space<vmem>>) semaphore(%arg9 : memref<!tpu.dma_semaphore, #tpu.memory_space<semaphore_mem>>)
    %dma_start3A_880 = arith.constant 320 : i32
    %dma_start3A_881 = tpu.memref_slice %arg7[%dma_start3A_880] : memref<400xf32, #tpu.memory_space<vmem>> -> memref<80xf32, #tpu.memory_space<vmem>>
    %dma_start3A_882 = arith.constant 320 : i32
    %dma_start3A_883 = tpu.memref_slice %arg6[%dma_start3A_882] : memref<400xi32, #tpu.memory_space<vmem>> -> memref<80xi32, #tpu.memory_space<vmem>>
    %dma_start3A_884 = arith.constant 0 : i32
    %dma_start3A_885 = tpu.memref_slice %arg3[%dma_start3A_884] : memref<313600xf32, #tpu.memory_space<hbm>> -> memref<313600xf32, #tpu.memory_space<hbm>>
    tpu.enqueue_indirect_dma source(%dma_start3A_885 : memref<313600xf32, #tpu.memory_space<hbm>>) target(%dma_start3A_881 : memref<80xf32, #tpu.memory_space<vmem>>) offsets(%dma_start3A_883 : memref<80xi32, #tpu.memory_space<vmem>>) semaphore(%arg9 : memref<!tpu.dma_semaphore, #tpu.memory_space<semaphore_mem>>)
    %dma_wait3A = arith.constant 0 : i32
    %dma_wait3A_886 = tpu.memref_slice %arg7[%dma_wait3A] : memref<400xf32, #tpu.memory_space<vmem>> -> memref<80xf32, #tpu.memory_space<vmem>>
    %dma_wait3A_887 = arith.constant 0 : i32
    %dma_wait3A_888 = tpu.memref_slice %arg6[%dma_wait3A_887] : memref<400xi32, #tpu.memory_space<vmem>> -> memref<80xi32, #tpu.memory_space<vmem>>
    %dma_wait3A_889 = arith.constant 0 : i32
    %dma_wait3A_890 = tpu.memref_slice %arg3[%dma_wait3A_889] : memref<313600xf32, #tpu.memory_space<hbm>> -> memref<313600xf32, #tpu.memory_space<hbm>>
    tpu.wait_indirect_dma semaphore(%arg9 : memref<!tpu.dma_semaphore, #tpu.memory_space<semaphore_mem>>) src(%dma_wait3A_890 : memref<313600xf32, #tpu.memory_space<hbm>>) dst(%dma_wait3A_886 : memref<80xf32, #tpu.memory_space<vmem>>)
    %dma_wait3A_891 = arith.constant 80 : i32
    %dma_wait3A_892 = tpu.memref_slice %arg7[%dma_wait3A_891] : memref<400xf32, #tpu.memory_space<vmem>> -> memref<80xf32, #tpu.memory_space<vmem>>
    %dma_wait3A_893 = arith.constant 80 : i32
    %dma_wait3A_894 = tpu.memref_slice %arg6[%dma_wait3A_893] : memref<400xi32, #tpu.memory_space<vmem>> -> memref<80xi32, #tpu.memory_space<vmem>>
    %dma_wait3A_895 = arith.constant 0 : i32
    %dma_wait3A_896 = tpu.memref_slice %arg3[%dma_wait3A_895] : memref<313600xf32, #tpu.memory_space<hbm>> -> memref<313600xf32, #tpu.memory_space<hbm>>
    tpu.wait_indirect_dma semaphore(%arg9 : memref<!tpu.dma_semaphore, #tpu.memory_space<semaphore_mem>>) src(%dma_wait3A_896 : memref<313600xf32, #tpu.memory_space<hbm>>) dst(%dma_wait3A_892 : memref<80xf32, #tpu.memory_space<vmem>>)
    %dma_wait3A_897 = arith.constant 160 : i32
    %dma_wait3A_898 = tpu.memref_slice %arg7[%dma_wait3A_897] : memref<400xf32, #tpu.memory_space<vmem>> -> memref<80xf32, #tpu.memory_space<vmem>>
    %dma_wait3A_899 = arith.constant 160 : i32
    %dma_wait3A_900 = tpu.memref_slice %arg6[%dma_wait3A_899] : memref<400xi32, #tpu.memory_space<vmem>> -> memref<80xi32, #tpu.memory_space<vmem>>
    %dma_wait3A_901 = arith.constant 0 : i32
    %dma_wait3A_902 = tpu.memref_slice %arg3[%dma_wait3A_901] : memref<313600xf32, #tpu.memory_space<hbm>> -> memref<313600xf32, #tpu.memory_space<hbm>>
    tpu.wait_indirect_dma semaphore(%arg9 : memref<!tpu.dma_semaphore, #tpu.memory_space<semaphore_mem>>) src(%dma_wait3A_902 : memref<313600xf32, #tpu.memory_space<hbm>>) dst(%dma_wait3A_898 : memref<80xf32, #tpu.memory_space<vmem>>)
    %dma_wait3A_903 = arith.constant 240 : i32
    %dma_wait3A_904 = tpu.memref_slice %arg7[%dma_wait3A_903] : memref<400xf32, #tpu.memory_space<vmem>> -> memref<80xf32, #tpu.memory_space<vmem>>
    %dma_wait3A_905 = arith.constant 240 : i32
    %dma_wait3A_906 = tpu.memref_slice %arg6[%dma_wait3A_905] : memref<400xi32, #tpu.memory_space<vmem>> -> memref<80xi32, #tpu.memory_space<vmem>>
    %dma_wait3A_907 = arith.constant 0 : i32
    %dma_wait3A_908 = tpu.memref_slice %arg3[%dma_wait3A_907] : memref<313600xf32, #tpu.memory_space<hbm>> -> memref<313600xf32, #tpu.memory_space<hbm>>
    tpu.wait_indirect_dma semaphore(%arg9 : memref<!tpu.dma_semaphore, #tpu.memory_space<semaphore_mem>>) src(%dma_wait3A_908 : memref<313600xf32, #tpu.memory_space<hbm>>) dst(%dma_wait3A_904 : memref<80xf32, #tpu.memory_space<vmem>>)
    %dma_wait3A_909 = arith.constant 320 : i32
    %dma_wait3A_910 = tpu.memref_slice %arg7[%dma_wait3A_909] : memref<400xf32, #tpu.memory_space<vmem>> -> memref<80xf32, #tpu.memory_space<vmem>>
    %dma_wait3A_911 = arith.constant 320 : i32
    %dma_wait3A_912 = tpu.memref_slice %arg6[%dma_wait3A_911] : memref<400xi32, #tpu.memory_space<vmem>> -> memref<80xi32, #tpu.memory_space<vmem>>
    %dma_wait3A_913 = arith.constant 0 : i32
    %dma_wait3A_914 = tpu.memref_slice %arg3[%dma_wait3A_913] : memref<313600xf32, #tpu.memory_space<hbm>> -> memref<313600xf32, #tpu.memory_space<hbm>>
    tpu.wait_indirect_dma semaphore(%arg9 : memref<!tpu.dma_semaphore, #tpu.memory_space<semaphore_mem>>) src(%dma_wait3A_914 : memref<313600xf32, #tpu.memory_space<hbm>>) dst(%dma_wait3A_910 : memref<80xf32, #tpu.memory_space<vmem>>)
    %broadcast_in_dim3A_915 = arith.constant 1.000000e-10 : f32
    %broadcast_in_dim3A_916 = vector.broadcast %broadcast_in_dim3A_915 : f32 to vector<16xf32>
    %get3A_917 = arith.constant 0 : index
    %get3A_918 = tpu.vector_load %arg7[%get3A_917] {strides = array<i32>} : memref<400xf32, #tpu.memory_space<vmem>>, vector<16xf32>,
    %mul3A_919 = arith.mulf %get3A_918, %neg3A_605 : vector<16xf32>
    %div3A = arith.divf %mul3A_919, %broadcast_in_dim3A_916 : vector<16xf32>
    %swap3A_920 = arith.constant 0 : index
    %swap3A_921 = tpu.vector_load %arg8[%swap3A_920] {strides = array<i32>} : memref<400xf32, #tpu.memory_space<vmem>>, vector<16xf32>,
    tpu.vector_store %arg8[%swap3A_920], %div3A {strides = array<i32>} : memref<400xf32, #tpu.memory_space<vmem>>, vector<16xf32>,
    %get3A_922 = arith.constant 16 : index
    %get3A_923 = tpu.vector_load %arg7[%get3A_922] {strides = array<i32>} : memref<400xf32, #tpu.memory_space<vmem>>, vector<16xf32>,
    %mul3A_924 = arith.mulf %get3A_923, %neg3A_605 : vector<16xf32>
    %div3A_925 = arith.divf %mul3A_924, %broadcast_in_dim3A_916 : vector<16xf32>
    %swap3A_926 = arith.constant 16 : index
    %swap3A_927 = tpu.vector_load %arg8[%swap3A_926] {strides = array<i32>} : memref<400xf32, #tpu.memory_space<vmem>>, vector<16xf32>,
    tpu.vector_store %arg8[%swap3A_926], %div3A_925 {strides = array<i32>} : memref<400xf32, #tpu.memory_space<vmem>>, vector<16xf32>,
    %get3A_928 = arith.constant 32 : index
    %get3A_929 = tpu.vector_load %arg7[%get3A_928] {strides = array<i32>} : memref<400xf32, #tpu.memory_space<vmem>>, vector<16xf32>,
    %mul3A_930 = arith.mulf %get3A_929, %neg3A_605 : vector<16xf32>
    %div3A_931 = arith.divf %mul3A_930, %broadcast_in_dim3A_916 : vector<16xf32>
    %swap3A_932 = arith.constant 32 : index
    %swap3A_933 = tpu.vector_load %arg8[%swap3A_932] {strides = array<i32>} : memref<400xf32, #tpu.memory_space<vmem>>, vector<16xf32>,
    tpu.vector_store %arg8[%swap3A_932], %div3A_931 {strides = array<i32>} : memref<400xf32, #tpu.memory_space<vmem>>, vector<16xf32>,
    %get3A_934 = arith.constant 48 : index
    %get3A_935 = tpu.vector_load %arg7[%get3A_934] {strides = array<i32>} : memref<400xf32, #tpu.memory_space<vmem>>, vector<16xf32>,
    %mul3A_936 = arith.mulf %get3A_935, %neg3A_605 : vector<16xf32>
    %div3A_937 = arith.divf %mul3A_936, %broadcast_in_dim3A_916 : vector<16xf32>
    %swap3A_938 = arith.constant 48 : index
    %swap3A_939 = tpu.vector_load %arg8[%swap3A_938] {strides = array<i32>} : memref<400xf32, #tpu.memory_space<vmem>>, vector<16xf32>,
    tpu.vector_store %arg8[%swap3A_938], %div3A_937 {strides = array<i32>} : memref<400xf32, #tpu.memory_space<vmem>>, vector<16xf32>,
    %get3A_940 = arith.constant 64 : index
    %get3A_941 = tpu.vector_load %arg7[%get3A_940] {strides = array<i32>} : memref<400xf32, #tpu.memory_space<vmem>>, vector<16xf32>,
    %mul3A_942 = arith.mulf %get3A_941, %neg3A_605 : vector<16xf32>
    %div3A_943 = arith.divf %mul3A_942, %broadcast_in_dim3A_916 : vector<16xf32>
    %swap3A_944 = arith.constant 64 : index
    %swap3A_945 = tpu.vector_load %arg8[%swap3A_944] {strides = array<i32>} : memref<400xf32, #tpu.memory_space<vmem>>, vector<16xf32>,
    tpu.vector_store %arg8[%swap3A_944], %div3A_943 {strides = array<i32>} : memref<400xf32, #tpu.memory_space<vmem>>, vector<16xf32>,
    %get3A_946 = arith.constant 80 : index
    %get3A_947 = tpu.vector_load %arg7[%get3A_946] {strides = array<i32>} : memref<400xf32, #tpu.memory_space<vmem>>, vector<16xf32>,
    %mul3A_948 = arith.mulf %get3A_947, %neg3A_605 : vector<16xf32>
    %div3A_949 = arith.divf %mul3A_948, %broadcast_in_dim3A_916 : vector<16xf32>
    %swap3A_950 = arith.constant 80 : index
    %swap3A_951 = tpu.vector_load %arg8[%swap3A_950] {strides = array<i32>} : memref<400xf32, #tpu.memory_space<vmem>>, vector<16xf32>,
    tpu.vector_store %arg8[%swap3A_950], %div3A_949 {strides = array<i32>} : memref<400xf32, #tpu.memory_space<vmem>>, vector<16xf32>,
    %get3A_952 = arith.constant 96 : index
    %get3A_953 = tpu.vector_load %arg7[%get3A_952] {strides = array<i32>} : memref<400xf32, #tpu.memory_space<vmem>>, vector<16xf32>,
    %mul3A_954 = arith.mulf %get3A_953, %neg3A_605 : vector<16xf32>
    %div3A_955 = arith.divf %mul3A_954, %broadcast_in_dim3A_916 : vector<16xf32>
    %swap3A_956 = arith.constant 96 : index
    %swap3A_957 = tpu.vector_load %arg8[%swap3A_956] {strides = array<i32>} : memref<400xf32, #tpu.memory_space<vmem>>, vector<16xf32>,
    tpu.vector_store %arg8[%swap3A_956], %div3A_955 {strides = array<i32>} : memref<400xf32, #tpu.memory_space<vmem>>, vector<16xf32>,
    %get3A_958 = arith.constant 112 : index
    %get3A_959 = tpu.vector_load %arg7[%get3A_958] {strides = array<i32>} : memref<400xf32, #tpu.memory_space<vmem>>, vector<16xf32>,
    %mul3A_960 = arith.mulf %get3A_959, %neg3A_605 : vector<16xf32>
    %div3A_961 = arith.divf %mul3A_960, %broadcast_in_dim3A_916 : vector<16xf32>
    %swap3A_962 = arith.constant 112 : index
    %swap3A_963 = tpu.vector_load %arg8[%swap3A_962] {strides = array<i32>} : memref<400xf32, #tpu.memory_space<vmem>>, vector<16xf32>,
    tpu.vector_store %arg8[%swap3A_962], %div3A_961 {strides = array<i32>} : memref<400xf32, #tpu.memory_space<vmem>>, vector<16xf32>,
    %get3A_964 = arith.constant 128 : index
    %get3A_965 = tpu.vector_load %arg7[%get3A_964] {strides = array<i32>} : memref<400xf32, #tpu.memory_space<vmem>>, vector<16xf32>,
    %mul3A_966 = arith.mulf %get3A_965, %neg3A_605 : vector<16xf32>
    %div3A_967 = arith.divf %mul3A_966, %broadcast_in_dim3A_916 : vector<16xf32>
    %swap3A_968 = arith.constant 128 : index
    %swap3A_969 = tpu.vector_load %arg8[%swap3A_968] {strides = array<i32>} : memref<400xf32, #tpu.memory_space<vmem>>, vector<16xf32>,
    tpu.vector_store %arg8[%swap3A_968], %div3A_967 {strides = array<i32>} : memref<400xf32, #tpu.memory_space<vmem>>, vector<16xf32>,
    %get3A_970 = arith.constant 144 : index
    %get3A_971 = tpu.vector_load %arg7[%get3A_970] {strides = array<i32>} : memref<400xf32, #tpu.memory_space<vmem>>, vector<16xf32>,
    %mul3A_972 = arith.mulf %get3A_971, %neg3A_605 : vector<16xf32>
    %div3A_973 = arith.divf %mul3A_972, %broadcast_in_dim3A_916 : vector<16xf32>
    %swap3A_974 = arith.constant 144 : index
    %swap3A_975 = tpu.vector_load %arg8[%swap3A_974] {strides = array<i32>} : memref<400xf32, #tpu.memory_space<vmem>>, vector<16xf32>,
    tpu.vector_store %arg8[%swap3A_974], %div3A_973 {strides = array<i32>} : memref<400xf32, #tpu.memory_space<vmem>>, vector<16xf32>,
    %get3A_976 = arith.constant 160 : index
    %get3A_977 = tpu.vector_load %arg7[%get3A_976] {strides = array<i32>} : memref<400xf32, #tpu.memory_space<vmem>>, vector<16xf32>,
    %mul3A_978 = arith.mulf %get3A_977, %neg3A_605 : vector<16xf32>
    %div3A_979 = arith.divf %mul3A_978, %broadcast_in_dim3A_916 : vector<16xf32>
    %swap3A_980 = arith.constant 160 : index
    %swap3A_981 = tpu.vector_load %arg8[%swap3A_980] {strides = array<i32>} : memref<400xf32, #tpu.memory_space<vmem>>, vector<16xf32>,
    tpu.vector_store %arg8[%swap3A_980], %div3A_979 {strides = array<i32>} : memref<400xf32, #tpu.memory_space<vmem>>, vector<16xf32>,
    %get3A_982 = arith.constant 176 : index
    %get3A_983 = tpu.vector_load %arg7[%get3A_982] {strides = array<i32>} : memref<400xf32, #tpu.memory_space<vmem>>, vector<16xf32>,
    %mul3A_984 = arith.mulf %get3A_983, %neg3A_605 : vector<16xf32>
    %div3A_985 = arith.divf %mul3A_984, %broadcast_in_dim3A_916 : vector<16xf32>
    %swap3A_986 = arith.constant 176 : index
    %swap3A_987 = tpu.vector_load %arg8[%swap3A_986] {strides = array<i32>} : memref<400xf32, #tpu.memory_space<vmem>>, vector<16xf32>,
    tpu.vector_store %arg8[%swap3A_986], %div3A_985 {strides = array<i32>} : memref<400xf32, #tpu.memory_space<vmem>>, vector<16xf32>,
    %get3A_988 = arith.constant 192 : index
    %get3A_989 = tpu.vector_load %arg7[%get3A_988] {strides = array<i32>} : memref<400xf32, #tpu.memory_space<vmem>>, vector<16xf32>,
    %mul3A_990 = arith.mulf %get3A_989, %neg3A_605 : vector<16xf32>
    %div3A_991 = arith.divf %mul3A_990, %broadcast_in_dim3A_916 : vector<16xf32>
    %swap3A_992 = arith.constant 192 : index
    %swap3A_993 = tpu.vector_load %arg8[%swap3A_992] {strides = array<i32>} : memref<400xf32, #tpu.memory_space<vmem>>, vector<16xf32>,
    tpu.vector_store %arg8[%swap3A_992], %div3A_991 {strides = array<i32>} : memref<400xf32, #tpu.memory_space<vmem>>, vector<16xf32>,
    %get3A_994 = arith.constant 208 : index
    %get3A_995 = tpu.vector_load %arg7[%get3A_994] {strides = array<i32>} : memref<400xf32, #tpu.memory_space<vmem>>, vector<16xf32>,
    %mul3A_996 = arith.mulf %get3A_995, %neg3A_605 : vector<16xf32>
    %div3A_997 = arith.divf %mul3A_996, %broadcast_in_dim3A_916 : vector<16xf32>
    %swap3A_998 = arith.constant 208 : index
    %swap3A_999 = tpu.vector_load %arg8[%swap3A_998] {strides = array<i32>} : memref<400xf32, #tpu.memory_space<vmem>>, vector<16xf32>,
    tpu.vector_store %arg8[%swap3A_998], %div3A_997 {strides = array<i32>} : memref<400xf32, #tpu.memory_space<vmem>>, vector<16xf32>,
    %get3A_1000 = arith.constant 224 : index
    %get3A_1001 = tpu.vector_load %arg7[%get3A_1000] {strides = array<i32>} : memref<400xf32, #tpu.memory_space<vmem>>, vector<16xf32>,
    %mul3A_1002 = arith.mulf %get3A_1001, %neg3A_605 : vector<16xf32>
    %div3A_1003 = arith.divf %mul3A_1002, %broadcast_in_dim3A_916 : vector<16xf32>
    %swap3A_1004 = arith.constant 224 : index
    %swap3A_1005 = tpu.vector_load %arg8[%swap3A_1004] {strides = array<i32>} : memref<400xf32, #tpu.memory_space<vmem>>, vector<16xf32>,
    tpu.vector_store %arg8[%swap3A_1004], %div3A_1003 {strides = array<i32>} : memref<400xf32, #tpu.memory_space<vmem>>, vector<16xf32>,
    %get3A_1006 = arith.constant 240 : index
    %get3A_1007 = tpu.vector_load %arg7[%get3A_1006] {strides = array<i32>} : memref<400xf32, #tpu.memory_space<vmem>>, vector<16xf32>,
    %mul3A_1008 = arith.mulf %get3A_1007, %neg3A_605 : vector<16xf32>
    %div3A_1009 = arith.divf %mul3A_1008, %broadcast_in_dim3A_916 : vector<16xf32>
    %swap3A_1010 = arith.constant 240 : index
    %swap3A_1011 = tpu.vector_load %arg8[%swap3A_1010] {strides = array<i32>} : memref<400xf32, #tpu.memory_space<vmem>>, vector<16xf32>,
    tpu.vector_store %arg8[%swap3A_1010], %div3A_1009 {strides = array<i32>} : memref<400xf32, #tpu.memory_space<vmem>>, vector<16xf32>,
    %get3A_1012 = arith.constant 256 : index
    %get3A_1013 = tpu.vector_load %arg7[%get3A_1012] {strides = array<i32>} : memref<400xf32, #tpu.memory_space<vmem>>, vector<16xf32>,
    %mul3A_1014 = arith.mulf %get3A_1013, %neg3A_605 : vector<16xf32>
    %div3A_1015 = arith.divf %mul3A_1014, %broadcast_in_dim3A_916 : vector<16xf32>
    %swap3A_1016 = arith.constant 256 : index
    %swap3A_1017 = tpu.vector_load %arg8[%swap3A_1016] {strides = array<i32>} : memref<400xf32, #tpu.memory_space<vmem>>, vector<16xf32>,
    tpu.vector_store %arg8[%swap3A_1016], %div3A_1015 {strides = array<i32>} : memref<400xf32, #tpu.memory_space<vmem>>, vector<16xf32>,
    %get3A_1018 = arith.constant 272 : index
    %get3A_1019 = tpu.vector_load %arg7[%get3A_1018] {strides = array<i32>} : memref<400xf32, #tpu.memory_space<vmem>>, vector<16xf32>,
    %mul3A_1020 = arith.mulf %get3A_1019, %neg3A_605 : vector<16xf32>
    %div3A_1021 = arith.divf %mul3A_1020, %broadcast_in_dim3A_916 : vector<16xf32>
    %swap3A_1022 = arith.constant 272 : index
    %swap3A_1023 = tpu.vector_load %arg8[%swap3A_1022] {strides = array<i32>} : memref<400xf32, #tpu.memory_space<vmem>>, vector<16xf32>,
    tpu.vector_store %arg8[%swap3A_1022], %div3A_1021 {strides = array<i32>} : memref<400xf32, #tpu.memory_space<vmem>>, vector<16xf32>,
    %get3A_1024 = arith.constant 288 : index
    %get3A_1025 = tpu.vector_load %arg7[%get3A_1024] {strides = array<i32>} : memref<400xf32, #tpu.memory_space<vmem>>, vector<16xf32>,
    %mul3A_1026 = arith.mulf %get3A_1025, %neg3A_605 : vector<16xf32>
    %div3A_1027 = arith.divf %mul3A_1026, %broadcast_in_dim3A_916 : vector<16xf32>
    %swap3A_1028 = arith.constant 288 : index
    %swap3A_1029 = tpu.vector_load %arg8[%swap3A_1028] {strides = array<i32>} : memref<400xf32, #tpu.memory_space<vmem>>, vector<16xf32>,
    tpu.vector_store %arg8[%swap3A_1028], %div3A_1027 {strides = array<i32>} : memref<400xf32, #tpu.memory_space<vmem>>, vector<16xf32>,
    %get3A_1030 = arith.constant 304 : index
    %get3A_1031 = tpu.vector_load %arg7[%get3A_1030] {strides = array<i32>} : memref<400xf32, #tpu.memory_space<vmem>>, vector<16xf32>,
    %mul3A_1032 = arith.mulf %get3A_1031, %neg3A_605 : vector<16xf32>
    %div3A_1033 = arith.divf %mul3A_1032, %broadcast_in_dim3A_916 : vector<16xf32>
    %swap3A_1034 = arith.constant 304 : index
    %swap3A_1035 = tpu.vector_load %arg8[%swap3A_1034] {strides = array<i32>} : memref<400xf32, #tpu.memory_space<vmem>>, vector<16xf32>,
    tpu.vector_store %arg8[%swap3A_1034], %div3A_1033 {strides = array<i32>} : memref<400xf32, #tpu.memory_space<vmem>>, vector<16xf32>,
    %get3A_1036 = arith.constant 320 : index
    %get3A_1037 = tpu.vector_load %arg7[%get3A_1036] {strides = array<i32>} : memref<400xf32, #tpu.memory_space<vmem>>, vector<16xf32>,
    %mul3A_1038 = arith.mulf %get3A_1037, %neg3A_605 : vector<16xf32>
    %div3A_1039 = arith.divf %mul3A_1038, %broadcast_in_dim3A_916 : vector<16xf32>
    %swap3A_1040 = arith.constant 320 : index
    %swap3A_1041 = tpu.vector_load %arg8[%swap3A_1040] {strides = array<i32>} : memref<400xf32, #tpu.memory_space<vmem>>, vector<16xf32>,
    tpu.vector_store %arg8[%swap3A_1040], %div3A_1039 {strides = array<i32>} : memref<400xf32, #tpu.memory_space<vmem>>, vector<16xf32>,
    %get3A_1042 = arith.constant 336 : index
    %get3A_1043 = tpu.vector_load %arg7[%get3A_1042] {strides = array<i32>} : memref<400xf32, #tpu.memory_space<vmem>>, vector<16xf32>,
    %mul3A_1044 = arith.mulf %get3A_1043, %neg3A_605 : vector<16xf32>
    %div3A_1045 = arith.divf %mul3A_1044, %broadcast_in_dim3A_916 : vector<16xf32>
    %swap3A_1046 = arith.constant 336 : index
    %swap3A_1047 = tpu.vector_load %arg8[%swap3A_1046] {strides = array<i32>} : memref<400xf32, #tpu.memory_space<vmem>>, vector<16xf32>,
    tpu.vector_store %arg8[%swap3A_1046], %div3A_1045 {strides = array<i32>} : memref<400xf32, #tpu.memory_space<vmem>>, vector<16xf32>,
    %get3A_1048 = arith.constant 352 : index
    %get3A_1049 = tpu.vector_load %arg7[%get3A_1048] {strides = array<i32>} : memref<400xf32, #tpu.memory_space<vmem>>, vector<16xf32>,
    %mul3A_1050 = arith.mulf %get3A_1049, %neg3A_605 : vector<16xf32>
    %div3A_1051 = arith.divf %mul3A_1050, %broadcast_in_dim3A_916 : vector<16xf32>
    %swap3A_1052 = arith.constant 352 : index
    %swap3A_1053 = tpu.vector_load %arg8[%swap3A_1052] {strides = array<i32>} : memref<400xf32, #tpu.memory_space<vmem>>, vector<16xf32>,
    tpu.vector_store %arg8[%swap3A_1052], %div3A_1051 {strides = array<i32>} : memref<400xf32, #tpu.memory_space<vmem>>, vector<16xf32>,
    %get3A_1054 = arith.constant 368 : index
    %get3A_1055 = tpu.vector_load %arg7[%get3A_1054] {strides = array<i32>} : memref<400xf32, #tpu.memory_space<vmem>>, vector<16xf32>,
    %mul3A_1056 = arith.mulf %get3A_1055, %neg3A_605 : vector<16xf32>
    %div3A_1057 = arith.divf %mul3A_1056, %broadcast_in_dim3A_916 : vector<16xf32>
    %swap3A_1058 = arith.constant 368 : index
    %swap3A_1059 = tpu.vector_load %arg8[%swap3A_1058] {strides = array<i32>} : memref<400xf32, #tpu.memory_space<vmem>>, vector<16xf32>,
    tpu.vector_store %arg8[%swap3A_1058], %div3A_1057 {strides = array<i32>} : memref<400xf32, #tpu.memory_space<vmem>>, vector<16xf32>,
    %get3A_1060 = arith.constant 384 : index
    %get3A_1061 = tpu.vector_load %arg7[%get3A_1060] {strides = array<i32>} : memref<400xf32, #tpu.memory_space<vmem>>, vector<16xf32>,
    %mul3A_1062 = arith.mulf %get3A_1061, %neg3A_605 : vector<16xf32>
    %div3A_1063 = arith.divf %mul3A_1062, %broadcast_in_dim3A_916 : vector<16xf32>
    %swap3A_1064 = arith.constant 384 : index
    %swap3A_1065 = tpu.vector_load %arg8[%swap3A_1064] {strides = array<i32>} : memref<400xf32, #tpu.memory_space<vmem>>, vector<16xf32>,
    tpu.vector_store %arg8[%swap3A_1064], %div3A_1063 {strides = array<i32>} : memref<400xf32, #tpu.memory_space<vmem>>, vector<16xf32>,
    "tpu.region"() ({
      %run_scoped3A = tpu.sem_alloc : memref<!tpu.dma_semaphore, #tpu.memory_space<semaphore_mem>>
      %dma_start3A_2145 = arith.constant 0 : i32
      %dma_start3A_2146 = tpu.memref_slice %arg4[%add3A_4, %dma_start3A_2145] : memref<64x400xf32, #tpu.memory_space<hbm>> -> memref<1x400xf32, #tpu.memory_space<hbm>>
      %dma_start3A_2147 = tpu.memref_squeeze %dma_start3A_2146 : memref<1x400xf32, #tpu.memory_space<hbm>> -> memref<400xf32, #tpu.memory_space<hbm>>
      %dma_start3A_2148 = arith.constant 0 : i32
      %dma_start3A_2149 = tpu.memref_slice %arg4[%add3A_4, %dma_start3A_2148] : memref<64x400xf32, #tpu.memory_space<hbm>> -> memref<1x400xf32, #tpu.memory_space<hbm>>
      %dma_start3A_2150 = tpu.memref_squeeze %dma_start3A_2149 : memref<1x400xf32, #tpu.memory_space<hbm>> -> memref<400xf32, #tpu.memory_space<hbm>>
      tpu.enqueue_dma source(%arg8 : memref<400xf32, #tpu.memory_space<vmem>>) target(%dma_start3A_2150 : memref<400xf32, #tpu.memory_space<hbm>>) target_semaphore(%run_scoped3A : memref<!tpu.dma_semaphore, #tpu.memory_space<semaphore_mem>>)
      %dma_wait3A_2151 = arith.constant 0 : i32
      %dma_wait3A_2152 = tpu.memref_slice %arg4[%add3A_4, %dma_wait3A_2151] : memref<64x400xf32, #tpu.memory_space<hbm>> -> memref<1x400xf32, #tpu.memory_space<hbm>>
      %dma_wait3A_2153 = tpu.memref_squeeze %dma_wait3A_2152 : memref<1x400xf32, #tpu.memory_space<hbm>> -> memref<400xf32, #tpu.memory_space<hbm>>
      %dma_wait3A_2154 = arith.constant 0 : i32
      %dma_wait3A_2155 = tpu.memref_slice %arg4[%add3A_4, %dma_wait3A_2154] : memref<64x400xf32, #tpu.memory_space<hbm>> -> memref<1x400xf32, #tpu.memory_space<hbm>>
      %dma_wait3A_2156 = tpu.memref_squeeze %dma_wait3A_2155 : memref<1x400xf32, #tpu.memory_space<hbm>> -> memref<400xf32, #tpu.memory_space<hbm>>
      tpu.wait_dma2 semaphore(%run_scoped3A : memref<!tpu.dma_semaphore, #tpu.memory_space<semaphore_mem>>) src(%arg8 : memref<400xf32, #tpu.memory_space<vmem>>) dst(%dma_wait3A_2156 : memref<400xf32, #tpu.memory_space<hbm>>)
      tpu.yield
    }) : () -> ()
    %mul3A_1066 = arith.constant 2 : i32
    %mul3A_1067 = arith.muli %add3A, %mul3A_1066 : i32
    %add3A_1068 = arith.constant 1 : i32
    %add3A_1069 = arith.addi %mul3A_1067, %add3A_1068 : i32
    "tpu.region"() ({
      %run_scoped3A = tpu.sem_alloc : memref<!tpu.dma_semaphore, #tpu.memory_space<semaphore_mem>>
      %dma_start3A_2145 = arith.constant 0 : i32
      %dma_start3A_2146 = tpu.memref_slice %arg2[%add3A_1069, %dma_start3A_2145] : memref<64x784xf32, #tpu.memory_space<hbm>> -> memref<1x784xf32, #tpu.memory_space<hbm>>
      %dma_start3A_2147 = tpu.memref_squeeze %dma_start3A_2146 : memref<1x784xf32, #tpu.memory_space<hbm>> -> memref<784xf32, #tpu.memory_space<hbm>>
      %dma_start3A_2148 = arith.constant 0 : i32
      %dma_start3A_2149 = tpu.memref_slice %arg2[%add3A_1069, %dma_start3A_2148] : memref<64x784xf32, #tpu.memory_space<hbm>> -> memref<1x784xf32, #tpu.memory_space<hbm>>
      %dma_start3A_2150 = tpu.memref_squeeze %dma_start3A_2149 : memref<1x784xf32, #tpu.memory_space<hbm>> -> memref<784xf32, #tpu.memory_space<hbm>>
      tpu.enqueue_dma source(%dma_start3A_2150 : memref<784xf32, #tpu.memory_space<hbm>>) target(%arg5 : memref<784xf32, #tpu.memory_space<vmem>>) target_semaphore(%run_scoped3A : memref<!tpu.dma_semaphore, #tpu.memory_space<semaphore_mem>>)
      %dma_wait3A_2151 = arith.constant 0 : i32
      %dma_wait3A_2152 = tpu.memref_slice %arg2[%add3A_1069, %dma_wait3A_2151] : memref<64x784xf32, #tpu.memory_space<hbm>> -> memref<1x784xf32, #tpu.memory_space<hbm>>
      %dma_wait3A_2153 = tpu.memref_squeeze %dma_wait3A_2152 : memref<1x784xf32, #tpu.memory_space<hbm>> -> memref<784xf32, #tpu.memory_space<hbm>>
      %dma_wait3A_2154 = arith.constant 0 : i32
      %dma_wait3A_2155 = tpu.memref_slice %arg2[%add3A_1069, %dma_wait3A_2154] : memref<64x784xf32, #tpu.memory_space<hbm>> -> memref<1x784xf32, #tpu.memory_space<hbm>>
      %dma_wait3A_2156 = tpu.memref_squeeze %dma_wait3A_2155 : memref<1x784xf32, #tpu.memory_space<hbm>> -> memref<784xf32, #tpu.memory_space<hbm>>
      tpu.wait_dma2 semaphore(%run_scoped3A : memref<!tpu.dma_semaphore, #tpu.memory_space<semaphore_mem>>) src(%dma_wait3A_2156 : memref<784xf32, #tpu.memory_space<hbm>>) dst(%arg5 : memref<784xf32, #tpu.memory_space<vmem>>)
      tpu.yield
    }) : () -> ()
    %broadcast_in_dim3A_1070 = arith.constant 0x7F800000 : f32
    %broadcast_in_dim3A_1071 = vector.broadcast %broadcast_in_dim3A_1070 : f32 to vector<16xf32>
    %broadcast_in_dim3A_1072 = arith.constant 0 : i32
    %broadcast_in_dim3A_1073 = vector.broadcast %broadcast_in_dim3A_1072 : i32 to vector<16xi32>
    %get3A_1074 = arith.constant 0 : index
    %get3A_1075 = tpu.vector_load %arg5[%get3A_1074] {strides = array<i32>} : memref<784xf32, #tpu.memory_space<vmem>>, vector<16xf32>,
    %mul3A_1076 = arith.constant 1.790000e+00 : f32
    %mul3A_1077 = vector.broadcast %mul3A_1076 : f32 to vector<16xf32>
    %mul3A_1078 = arith.mulf %get3A_1075, %mul3A_1077 : vector<16xf32>
    %exp3A_1079 = math.exp %mul3A_1078 : vector<16xf32>
    %lt3A_1080 = arith.cmpf olt, %exp3A_1079, %broadcast_in_dim3A_1071 : vector<16xf32>
    %select_n3A_1081 = arith.select %lt3A_1080, %exp3A_1079, %broadcast_in_dim3A_1071 : vector<16xi1>, vector<16xf32>
    %add3A_1082 = arith.constant 0 : i32
    %add3A_1083 = vector.broadcast %add3A_1082 : i32 to vector<16xi32>
    %add3A_1084 = arith.addi %iota3A, %add3A_1083 : vector<16xi32>
    %select_n3A_1085 = arith.select %lt3A_1080, %add3A_1084, %broadcast_in_dim3A_1073 : vector<16xi1>, vector<16xi32>
    %get3A_1086 = arith.constant 16 : index
    %get3A_1087 = tpu.vector_load %arg5[%get3A_1086] {strides = array<i32>} : memref<784xf32, #tpu.memory_space<vmem>>, vector<16xf32>,
    %mul3A_1088 = arith.constant 1.790000e+00 : f32
    %mul3A_1089 = vector.broadcast %mul3A_1088 : f32 to vector<16xf32>
    %mul3A_1090 = arith.mulf %get3A_1087, %mul3A_1089 : vector<16xf32>
    %exp3A_1091 = math.exp %mul3A_1090 : vector<16xf32>
    %lt3A_1092 = arith.cmpf olt, %exp3A_1091, %select_n3A_1081 : vector<16xf32>
    %select_n3A_1093 = arith.select %lt3A_1092, %exp3A_1091, %select_n3A_1081 : vector<16xi1>, vector<16xf32>
    %add3A_1094 = arith.constant 16 : i32
    %add3A_1095 = vector.broadcast %add3A_1094 : i32 to vector<16xi32>
    %add3A_1096 = arith.addi %iota3A, %add3A_1095 : vector<16xi32>
    %select_n3A_1097 = arith.select %lt3A_1092, %add3A_1096, %select_n3A_1085 : vector<16xi1>, vector<16xi32>
    %get3A_1098 = arith.constant 32 : index
    %get3A_1099 = tpu.vector_load %arg5[%get3A_1098] {strides = array<i32>} : memref<784xf32, #tpu.memory_space<vmem>>, vector<16xf32>,
    %mul3A_1100 = arith.constant 1.790000e+00 : f32
    %mul3A_1101 = vector.broadcast %mul3A_1100 : f32 to vector<16xf32>
    %mul3A_1102 = arith.mulf %get3A_1099, %mul3A_1101 : vector<16xf32>
    %exp3A_1103 = math.exp %mul3A_1102 : vector<16xf32>
    %lt3A_1104 = arith.cmpf olt, %exp3A_1103, %select_n3A_1093 : vector<16xf32>
    %select_n3A_1105 = arith.select %lt3A_1104, %exp3A_1103, %select_n3A_1093 : vector<16xi1>, vector<16xf32>
    %add3A_1106 = arith.constant 32 : i32
    %add3A_1107 = vector.broadcast %add3A_1106 : i32 to vector<16xi32>
    %add3A_1108 = arith.addi %iota3A, %add3A_1107 : vector<16xi32>
    %select_n3A_1109 = arith.select %lt3A_1104, %add3A_1108, %select_n3A_1097 : vector<16xi1>, vector<16xi32>
    %get3A_1110 = arith.constant 48 : index
    %get3A_1111 = tpu.vector_load %arg5[%get3A_1110] {strides = array<i32>} : memref<784xf32, #tpu.memory_space<vmem>>, vector<16xf32>,
    %mul3A_1112 = arith.constant 1.790000e+00 : f32
    %mul3A_1113 = vector.broadcast %mul3A_1112 : f32 to vector<16xf32>
    %mul3A_1114 = arith.mulf %get3A_1111, %mul3A_1113 : vector<16xf32>
    %exp3A_1115 = math.exp %mul3A_1114 : vector<16xf32>
    %lt3A_1116 = arith.cmpf olt, %exp3A_1115, %select_n3A_1105 : vector<16xf32>
    %select_n3A_1117 = arith.select %lt3A_1116, %exp3A_1115, %select_n3A_1105 : vector<16xi1>, vector<16xf32>
    %add3A_1118 = arith.constant 48 : i32
    %add3A_1119 = vector.broadcast %add3A_1118 : i32 to vector<16xi32>
    %add3A_1120 = arith.addi %iota3A, %add3A_1119 : vector<16xi32>
    %select_n3A_1121 = arith.select %lt3A_1116, %add3A_1120, %select_n3A_1109 : vector<16xi1>, vector<16xi32>
    %get3A_1122 = arith.constant 64 : index
    %get3A_1123 = tpu.vector_load %arg5[%get3A_1122] {strides = array<i32>} : memref<784xf32, #tpu.memory_space<vmem>>, vector<16xf32>,
    %mul3A_1124 = arith.constant 1.790000e+00 : f32
    %mul3A_1125 = vector.broadcast %mul3A_1124 : f32 to vector<16xf32>
    %mul3A_1126 = arith.mulf %get3A_1123, %mul3A_1125 : vector<16xf32>
    %exp3A_1127 = math.exp %mul3A_1126 : vector<16xf32>
    %lt3A_1128 = arith.cmpf olt, %exp3A_1127, %select_n3A_1117 : vector<16xf32>
    %select_n3A_1129 = arith.select %lt3A_1128, %exp3A_1127, %select_n3A_1117 : vector<16xi1>, vector<16xf32>
    %add3A_1130 = arith.constant 64 : i32
    %add3A_1131 = vector.broadcast %add3A_1130 : i32 to vector<16xi32>
    %add3A_1132 = arith.addi %iota3A, %add3A_1131 : vector<16xi32>
    %select_n3A_1133 = arith.select %lt3A_1128, %add3A_1132, %select_n3A_1121 : vector<16xi1>, vector<16xi32>
    %get3A_1134 = arith.constant 80 : index
    %get3A_1135 = tpu.vector_load %arg5[%get3A_1134] {strides = array<i32>} : memref<784xf32, #tpu.memory_space<vmem>>, vector<16xf32>,
    %mul3A_1136 = arith.constant 1.790000e+00 : f32
    %mul3A_1137 = vector.broadcast %mul3A_1136 : f32 to vector<16xf32>
    %mul3A_1138 = arith.mulf %get3A_1135, %mul3A_1137 : vector<16xf32>
    %exp3A_1139 = math.exp %mul3A_1138 : vector<16xf32>
    %lt3A_1140 = arith.cmpf olt, %exp3A_1139, %select_n3A_1129 : vector<16xf32>
    %select_n3A_1141 = arith.select %lt3A_1140, %exp3A_1139, %select_n3A_1129 : vector<16xi1>, vector<16xf32>
    %add3A_1142 = arith.constant 80 : i32
    %add3A_1143 = vector.broadcast %add3A_1142 : i32 to vector<16xi32>
    %add3A_1144 = arith.addi %iota3A, %add3A_1143 : vector<16xi32>
    %select_n3A_1145 = arith.select %lt3A_1140, %add3A_1144, %select_n3A_1133 : vector<16xi1>, vector<16xi32>
    %get3A_1146 = arith.constant 96 : index
    %get3A_1147 = tpu.vector_load %arg5[%get3A_1146] {strides = array<i32>} : memref<784xf32, #tpu.memory_space<vmem>>, vector<16xf32>,
    %mul3A_1148 = arith.constant 1.790000e+00 : f32
    %mul3A_1149 = vector.broadcast %mul3A_1148 : f32 to vector<16xf32>
    %mul3A_1150 = arith.mulf %get3A_1147, %mul3A_1149 : vector<16xf32>
    %exp3A_1151 = math.exp %mul3A_1150 : vector<16xf32>
    %lt3A_1152 = arith.cmpf olt, %exp3A_1151, %select_n3A_1141 : vector<16xf32>
    %select_n3A_1153 = arith.select %lt3A_1152, %exp3A_1151, %select_n3A_1141 : vector<16xi1>, vector<16xf32>
    %add3A_1154 = arith.constant 96 : i32
    %add3A_1155 = vector.broadcast %add3A_1154 : i32 to vector<16xi32>
    %add3A_1156 = arith.addi %iota3A, %add3A_1155 : vector<16xi32>
    %select_n3A_1157 = arith.select %lt3A_1152, %add3A_1156, %select_n3A_1145 : vector<16xi1>, vector<16xi32>
    %get3A_1158 = arith.constant 112 : index
    %get3A_1159 = tpu.vector_load %arg5[%get3A_1158] {strides = array<i32>} : memref<784xf32, #tpu.memory_space<vmem>>, vector<16xf32>,
    %mul3A_1160 = arith.constant 1.790000e+00 : f32
    %mul3A_1161 = vector.broadcast %mul3A_1160 : f32 to vector<16xf32>
    %mul3A_1162 = arith.mulf %get3A_1159, %mul3A_1161 : vector<16xf32>
    %exp3A_1163 = math.exp %mul3A_1162 : vector<16xf32>
    %lt3A_1164 = arith.cmpf olt, %exp3A_1163, %select_n3A_1153 : vector<16xf32>
    %select_n3A_1165 = arith.select %lt3A_1164, %exp3A_1163, %select_n3A_1153 : vector<16xi1>, vector<16xf32>
    %add3A_1166 = arith.constant 112 : i32
    %add3A_1167 = vector.broadcast %add3A_1166 : i32 to vector<16xi32>
    %add3A_1168 = arith.addi %iota3A, %add3A_1167 : vector<16xi32>
    %select_n3A_1169 = arith.select %lt3A_1164, %add3A_1168, %select_n3A_1157 : vector<16xi1>, vector<16xi32>
    %get3A_1170 = arith.constant 128 : index
    %get3A_1171 = tpu.vector_load %arg5[%get3A_1170] {strides = array<i32>} : memref<784xf32, #tpu.memory_space<vmem>>, vector<16xf32>,
    %mul3A_1172 = arith.constant 1.790000e+00 : f32
    %mul3A_1173 = vector.broadcast %mul3A_1172 : f32 to vector<16xf32>
    %mul3A_1174 = arith.mulf %get3A_1171, %mul3A_1173 : vector<16xf32>
    %exp3A_1175 = math.exp %mul3A_1174 : vector<16xf32>
    %lt3A_1176 = arith.cmpf olt, %exp3A_1175, %select_n3A_1165 : vector<16xf32>
    %select_n3A_1177 = arith.select %lt3A_1176, %exp3A_1175, %select_n3A_1165 : vector<16xi1>, vector<16xf32>
    %add3A_1178 = arith.constant 128 : i32
    %add3A_1179 = vector.broadcast %add3A_1178 : i32 to vector<16xi32>
    %add3A_1180 = arith.addi %iota3A, %add3A_1179 : vector<16xi32>
    %select_n3A_1181 = arith.select %lt3A_1176, %add3A_1180, %select_n3A_1169 : vector<16xi1>, vector<16xi32>
    %get3A_1182 = arith.constant 144 : index
    %get3A_1183 = tpu.vector_load %arg5[%get3A_1182] {strides = array<i32>} : memref<784xf32, #tpu.memory_space<vmem>>, vector<16xf32>,
    %mul3A_1184 = arith.constant 1.790000e+00 : f32
    %mul3A_1185 = vector.broadcast %mul3A_1184 : f32 to vector<16xf32>
    %mul3A_1186 = arith.mulf %get3A_1183, %mul3A_1185 : vector<16xf32>
    %exp3A_1187 = math.exp %mul3A_1186 : vector<16xf32>
    %lt3A_1188 = arith.cmpf olt, %exp3A_1187, %select_n3A_1177 : vector<16xf32>
    %select_n3A_1189 = arith.select %lt3A_1188, %exp3A_1187, %select_n3A_1177 : vector<16xi1>, vector<16xf32>
    %add3A_1190 = arith.constant 144 : i32
    %add3A_1191 = vector.broadcast %add3A_1190 : i32 to vector<16xi32>
    %add3A_1192 = arith.addi %iota3A, %add3A_1191 : vector<16xi32>
    %select_n3A_1193 = arith.select %lt3A_1188, %add3A_1192, %select_n3A_1181 : vector<16xi1>, vector<16xi32>
    %get3A_1194 = arith.constant 160 : index
    %get3A_1195 = tpu.vector_load %arg5[%get3A_1194] {strides = array<i32>} : memref<784xf32, #tpu.memory_space<vmem>>, vector<16xf32>,
    %mul3A_1196 = arith.constant 1.790000e+00 : f32
    %mul3A_1197 = vector.broadcast %mul3A_1196 : f32 to vector<16xf32>
    %mul3A_1198 = arith.mulf %get3A_1195, %mul3A_1197 : vector<16xf32>
    %exp3A_1199 = math.exp %mul3A_1198 : vector<16xf32>
    %lt3A_1200 = arith.cmpf olt, %exp3A_1199, %select_n3A_1189 : vector<16xf32>
    %select_n3A_1201 = arith.select %lt3A_1200, %exp3A_1199, %select_n3A_1189 : vector<16xi1>, vector<16xf32>
    %add3A_1202 = arith.constant 160 : i32
    %add3A_1203 = vector.broadcast %add3A_1202 : i32 to vector<16xi32>
    %add3A_1204 = arith.addi %iota3A, %add3A_1203 : vector<16xi32>
    %select_n3A_1205 = arith.select %lt3A_1200, %add3A_1204, %select_n3A_1193 : vector<16xi1>, vector<16xi32>
    %get3A_1206 = arith.constant 176 : index
    %get3A_1207 = tpu.vector_load %arg5[%get3A_1206] {strides = array<i32>} : memref<784xf32, #tpu.memory_space<vmem>>, vector<16xf32>,
    %mul3A_1208 = arith.constant 1.790000e+00 : f32
    %mul3A_1209 = vector.broadcast %mul3A_1208 : f32 to vector<16xf32>
    %mul3A_1210 = arith.mulf %get3A_1207, %mul3A_1209 : vector<16xf32>
    %exp3A_1211 = math.exp %mul3A_1210 : vector<16xf32>
    %lt3A_1212 = arith.cmpf olt, %exp3A_1211, %select_n3A_1201 : vector<16xf32>
    %select_n3A_1213 = arith.select %lt3A_1212, %exp3A_1211, %select_n3A_1201 : vector<16xi1>, vector<16xf32>
    %add3A_1214 = arith.constant 176 : i32
    %add3A_1215 = vector.broadcast %add3A_1214 : i32 to vector<16xi32>
    %add3A_1216 = arith.addi %iota3A, %add3A_1215 : vector<16xi32>
    %select_n3A_1217 = arith.select %lt3A_1212, %add3A_1216, %select_n3A_1205 : vector<16xi1>, vector<16xi32>
    %get3A_1218 = arith.constant 192 : index
    %get3A_1219 = tpu.vector_load %arg5[%get3A_1218] {strides = array<i32>} : memref<784xf32, #tpu.memory_space<vmem>>, vector<16xf32>,
    %mul3A_1220 = arith.constant 1.790000e+00 : f32
    %mul3A_1221 = vector.broadcast %mul3A_1220 : f32 to vector<16xf32>
    %mul3A_1222 = arith.mulf %get3A_1219, %mul3A_1221 : vector<16xf32>
    %exp3A_1223 = math.exp %mul3A_1222 : vector<16xf32>
    %lt3A_1224 = arith.cmpf olt, %exp3A_1223, %select_n3A_1213 : vector<16xf32>
    %select_n3A_1225 = arith.select %lt3A_1224, %exp3A_1223, %select_n3A_1213 : vector<16xi1>, vector<16xf32>
    %add3A_1226 = arith.constant 192 : i32
    %add3A_1227 = vector.broadcast %add3A_1226 : i32 to vector<16xi32>
    %add3A_1228 = arith.addi %iota3A, %add3A_1227 : vector<16xi32>
    %select_n3A_1229 = arith.select %lt3A_1224, %add3A_1228, %select_n3A_1217 : vector<16xi1>, vector<16xi32>
    %get3A_1230 = arith.constant 208 : index
    %get3A_1231 = tpu.vector_load %arg5[%get3A_1230] {strides = array<i32>} : memref<784xf32, #tpu.memory_space<vmem>>, vector<16xf32>,
    %mul3A_1232 = arith.constant 1.790000e+00 : f32
    %mul3A_1233 = vector.broadcast %mul3A_1232 : f32 to vector<16xf32>
    %mul3A_1234 = arith.mulf %get3A_1231, %mul3A_1233 : vector<16xf32>
    %exp3A_1235 = math.exp %mul3A_1234 : vector<16xf32>
    %lt3A_1236 = arith.cmpf olt, %exp3A_1235, %select_n3A_1225 : vector<16xf32>
    %select_n3A_1237 = arith.select %lt3A_1236, %exp3A_1235, %select_n3A_1225 : vector<16xi1>, vector<16xf32>
    %add3A_1238 = arith.constant 208 : i32
    %add3A_1239 = vector.broadcast %add3A_1238 : i32 to vector<16xi32>
    %add3A_1240 = arith.addi %iota3A, %add3A_1239 : vector<16xi32>
    %select_n3A_1241 = arith.select %lt3A_1236, %add3A_1240, %select_n3A_1229 : vector<16xi1>, vector<16xi32>
    %get3A_1242 = arith.constant 224 : index
    %get3A_1243 = tpu.vector_load %arg5[%get3A_1242] {strides = array<i32>} : memref<784xf32, #tpu.memory_space<vmem>>, vector<16xf32>,
    %mul3A_1244 = arith.constant 1.790000e+00 : f32
    %mul3A_1245 = vector.broadcast %mul3A_1244 : f32 to vector<16xf32>
    %mul3A_1246 = arith.mulf %get3A_1243, %mul3A_1245 : vector<16xf32>
    %exp3A_1247 = math.exp %mul3A_1246 : vector<16xf32>
    %lt3A_1248 = arith.cmpf olt, %exp3A_1247, %select_n3A_1237 : vector<16xf32>
    %select_n3A_1249 = arith.select %lt3A_1248, %exp3A_1247, %select_n3A_1237 : vector<16xi1>, vector<16xf32>
    %add3A_1250 = arith.constant 224 : i32
    %add3A_1251 = vector.broadcast %add3A_1250 : i32 to vector<16xi32>
    %add3A_1252 = arith.addi %iota3A, %add3A_1251 : vector<16xi32>
    %select_n3A_1253 = arith.select %lt3A_1248, %add3A_1252, %select_n3A_1241 : vector<16xi1>, vector<16xi32>
    %get3A_1254 = arith.constant 240 : index
    %get3A_1255 = tpu.vector_load %arg5[%get3A_1254] {strides = array<i32>} : memref<784xf32, #tpu.memory_space<vmem>>, vector<16xf32>,
    %mul3A_1256 = arith.constant 1.790000e+00 : f32
    %mul3A_1257 = vector.broadcast %mul3A_1256 : f32 to vector<16xf32>
    %mul3A_1258 = arith.mulf %get3A_1255, %mul3A_1257 : vector<16xf32>
    %exp3A_1259 = math.exp %mul3A_1258 : vector<16xf32>
    %lt3A_1260 = arith.cmpf olt, %exp3A_1259, %select_n3A_1249 : vector<16xf32>
    %select_n3A_1261 = arith.select %lt3A_1260, %exp3A_1259, %select_n3A_1249 : vector<16xi1>, vector<16xf32>
    %add3A_1262 = arith.constant 240 : i32
    %add3A_1263 = vector.broadcast %add3A_1262 : i32 to vector<16xi32>
    %add3A_1264 = arith.addi %iota3A, %add3A_1263 : vector<16xi32>
    %select_n3A_1265 = arith.select %lt3A_1260, %add3A_1264, %select_n3A_1253 : vector<16xi1>, vector<16xi32>
    %get3A_1266 = arith.constant 256 : index
    %get3A_1267 = tpu.vector_load %arg5[%get3A_1266] {strides = array<i32>} : memref<784xf32, #tpu.memory_space<vmem>>, vector<16xf32>,
    %mul3A_1268 = arith.constant 1.790000e+00 : f32
    %mul3A_1269 = vector.broadcast %mul3A_1268 : f32 to vector<16xf32>
    %mul3A_1270 = arith.mulf %get3A_1267, %mul3A_1269 : vector<16xf32>
    %exp3A_1271 = math.exp %mul3A_1270 : vector<16xf32>
    %lt3A_1272 = arith.cmpf olt, %exp3A_1271, %select_n3A_1261 : vector<16xf32>
    %select_n3A_1273 = arith.select %lt3A_1272, %exp3A_1271, %select_n3A_1261 : vector<16xi1>, vector<16xf32>
    %add3A_1274 = arith.constant 256 : i32
    %add3A_1275 = vector.broadcast %add3A_1274 : i32 to vector<16xi32>
    %add3A_1276 = arith.addi %iota3A, %add3A_1275 : vector<16xi32>
    %select_n3A_1277 = arith.select %lt3A_1272, %add3A_1276, %select_n3A_1265 : vector<16xi1>, vector<16xi32>
    %get3A_1278 = arith.constant 272 : index
    %get3A_1279 = tpu.vector_load %arg5[%get3A_1278] {strides = array<i32>} : memref<784xf32, #tpu.memory_space<vmem>>, vector<16xf32>,
    %mul3A_1280 = arith.constant 1.790000e+00 : f32
    %mul3A_1281 = vector.broadcast %mul3A_1280 : f32 to vector<16xf32>
    %mul3A_1282 = arith.mulf %get3A_1279, %mul3A_1281 : vector<16xf32>
    %exp3A_1283 = math.exp %mul3A_1282 : vector<16xf32>
    %lt3A_1284 = arith.cmpf olt, %exp3A_1283, %select_n3A_1273 : vector<16xf32>
    %select_n3A_1285 = arith.select %lt3A_1284, %exp3A_1283, %select_n3A_1273 : vector<16xi1>, vector<16xf32>
    %add3A_1286 = arith.constant 272 : i32
    %add3A_1287 = vector.broadcast %add3A_1286 : i32 to vector<16xi32>
    %add3A_1288 = arith.addi %iota3A, %add3A_1287 : vector<16xi32>
    %select_n3A_1289 = arith.select %lt3A_1284, %add3A_1288, %select_n3A_1277 : vector<16xi1>, vector<16xi32>
    %get3A_1290 = arith.constant 288 : index
    %get3A_1291 = tpu.vector_load %arg5[%get3A_1290] {strides = array<i32>} : memref<784xf32, #tpu.memory_space<vmem>>, vector<16xf32>,
    %mul3A_1292 = arith.constant 1.790000e+00 : f32
    %mul3A_1293 = vector.broadcast %mul3A_1292 : f32 to vector<16xf32>
    %mul3A_1294 = arith.mulf %get3A_1291, %mul3A_1293 : vector<16xf32>
    %exp3A_1295 = math.exp %mul3A_1294 : vector<16xf32>
    %lt3A_1296 = arith.cmpf olt, %exp3A_1295, %select_n3A_1285 : vector<16xf32>
    %select_n3A_1297 = arith.select %lt3A_1296, %exp3A_1295, %select_n3A_1285 : vector<16xi1>, vector<16xf32>
    %add3A_1298 = arith.constant 288 : i32
    %add3A_1299 = vector.broadcast %add3A_1298 : i32 to vector<16xi32>
    %add3A_1300 = arith.addi %iota3A, %add3A_1299 : vector<16xi32>
    %select_n3A_1301 = arith.select %lt3A_1296, %add3A_1300, %select_n3A_1289 : vector<16xi1>, vector<16xi32>
    %get3A_1302 = arith.constant 304 : index
    %get3A_1303 = tpu.vector_load %arg5[%get3A_1302] {strides = array<i32>} : memref<784xf32, #tpu.memory_space<vmem>>, vector<16xf32>,
    %mul3A_1304 = arith.constant 1.790000e+00 : f32
    %mul3A_1305 = vector.broadcast %mul3A_1304 : f32 to vector<16xf32>
    %mul3A_1306 = arith.mulf %get3A_1303, %mul3A_1305 : vector<16xf32>
    %exp3A_1307 = math.exp %mul3A_1306 : vector<16xf32>
    %lt3A_1308 = arith.cmpf olt, %exp3A_1307, %select_n3A_1297 : vector<16xf32>
    %select_n3A_1309 = arith.select %lt3A_1308, %exp3A_1307, %select_n3A_1297 : vector<16xi1>, vector<16xf32>
    %add3A_1310 = arith.constant 304 : i32
    %add3A_1311 = vector.broadcast %add3A_1310 : i32 to vector<16xi32>
    %add3A_1312 = arith.addi %iota3A, %add3A_1311 : vector<16xi32>
    %select_n3A_1313 = arith.select %lt3A_1308, %add3A_1312, %select_n3A_1301 : vector<16xi1>, vector<16xi32>
    %get3A_1314 = arith.constant 320 : index
    %get3A_1315 = tpu.vector_load %arg5[%get3A_1314] {strides = array<i32>} : memref<784xf32, #tpu.memory_space<vmem>>, vector<16xf32>,
    %mul3A_1316 = arith.constant 1.790000e+00 : f32
    %mul3A_1317 = vector.broadcast %mul3A_1316 : f32 to vector<16xf32>
    %mul3A_1318 = arith.mulf %get3A_1315, %mul3A_1317 : vector<16xf32>
    %exp3A_1319 = math.exp %mul3A_1318 : vector<16xf32>
    %lt3A_1320 = arith.cmpf olt, %exp3A_1319, %select_n3A_1309 : vector<16xf32>
    %select_n3A_1321 = arith.select %lt3A_1320, %exp3A_1319, %select_n3A_1309 : vector<16xi1>, vector<16xf32>
    %add3A_1322 = arith.constant 320 : i32
    %add3A_1323 = vector.broadcast %add3A_1322 : i32 to vector<16xi32>
    %add3A_1324 = arith.addi %iota3A, %add3A_1323 : vector<16xi32>
    %select_n3A_1325 = arith.select %lt3A_1320, %add3A_1324, %select_n3A_1313 : vector<16xi1>, vector<16xi32>
    %get3A_1326 = arith.constant 336 : index
    %get3A_1327 = tpu.vector_load %arg5[%get3A_1326] {strides = array<i32>} : memref<784xf32, #tpu.memory_space<vmem>>, vector<16xf32>,
    %mul3A_1328 = arith.constant 1.790000e+00 : f32
    %mul3A_1329 = vector.broadcast %mul3A_1328 : f32 to vector<16xf32>
    %mul3A_1330 = arith.mulf %get3A_1327, %mul3A_1329 : vector<16xf32>
    %exp3A_1331 = math.exp %mul3A_1330 : vector<16xf32>
    %lt3A_1332 = arith.cmpf olt, %exp3A_1331, %select_n3A_1321 : vector<16xf32>
    %select_n3A_1333 = arith.select %lt3A_1332, %exp3A_1331, %select_n3A_1321 : vector<16xi1>, vector<16xf32>
    %add3A_1334 = arith.constant 336 : i32
    %add3A_1335 = vector.broadcast %add3A_1334 : i32 to vector<16xi32>
    %add3A_1336 = arith.addi %iota3A, %add3A_1335 : vector<16xi32>
    %select_n3A_1337 = arith.select %lt3A_1332, %add3A_1336, %select_n3A_1325 : vector<16xi1>, vector<16xi32>
    %get3A_1338 = arith.constant 352 : index
    %get3A_1339 = tpu.vector_load %arg5[%get3A_1338] {strides = array<i32>} : memref<784xf32, #tpu.memory_space<vmem>>, vector<16xf32>,
    %mul3A_1340 = arith.constant 1.790000e+00 : f32
    %mul3A_1341 = vector.broadcast %mul3A_1340 : f32 to vector<16xf32>
    %mul3A_1342 = arith.mulf %get3A_1339, %mul3A_1341 : vector<16xf32>
    %exp3A_1343 = math.exp %mul3A_1342 : vector<16xf32>
    %lt3A_1344 = arith.cmpf olt, %exp3A_1343, %select_n3A_1333 : vector<16xf32>
    %select_n3A_1345 = arith.select %lt3A_1344, %exp3A_1343, %select_n3A_1333 : vector<16xi1>, vector<16xf32>
    %add3A_1346 = arith.constant 352 : i32
    %add3A_1347 = vector.broadcast %add3A_1346 : i32 to vector<16xi32>
    %add3A_1348 = arith.addi %iota3A, %add3A_1347 : vector<16xi32>
    %select_n3A_1349 = arith.select %lt3A_1344, %add3A_1348, %select_n3A_1337 : vector<16xi1>, vector<16xi32>
    %get3A_1350 = arith.constant 368 : index
    %get3A_1351 = tpu.vector_load %arg5[%get3A_1350] {strides = array<i32>} : memref<784xf32, #tpu.memory_space<vmem>>, vector<16xf32>,
    %mul3A_1352 = arith.constant 1.790000e+00 : f32
    %mul3A_1353 = vector.broadcast %mul3A_1352 : f32 to vector<16xf32>
    %mul3A_1354 = arith.mulf %get3A_1351, %mul3A_1353 : vector<16xf32>
    %exp3A_1355 = math.exp %mul3A_1354 : vector<16xf32>
    %lt3A_1356 = arith.cmpf olt, %exp3A_1355, %select_n3A_1345 : vector<16xf32>
    %select_n3A_1357 = arith.select %lt3A_1356, %exp3A_1355, %select_n3A_1345 : vector<16xi1>, vector<16xf32>
    %add3A_1358 = arith.constant 368 : i32
    %add3A_1359 = vector.broadcast %add3A_1358 : i32 to vector<16xi32>
    %add3A_1360 = arith.addi %iota3A, %add3A_1359 : vector<16xi32>
    %select_n3A_1361 = arith.select %lt3A_1356, %add3A_1360, %select_n3A_1349 : vector<16xi1>, vector<16xi32>
    %get3A_1362 = arith.constant 384 : index
    %get3A_1363 = tpu.vector_load %arg5[%get3A_1362] {strides = array<i32>} : memref<784xf32, #tpu.memory_space<vmem>>, vector<16xf32>,
    %mul3A_1364 = arith.constant 1.790000e+00 : f32
    %mul3A_1365 = vector.broadcast %mul3A_1364 : f32 to vector<16xf32>
    %mul3A_1366 = arith.mulf %get3A_1363, %mul3A_1365 : vector<16xf32>
    %exp3A_1367 = math.exp %mul3A_1366 : vector<16xf32>
    %lt3A_1368 = arith.cmpf olt, %exp3A_1367, %select_n3A_1357 : vector<16xf32>
    %select_n3A_1369 = arith.select %lt3A_1368, %exp3A_1367, %select_n3A_1357 : vector<16xi1>, vector<16xf32>
    %add3A_1370 = arith.constant 384 : i32
    %add3A_1371 = vector.broadcast %add3A_1370 : i32 to vector<16xi32>
    %add3A_1372 = arith.addi %iota3A, %add3A_1371 : vector<16xi32>
    %select_n3A_1373 = arith.select %lt3A_1368, %add3A_1372, %select_n3A_1361 : vector<16xi1>, vector<16xi32>
    %get3A_1374 = arith.constant 400 : index
    %get3A_1375 = tpu.vector_load %arg5[%get3A_1374] {strides = array<i32>} : memref<784xf32, #tpu.memory_space<vmem>>, vector<16xf32>,
    %mul3A_1376 = arith.constant 1.790000e+00 : f32
    %mul3A_1377 = vector.broadcast %mul3A_1376 : f32 to vector<16xf32>
    %mul3A_1378 = arith.mulf %get3A_1375, %mul3A_1377 : vector<16xf32>
    %exp3A_1379 = math.exp %mul3A_1378 : vector<16xf32>
    %lt3A_1380 = arith.cmpf olt, %exp3A_1379, %select_n3A_1369 : vector<16xf32>
    %select_n3A_1381 = arith.select %lt3A_1380, %exp3A_1379, %select_n3A_1369 : vector<16xi1>, vector<16xf32>
    %add3A_1382 = arith.constant 400 : i32
    %add3A_1383 = vector.broadcast %add3A_1382 : i32 to vector<16xi32>
    %add3A_1384 = arith.addi %iota3A, %add3A_1383 : vector<16xi32>
    %select_n3A_1385 = arith.select %lt3A_1380, %add3A_1384, %select_n3A_1373 : vector<16xi1>, vector<16xi32>
    %get3A_1386 = arith.constant 416 : index
    %get3A_1387 = tpu.vector_load %arg5[%get3A_1386] {strides = array<i32>} : memref<784xf32, #tpu.memory_space<vmem>>, vector<16xf32>,
    %mul3A_1388 = arith.constant 1.790000e+00 : f32
    %mul3A_1389 = vector.broadcast %mul3A_1388 : f32 to vector<16xf32>
    %mul3A_1390 = arith.mulf %get3A_1387, %mul3A_1389 : vector<16xf32>
    %exp3A_1391 = math.exp %mul3A_1390 : vector<16xf32>
    %lt3A_1392 = arith.cmpf olt, %exp3A_1391, %select_n3A_1381 : vector<16xf32>
    %select_n3A_1393 = arith.select %lt3A_1392, %exp3A_1391, %select_n3A_1381 : vector<16xi1>, vector<16xf32>
    %add3A_1394 = arith.constant 416 : i32
    %add3A_1395 = vector.broadcast %add3A_1394 : i32 to vector<16xi32>
    %add3A_1396 = arith.addi %iota3A, %add3A_1395 : vector<16xi32>
    %select_n3A_1397 = arith.select %lt3A_1392, %add3A_1396, %select_n3A_1385 : vector<16xi1>, vector<16xi32>
    %get3A_1398 = arith.constant 432 : index
    %get3A_1399 = tpu.vector_load %arg5[%get3A_1398] {strides = array<i32>} : memref<784xf32, #tpu.memory_space<vmem>>, vector<16xf32>,
    %mul3A_1400 = arith.constant 1.790000e+00 : f32
    %mul3A_1401 = vector.broadcast %mul3A_1400 : f32 to vector<16xf32>
    %mul3A_1402 = arith.mulf %get3A_1399, %mul3A_1401 : vector<16xf32>
    %exp3A_1403 = math.exp %mul3A_1402 : vector<16xf32>
    %lt3A_1404 = arith.cmpf olt, %exp3A_1403, %select_n3A_1393 : vector<16xf32>
    %select_n3A_1405 = arith.select %lt3A_1404, %exp3A_1403, %select_n3A_1393 : vector<16xi1>, vector<16xf32>
    %add3A_1406 = arith.constant 432 : i32
    %add3A_1407 = vector.broadcast %add3A_1406 : i32 to vector<16xi32>
    %add3A_1408 = arith.addi %iota3A, %add3A_1407 : vector<16xi32>
    %select_n3A_1409 = arith.select %lt3A_1404, %add3A_1408, %select_n3A_1397 : vector<16xi1>, vector<16xi32>
    %get3A_1410 = arith.constant 448 : index
    %get3A_1411 = tpu.vector_load %arg5[%get3A_1410] {strides = array<i32>} : memref<784xf32, #tpu.memory_space<vmem>>, vector<16xf32>,
    %mul3A_1412 = arith.constant 1.790000e+00 : f32
    %mul3A_1413 = vector.broadcast %mul3A_1412 : f32 to vector<16xf32>
    %mul3A_1414 = arith.mulf %get3A_1411, %mul3A_1413 : vector<16xf32>
    %exp3A_1415 = math.exp %mul3A_1414 : vector<16xf32>
    %lt3A_1416 = arith.cmpf olt, %exp3A_1415, %select_n3A_1405 : vector<16xf32>
    %select_n3A_1417 = arith.select %lt3A_1416, %exp3A_1415, %select_n3A_1405 : vector<16xi1>, vector<16xf32>
    %add3A_1418 = arith.constant 448 : i32
    %add3A_1419 = vector.broadcast %add3A_1418 : i32 to vector<16xi32>
    %add3A_1420 = arith.addi %iota3A, %add3A_1419 : vector<16xi32>
    %select_n3A_1421 = arith.select %lt3A_1416, %add3A_1420, %select_n3A_1409 : vector<16xi1>, vector<16xi32>
    %get3A_1422 = arith.constant 464 : index
    %get3A_1423 = tpu.vector_load %arg5[%get3A_1422] {strides = array<i32>} : memref<784xf32, #tpu.memory_space<vmem>>, vector<16xf32>,
    %mul3A_1424 = arith.constant 1.790000e+00 : f32
    %mul3A_1425 = vector.broadcast %mul3A_1424 : f32 to vector<16xf32>
    %mul3A_1426 = arith.mulf %get3A_1423, %mul3A_1425 : vector<16xf32>
    %exp3A_1427 = math.exp %mul3A_1426 : vector<16xf32>
    %lt3A_1428 = arith.cmpf olt, %exp3A_1427, %select_n3A_1417 : vector<16xf32>
    %select_n3A_1429 = arith.select %lt3A_1428, %exp3A_1427, %select_n3A_1417 : vector<16xi1>, vector<16xf32>
    %add3A_1430 = arith.constant 464 : i32
    %add3A_1431 = vector.broadcast %add3A_1430 : i32 to vector<16xi32>
    %add3A_1432 = arith.addi %iota3A, %add3A_1431 : vector<16xi32>
    %select_n3A_1433 = arith.select %lt3A_1428, %add3A_1432, %select_n3A_1421 : vector<16xi1>, vector<16xi32>
    %get3A_1434 = arith.constant 480 : index
    %get3A_1435 = tpu.vector_load %arg5[%get3A_1434] {strides = array<i32>} : memref<784xf32, #tpu.memory_space<vmem>>, vector<16xf32>,
    %mul3A_1436 = arith.constant 1.790000e+00 : f32
    %mul3A_1437 = vector.broadcast %mul3A_1436 : f32 to vector<16xf32>
    %mul3A_1438 = arith.mulf %get3A_1435, %mul3A_1437 : vector<16xf32>
    %exp3A_1439 = math.exp %mul3A_1438 : vector<16xf32>
    %lt3A_1440 = arith.cmpf olt, %exp3A_1439, %select_n3A_1429 : vector<16xf32>
    %select_n3A_1441 = arith.select %lt3A_1440, %exp3A_1439, %select_n3A_1429 : vector<16xi1>, vector<16xf32>
    %add3A_1442 = arith.constant 480 : i32
    %add3A_1443 = vector.broadcast %add3A_1442 : i32 to vector<16xi32>
    %add3A_1444 = arith.addi %iota3A, %add3A_1443 : vector<16xi32>
    %select_n3A_1445 = arith.select %lt3A_1440, %add3A_1444, %select_n3A_1433 : vector<16xi1>, vector<16xi32>
    %get3A_1446 = arith.constant 496 : index
    %get3A_1447 = tpu.vector_load %arg5[%get3A_1446] {strides = array<i32>} : memref<784xf32, #tpu.memory_space<vmem>>, vector<16xf32>,
    %mul3A_1448 = arith.constant 1.790000e+00 : f32
    %mul3A_1449 = vector.broadcast %mul3A_1448 : f32 to vector<16xf32>
    %mul3A_1450 = arith.mulf %get3A_1447, %mul3A_1449 : vector<16xf32>
    %exp3A_1451 = math.exp %mul3A_1450 : vector<16xf32>
    %lt3A_1452 = arith.cmpf olt, %exp3A_1451, %select_n3A_1441 : vector<16xf32>
    %select_n3A_1453 = arith.select %lt3A_1452, %exp3A_1451, %select_n3A_1441 : vector<16xi1>, vector<16xf32>
    %add3A_1454 = arith.constant 496 : i32
    %add3A_1455 = vector.broadcast %add3A_1454 : i32 to vector<16xi32>
    %add3A_1456 = arith.addi %iota3A, %add3A_1455 : vector<16xi32>
    %select_n3A_1457 = arith.select %lt3A_1452, %add3A_1456, %select_n3A_1445 : vector<16xi1>, vector<16xi32>
    %get3A_1458 = arith.constant 512 : index
    %get3A_1459 = tpu.vector_load %arg5[%get3A_1458] {strides = array<i32>} : memref<784xf32, #tpu.memory_space<vmem>>, vector<16xf32>,
    %mul3A_1460 = arith.constant 1.790000e+00 : f32
    %mul3A_1461 = vector.broadcast %mul3A_1460 : f32 to vector<16xf32>
    %mul3A_1462 = arith.mulf %get3A_1459, %mul3A_1461 : vector<16xf32>
    %exp3A_1463 = math.exp %mul3A_1462 : vector<16xf32>
    %lt3A_1464 = arith.cmpf olt, %exp3A_1463, %select_n3A_1453 : vector<16xf32>
    %select_n3A_1465 = arith.select %lt3A_1464, %exp3A_1463, %select_n3A_1453 : vector<16xi1>, vector<16xf32>
    %add3A_1466 = arith.constant 512 : i32
    %add3A_1467 = vector.broadcast %add3A_1466 : i32 to vector<16xi32>
    %add3A_1468 = arith.addi %iota3A, %add3A_1467 : vector<16xi32>
    %select_n3A_1469 = arith.select %lt3A_1464, %add3A_1468, %select_n3A_1457 : vector<16xi1>, vector<16xi32>
    %get3A_1470 = arith.constant 528 : index
    %get3A_1471 = tpu.vector_load %arg5[%get3A_1470] {strides = array<i32>} : memref<784xf32, #tpu.memory_space<vmem>>, vector<16xf32>,
    %mul3A_1472 = arith.constant 1.790000e+00 : f32
    %mul3A_1473 = vector.broadcast %mul3A_1472 : f32 to vector<16xf32>
    %mul3A_1474 = arith.mulf %get3A_1471, %mul3A_1473 : vector<16xf32>
    %exp3A_1475 = math.exp %mul3A_1474 : vector<16xf32>
    %lt3A_1476 = arith.cmpf olt, %exp3A_1475, %select_n3A_1465 : vector<16xf32>
    %select_n3A_1477 = arith.select %lt3A_1476, %exp3A_1475, %select_n3A_1465 : vector<16xi1>, vector<16xf32>
    %add3A_1478 = arith.constant 528 : i32
    %add3A_1479 = vector.broadcast %add3A_1478 : i32 to vector<16xi32>
    %add3A_1480 = arith.addi %iota3A, %add3A_1479 : vector<16xi32>
    %select_n3A_1481 = arith.select %lt3A_1476, %add3A_1480, %select_n3A_1469 : vector<16xi1>, vector<16xi32>
    %get3A_1482 = arith.constant 544 : index
    %get3A_1483 = tpu.vector_load %arg5[%get3A_1482] {strides = array<i32>} : memref<784xf32, #tpu.memory_space<vmem>>, vector<16xf32>,
    %mul3A_1484 = arith.constant 1.790000e+00 : f32
    %mul3A_1485 = vector.broadcast %mul3A_1484 : f32 to vector<16xf32>
    %mul3A_1486 = arith.mulf %get3A_1483, %mul3A_1485 : vector<16xf32>
    %exp3A_1487 = math.exp %mul3A_1486 : vector<16xf32>
    %lt3A_1488 = arith.cmpf olt, %exp3A_1487, %select_n3A_1477 : vector<16xf32>
    %select_n3A_1489 = arith.select %lt3A_1488, %exp3A_1487, %select_n3A_1477 : vector<16xi1>, vector<16xf32>
    %add3A_1490 = arith.constant 544 : i32
    %add3A_1491 = vector.broadcast %add3A_1490 : i32 to vector<16xi32>
    %add3A_1492 = arith.addi %iota3A, %add3A_1491 : vector<16xi32>
    %select_n3A_1493 = arith.select %lt3A_1488, %add3A_1492, %select_n3A_1481 : vector<16xi1>, vector<16xi32>
    %get3A_1494 = arith.constant 560 : index
    %get3A_1495 = tpu.vector_load %arg5[%get3A_1494] {strides = array<i32>} : memref<784xf32, #tpu.memory_space<vmem>>, vector<16xf32>,
    %mul3A_1496 = arith.constant 1.790000e+00 : f32
    %mul3A_1497 = vector.broadcast %mul3A_1496 : f32 to vector<16xf32>
    %mul3A_1498 = arith.mulf %get3A_1495, %mul3A_1497 : vector<16xf32>
    %exp3A_1499 = math.exp %mul3A_1498 : vector<16xf32>
    %lt3A_1500 = arith.cmpf olt, %exp3A_1499, %select_n3A_1489 : vector<16xf32>
    %select_n3A_1501 = arith.select %lt3A_1500, %exp3A_1499, %select_n3A_1489 : vector<16xi1>, vector<16xf32>
    %add3A_1502 = arith.constant 560 : i32
    %add3A_1503 = vector.broadcast %add3A_1502 : i32 to vector<16xi32>
    %add3A_1504 = arith.addi %iota3A, %add3A_1503 : vector<16xi32>
    %select_n3A_1505 = arith.select %lt3A_1500, %add3A_1504, %select_n3A_1493 : vector<16xi1>, vector<16xi32>
    %get3A_1506 = arith.constant 576 : index
    %get3A_1507 = tpu.vector_load %arg5[%get3A_1506] {strides = array<i32>} : memref<784xf32, #tpu.memory_space<vmem>>, vector<16xf32>,
    %mul3A_1508 = arith.constant 1.790000e+00 : f32
    %mul3A_1509 = vector.broadcast %mul3A_1508 : f32 to vector<16xf32>
    %mul3A_1510 = arith.mulf %get3A_1507, %mul3A_1509 : vector<16xf32>
    %exp3A_1511 = math.exp %mul3A_1510 : vector<16xf32>
    %lt3A_1512 = arith.cmpf olt, %exp3A_1511, %select_n3A_1501 : vector<16xf32>
    %select_n3A_1513 = arith.select %lt3A_1512, %exp3A_1511, %select_n3A_1501 : vector<16xi1>, vector<16xf32>
    %add3A_1514 = arith.constant 576 : i32
    %add3A_1515 = vector.broadcast %add3A_1514 : i32 to vector<16xi32>
    %add3A_1516 = arith.addi %iota3A, %add3A_1515 : vector<16xi32>
    %select_n3A_1517 = arith.select %lt3A_1512, %add3A_1516, %select_n3A_1505 : vector<16xi1>, vector<16xi32>
    %get3A_1518 = arith.constant 592 : index
    %get3A_1519 = tpu.vector_load %arg5[%get3A_1518] {strides = array<i32>} : memref<784xf32, #tpu.memory_space<vmem>>, vector<16xf32>,
    %mul3A_1520 = arith.constant 1.790000e+00 : f32
    %mul3A_1521 = vector.broadcast %mul3A_1520 : f32 to vector<16xf32>
    %mul3A_1522 = arith.mulf %get3A_1519, %mul3A_1521 : vector<16xf32>
    %exp3A_1523 = math.exp %mul3A_1522 : vector<16xf32>
    %lt3A_1524 = arith.cmpf olt, %exp3A_1523, %select_n3A_1513 : vector<16xf32>
    %select_n3A_1525 = arith.select %lt3A_1524, %exp3A_1523, %select_n3A_1513 : vector<16xi1>, vector<16xf32>
    %add3A_1526 = arith.constant 592 : i32
    %add3A_1527 = vector.broadcast %add3A_1526 : i32 to vector<16xi32>
    %add3A_1528 = arith.addi %iota3A, %add3A_1527 : vector<16xi32>
    %select_n3A_1529 = arith.select %lt3A_1524, %add3A_1528, %select_n3A_1517 : vector<16xi1>, vector<16xi32>
    %get3A_1530 = arith.constant 608 : index
    %get3A_1531 = tpu.vector_load %arg5[%get3A_1530] {strides = array<i32>} : memref<784xf32, #tpu.memory_space<vmem>>, vector<16xf32>,
    %mul3A_1532 = arith.constant 1.790000e+00 : f32
    %mul3A_1533 = vector.broadcast %mul3A_1532 : f32 to vector<16xf32>
    %mul3A_1534 = arith.mulf %get3A_1531, %mul3A_1533 : vector<16xf32>
    %exp3A_1535 = math.exp %mul3A_1534 : vector<16xf32>
    %lt3A_1536 = arith.cmpf olt, %exp3A_1535, %select_n3A_1525 : vector<16xf32>
    %select_n3A_1537 = arith.select %lt3A_1536, %exp3A_1535, %select_n3A_1525 : vector<16xi1>, vector<16xf32>
    %add3A_1538 = arith.constant 608 : i32
    %add3A_1539 = vector.broadcast %add3A_1538 : i32 to vector<16xi32>
    %add3A_1540 = arith.addi %iota3A, %add3A_1539 : vector<16xi32>
    %select_n3A_1541 = arith.select %lt3A_1536, %add3A_1540, %select_n3A_1529 : vector<16xi1>, vector<16xi32>
    %get3A_1542 = arith.constant 624 : index
    %get3A_1543 = tpu.vector_load %arg5[%get3A_1542] {strides = array<i32>} : memref<784xf32, #tpu.memory_space<vmem>>, vector<16xf32>,
    %mul3A_1544 = arith.constant 1.790000e+00 : f32
    %mul3A_1545 = vector.broadcast %mul3A_1544 : f32 to vector<16xf32>
    %mul3A_1546 = arith.mulf %get3A_1543, %mul3A_1545 : vector<16xf32>
    %exp3A_1547 = math.exp %mul3A_1546 : vector<16xf32>
    %lt3A_1548 = arith.cmpf olt, %exp3A_1547, %select_n3A_1537 : vector<16xf32>
    %select_n3A_1549 = arith.select %lt3A_1548, %exp3A_1547, %select_n3A_1537 : vector<16xi1>, vector<16xf32>
    %add3A_1550 = arith.constant 624 : i32
    %add3A_1551 = vector.broadcast %add3A_1550 : i32 to vector<16xi32>
    %add3A_1552 = arith.addi %iota3A, %add3A_1551 : vector<16xi32>
    %select_n3A_1553 = arith.select %lt3A_1548, %add3A_1552, %select_n3A_1541 : vector<16xi1>, vector<16xi32>
    %get3A_1554 = arith.constant 640 : index
    %get3A_1555 = tpu.vector_load %arg5[%get3A_1554] {strides = array<i32>} : memref<784xf32, #tpu.memory_space<vmem>>, vector<16xf32>,
    %mul3A_1556 = arith.constant 1.790000e+00 : f32
    %mul3A_1557 = vector.broadcast %mul3A_1556 : f32 to vector<16xf32>
    %mul3A_1558 = arith.mulf %get3A_1555, %mul3A_1557 : vector<16xf32>
    %exp3A_1559 = math.exp %mul3A_1558 : vector<16xf32>
    %lt3A_1560 = arith.cmpf olt, %exp3A_1559, %select_n3A_1549 : vector<16xf32>
    %select_n3A_1561 = arith.select %lt3A_1560, %exp3A_1559, %select_n3A_1549 : vector<16xi1>, vector<16xf32>
    %add3A_1562 = arith.constant 640 : i32
    %add3A_1563 = vector.broadcast %add3A_1562 : i32 to vector<16xi32>
    %add3A_1564 = arith.addi %iota3A, %add3A_1563 : vector<16xi32>
    %select_n3A_1565 = arith.select %lt3A_1560, %add3A_1564, %select_n3A_1553 : vector<16xi1>, vector<16xi32>
    %get3A_1566 = arith.constant 656 : index
    %get3A_1567 = tpu.vector_load %arg5[%get3A_1566] {strides = array<i32>} : memref<784xf32, #tpu.memory_space<vmem>>, vector<16xf32>,
    %mul3A_1568 = arith.constant 1.790000e+00 : f32
    %mul3A_1569 = vector.broadcast %mul3A_1568 : f32 to vector<16xf32>
    %mul3A_1570 = arith.mulf %get3A_1567, %mul3A_1569 : vector<16xf32>
    %exp3A_1571 = math.exp %mul3A_1570 : vector<16xf32>
    %lt3A_1572 = arith.cmpf olt, %exp3A_1571, %select_n3A_1561 : vector<16xf32>
    %select_n3A_1573 = arith.select %lt3A_1572, %exp3A_1571, %select_n3A_1561 : vector<16xi1>, vector<16xf32>
    %add3A_1574 = arith.constant 656 : i32
    %add3A_1575 = vector.broadcast %add3A_1574 : i32 to vector<16xi32>
    %add3A_1576 = arith.addi %iota3A, %add3A_1575 : vector<16xi32>
    %select_n3A_1577 = arith.select %lt3A_1572, %add3A_1576, %select_n3A_1565 : vector<16xi1>, vector<16xi32>
    %get3A_1578 = arith.constant 672 : index
    %get3A_1579 = tpu.vector_load %arg5[%get3A_1578] {strides = array<i32>} : memref<784xf32, #tpu.memory_space<vmem>>, vector<16xf32>,
    %mul3A_1580 = arith.constant 1.790000e+00 : f32
    %mul3A_1581 = vector.broadcast %mul3A_1580 : f32 to vector<16xf32>
    %mul3A_1582 = arith.mulf %get3A_1579, %mul3A_1581 : vector<16xf32>
    %exp3A_1583 = math.exp %mul3A_1582 : vector<16xf32>
    %lt3A_1584 = arith.cmpf olt, %exp3A_1583, %select_n3A_1573 : vector<16xf32>
    %select_n3A_1585 = arith.select %lt3A_1584, %exp3A_1583, %select_n3A_1573 : vector<16xi1>, vector<16xf32>
    %add3A_1586 = arith.constant 672 : i32
    %add3A_1587 = vector.broadcast %add3A_1586 : i32 to vector<16xi32>
    %add3A_1588 = arith.addi %iota3A, %add3A_1587 : vector<16xi32>
    %select_n3A_1589 = arith.select %lt3A_1584, %add3A_1588, %select_n3A_1577 : vector<16xi1>, vector<16xi32>
    %get3A_1590 = arith.constant 688 : index
    %get3A_1591 = tpu.vector_load %arg5[%get3A_1590] {strides = array<i32>} : memref<784xf32, #tpu.memory_space<vmem>>, vector<16xf32>,
    %mul3A_1592 = arith.constant 1.790000e+00 : f32
    %mul3A_1593 = vector.broadcast %mul3A_1592 : f32 to vector<16xf32>
    %mul3A_1594 = arith.mulf %get3A_1591, %mul3A_1593 : vector<16xf32>
    %exp3A_1595 = math.exp %mul3A_1594 : vector<16xf32>
    %lt3A_1596 = arith.cmpf olt, %exp3A_1595, %select_n3A_1585 : vector<16xf32>
    %select_n3A_1597 = arith.select %lt3A_1596, %exp3A_1595, %select_n3A_1585 : vector<16xi1>, vector<16xf32>
    %add3A_1598 = arith.constant 688 : i32
    %add3A_1599 = vector.broadcast %add3A_1598 : i32 to vector<16xi32>
    %add3A_1600 = arith.addi %iota3A, %add3A_1599 : vector<16xi32>
    %select_n3A_1601 = arith.select %lt3A_1596, %add3A_1600, %select_n3A_1589 : vector<16xi1>, vector<16xi32>
    %get3A_1602 = arith.constant 704 : index
    %get3A_1603 = tpu.vector_load %arg5[%get3A_1602] {strides = array<i32>} : memref<784xf32, #tpu.memory_space<vmem>>, vector<16xf32>,
    %mul3A_1604 = arith.constant 1.790000e+00 : f32
    %mul3A_1605 = vector.broadcast %mul3A_1604 : f32 to vector<16xf32>
    %mul3A_1606 = arith.mulf %get3A_1603, %mul3A_1605 : vector<16xf32>
    %exp3A_1607 = math.exp %mul3A_1606 : vector<16xf32>
    %lt3A_1608 = arith.cmpf olt, %exp3A_1607, %select_n3A_1597 : vector<16xf32>
    %select_n3A_1609 = arith.select %lt3A_1608, %exp3A_1607, %select_n3A_1597 : vector<16xi1>, vector<16xf32>
    %add3A_1610 = arith.constant 704 : i32
    %add3A_1611 = vector.broadcast %add3A_1610 : i32 to vector<16xi32>
    %add3A_1612 = arith.addi %iota3A, %add3A_1611 : vector<16xi32>
    %select_n3A_1613 = arith.select %lt3A_1608, %add3A_1612, %select_n3A_1601 : vector<16xi1>, vector<16xi32>
    %get3A_1614 = arith.constant 720 : index
    %get3A_1615 = tpu.vector_load %arg5[%get3A_1614] {strides = array<i32>} : memref<784xf32, #tpu.memory_space<vmem>>, vector<16xf32>,
    %mul3A_1616 = arith.constant 1.790000e+00 : f32
    %mul3A_1617 = vector.broadcast %mul3A_1616 : f32 to vector<16xf32>
    %mul3A_1618 = arith.mulf %get3A_1615, %mul3A_1617 : vector<16xf32>
    %exp3A_1619 = math.exp %mul3A_1618 : vector<16xf32>
    %lt3A_1620 = arith.cmpf olt, %exp3A_1619, %select_n3A_1609 : vector<16xf32>
    %select_n3A_1621 = arith.select %lt3A_1620, %exp3A_1619, %select_n3A_1609 : vector<16xi1>, vector<16xf32>
    %add3A_1622 = arith.constant 720 : i32
    %add3A_1623 = vector.broadcast %add3A_1622 : i32 to vector<16xi32>
    %add3A_1624 = arith.addi %iota3A, %add3A_1623 : vector<16xi32>
    %select_n3A_1625 = arith.select %lt3A_1620, %add3A_1624, %select_n3A_1613 : vector<16xi1>, vector<16xi32>
    %get3A_1626 = arith.constant 736 : index
    %get3A_1627 = tpu.vector_load %arg5[%get3A_1626] {strides = array<i32>} : memref<784xf32, #tpu.memory_space<vmem>>, vector<16xf32>,
    %mul3A_1628 = arith.constant 1.790000e+00 : f32
    %mul3A_1629 = vector.broadcast %mul3A_1628 : f32 to vector<16xf32>
    %mul3A_1630 = arith.mulf %get3A_1627, %mul3A_1629 : vector<16xf32>
    %exp3A_1631 = math.exp %mul3A_1630 : vector<16xf32>
    %lt3A_1632 = arith.cmpf olt, %exp3A_1631, %select_n3A_1621 : vector<16xf32>
    %select_n3A_1633 = arith.select %lt3A_1632, %exp3A_1631, %select_n3A_1621 : vector<16xi1>, vector<16xf32>
    %add3A_1634 = arith.constant 736 : i32
    %add3A_1635 = vector.broadcast %add3A_1634 : i32 to vector<16xi32>
    %add3A_1636 = arith.addi %iota3A, %add3A_1635 : vector<16xi32>
    %select_n3A_1637 = arith.select %lt3A_1632, %add3A_1636, %select_n3A_1625 : vector<16xi1>, vector<16xi32>
    %get3A_1638 = arith.constant 752 : index
    %get3A_1639 = tpu.vector_load %arg5[%get3A_1638] {strides = array<i32>} : memref<784xf32, #tpu.memory_space<vmem>>, vector<16xf32>,
    %mul3A_1640 = arith.constant 1.790000e+00 : f32
    %mul3A_1641 = vector.broadcast %mul3A_1640 : f32 to vector<16xf32>
    %mul3A_1642 = arith.mulf %get3A_1639, %mul3A_1641 : vector<16xf32>
    %exp3A_1643 = math.exp %mul3A_1642 : vector<16xf32>
    %lt3A_1644 = arith.cmpf olt, %exp3A_1643, %select_n3A_1633 : vector<16xf32>
    %select_n3A_1645 = arith.select %lt3A_1644, %exp3A_1643, %select_n3A_1633 : vector<16xi1>, vector<16xf32>
    %add3A_1646 = arith.constant 752 : i32
    %add3A_1647 = vector.broadcast %add3A_1646 : i32 to vector<16xi32>
    %add3A_1648 = arith.addi %iota3A, %add3A_1647 : vector<16xi32>
    %select_n3A_1649 = arith.select %lt3A_1644, %add3A_1648, %select_n3A_1637 : vector<16xi1>, vector<16xi32>
    %get3A_1650 = arith.constant 768 : index
    %get3A_1651 = tpu.vector_load %arg5[%get3A_1650] {strides = array<i32>} : memref<784xf32, #tpu.memory_space<vmem>>, vector<16xf32>,
    %mul3A_1652 = arith.constant 1.790000e+00 : f32
    %mul3A_1653 = vector.broadcast %mul3A_1652 : f32 to vector<16xf32>
    %mul3A_1654 = arith.mulf %get3A_1651, %mul3A_1653 : vector<16xf32>
    %exp3A_1655 = math.exp %mul3A_1654 : vector<16xf32>
    %lt3A_1656 = arith.cmpf olt, %exp3A_1655, %select_n3A_1645 : vector<16xf32>
    %select_n3A_1657 = arith.select %lt3A_1656, %exp3A_1655, %select_n3A_1645 : vector<16xi1>, vector<16xf32>
    %add3A_1658 = arith.constant 768 : i32
    %add3A_1659 = vector.broadcast %add3A_1658 : i32 to vector<16xi32>
    %add3A_1660 = arith.addi %iota3A, %add3A_1659 : vector<16xi32>
    %select_n3A_1661 = arith.select %lt3A_1656, %add3A_1660, %select_n3A_1649 : vector<16xi1>, vector<16xi32>
    %neg3A_1662 = arith.constant 0.000000e+00 : f32
    %neg3A_1663 = vector.broadcast %neg3A_1662 : f32 to vector<16xf32>
    %neg3A_1664 = arith.subf %neg3A_1663, %select_n3A_1657 : vector<16xf32>
    %broadcast_in_dim3A_1665 = arith.constant true
    %broadcast_in_dim3A_1666 = vector.broadcast %broadcast_in_dim3A_1665 : i1 to vector<16xi1>
    %masked_cummax3A_1667 = tpu.scan <max>, %neg3A_1664 masked %broadcast_in_dim3A_1666 : vector<16xf32>, vector<16xi1> -> vector<16xf32>
    %rev3A_1668 = arith.constant 15 : i32
    %rev3A_1669 = vector.broadcast %rev3A_1668 : i32 to vector<16xi32>
    %rev3A_1670 = tpu.iota {dimensions = array<i32: 0>} : vector<16xi32>
    %rev3A_1671 = arith.subi %rev3A_1669, %rev3A_1670 : vector<16xi32>
    %rev3A_1672 = tpu.dynamic_gather %masked_cummax3A_1667[%rev3A_1671] in [0] : vector<16xf32>, vector<16xi32> -> vector<16xf32>
    %broadcast_in_dim3A_1673 = arith.constant true
    %broadcast_in_dim3A_1674 = vector.broadcast %broadcast_in_dim3A_1673 : i1 to vector<16xi1>
    %masked_cummax3A_1675 = tpu.scan <max>, %rev3A_1672 masked %broadcast_in_dim3A_1674 : vector<16xf32>, vector<16xi1> -> vector<16xf32>
    %neg3A_1676 = arith.constant 0.000000e+00 : f32
    %neg3A_1677 = vector.broadcast %neg3A_1676 : f32 to vector<16xf32>
    %neg3A_1678 = arith.subf %neg3A_1677, %masked_cummax3A_1675 : vector<16xf32>
    %eq3A_1679 = arith.cmpf oeq, %select_n3A_1657, %neg3A_1678 : vector<16xf32>
    %jit3A_1680 = arith.constant 627200 : i32
    %broadcast_in_dim3A_1681 = vector.broadcast %jit3A_1680 : i32 to vector<16xi32>
    %select_n3A_1682 = arith.select %eq3A_1679, %select_n3A_1661, %broadcast_in_dim3A_1681 : vector<16xi1>, vector<16xi32>
    %neg3A_1683 = arith.constant 0 : i32
    %neg3A_1684 = vector.broadcast %neg3A_1683 : i32 to vector<16xi32>
    %neg3A_1685 = arith.subi %neg3A_1684, %select_n3A_1682 : vector<16xi32>
    %broadcast_in_dim3A_1686 = arith.constant true
    %broadcast_in_dim3A_1687 = vector.broadcast %broadcast_in_dim3A_1686 : i1 to vector<16xi1>
    %masked_cummax3A_1688 = arith.constant -2147483648 : i32
    %masked_cummax3A_1689 = vector.broadcast %masked_cummax3A_1688 : i32 to vector<16xi32>
    %masked_cummax3A_1690 = arith.xori %neg3A_1685, %masked_cummax3A_1689 : vector<16xi32>
    %masked_cummax3A_1691 = tpu.scan <max>, %masked_cummax3A_1690 masked %broadcast_in_dim3A_1687 : vector<16xi32>, vector<16xi1> -> vector<16xi32>
    %masked_cummax3A_1692 = arith.xori %masked_cummax3A_1691, %masked_cummax3A_1689 : vector<16xi32>
    %rev3A_1693 = arith.constant 15 : i32
    %rev3A_1694 = vector.broadcast %rev3A_1693 : i32 to vector<16xi32>
    %rev3A_1695 = tpu.iota {dimensions = array<i32: 0>} : vector<16xi32>
    %rev3A_1696 = arith.subi %rev3A_1694, %rev3A_1695 : vector<16xi32>
    %rev3A_1697 = tpu.dynamic_gather %masked_cummax3A_1692[%rev3A_1696] in [0] : vector<16xi32>, vector<16xi32> -> vector<16xi32>
    %broadcast_in_dim3A_1698 = arith.constant true
    %broadcast_in_dim3A_1699 = vector.broadcast %broadcast_in_dim3A_1698 : i1 to vector<16xi1>
    %masked_cummax3A_1700 = arith.constant -2147483648 : i32
    %masked_cummax3A_1701 = vector.broadcast %masked_cummax3A_1700 : i32 to vector<16xi32>
    %masked_cummax3A_1702 = arith.xori %rev3A_1697, %masked_cummax3A_1701 : vector<16xi32>
    %masked_cummax3A_1703 = tpu.scan <max>, %masked_cummax3A_1702 masked %broadcast_in_dim3A_1699 : vector<16xi32>, vector<16xi1> -> vector<16xi32>
    %masked_cummax3A_1704 = arith.xori %masked_cummax3A_1703, %masked_cummax3A_1701 : vector<16xi32>
    %neg3A_1705 = arith.constant 0 : i32
    %neg3A_1706 = vector.broadcast %neg3A_1705 : i32 to vector<16xi32>
    %neg3A_1707 = arith.subi %neg3A_1706, %masked_cummax3A_1704 : vector<16xi32>
    %add3A_1708 = arith.constant 0 : i32
    %add3A_1709 = vector.broadcast %add3A_1708 : i32 to vector<16xi32>
    %add3A_1710 = arith.addi %iota3A, %add3A_1709 : vector<16xi32>
    %mul3A_1711 = arith.constant 784 : i32
    %mul3A_1712 = vector.broadcast %mul3A_1711 : i32 to vector<16xi32>
    %mul3A_1713 = arith.muli %add3A_1710, %mul3A_1712 : vector<16xi32>
    %add3A_1714 = arith.addi %mul3A_1713, %neg3A_1707 : vector<16xi32>
    %swap3A_1715 = arith.constant 0 : index
    %swap3A_1716 = tpu.vector_load %arg6[%swap3A_1715] {strides = array<i32>} : memref<400xi32, #tpu.memory_space<vmem>>, vector<16xi32>,
    tpu.vector_store %arg6[%swap3A_1715], %add3A_1714 {strides = array<i32>} : memref<400xi32, #tpu.memory_space<vmem>>, vector<16xi32>,
    %add3A_1717 = arith.constant 16 : i32
    %add3A_1718 = vector.broadcast %add3A_1717 : i32 to vector<16xi32>
    %add3A_1719 = arith.addi %iota3A, %add3A_1718 : vector<16xi32>
    %mul3A_1720 = arith.constant 784 : i32
    %mul3A_1721 = vector.broadcast %mul3A_1720 : i32 to vector<16xi32>
    %mul3A_1722 = arith.muli %add3A_1719, %mul3A_1721 : vector<16xi32>
    %add3A_1723 = arith.addi %mul3A_1722, %neg3A_1707 : vector<16xi32>
    %swap3A_1724 = arith.constant 16 : index
    %swap3A_1725 = tpu.vector_load %arg6[%swap3A_1724] {strides = array<i32>} : memref<400xi32, #tpu.memory_space<vmem>>, vector<16xi32>,
    tpu.vector_store %arg6[%swap3A_1724], %add3A_1723 {strides = array<i32>} : memref<400xi32, #tpu.memory_space<vmem>>, vector<16xi32>,
    %add3A_1726 = arith.constant 32 : i32
    %add3A_1727 = vector.broadcast %add3A_1726 : i32 to vector<16xi32>
    %add3A_1728 = arith.addi %iota3A, %add3A_1727 : vector<16xi32>
    %mul3A_1729 = arith.constant 784 : i32
    %mul3A_1730 = vector.broadcast %mul3A_1729 : i32 to vector<16xi32>
    %mul3A_1731 = arith.muli %add3A_1728, %mul3A_1730 : vector<16xi32>
    %add3A_1732 = arith.addi %mul3A_1731, %neg3A_1707 : vector<16xi32>
    %swap3A_1733 = arith.constant 32 : index
    %swap3A_1734 = tpu.vector_load %arg6[%swap3A_1733] {strides = array<i32>} : memref<400xi32, #tpu.memory_space<vmem>>, vector<16xi32>,
    tpu.vector_store %arg6[%swap3A_1733], %add3A_1732 {strides = array<i32>} : memref<400xi32, #tpu.memory_space<vmem>>, vector<16xi32>,
    %add3A_1735 = arith.constant 48 : i32
    %add3A_1736 = vector.broadcast %add3A_1735 : i32 to vector<16xi32>
    %add3A_1737 = arith.addi %iota3A, %add3A_1736 : vector<16xi32>
    %mul3A_1738 = arith.constant 784 : i32
    %mul3A_1739 = vector.broadcast %mul3A_1738 : i32 to vector<16xi32>
    %mul3A_1740 = arith.muli %add3A_1737, %mul3A_1739 : vector<16xi32>
    %add3A_1741 = arith.addi %mul3A_1740, %neg3A_1707 : vector<16xi32>
    %swap3A_1742 = arith.constant 48 : index
    %swap3A_1743 = tpu.vector_load %arg6[%swap3A_1742] {strides = array<i32>} : memref<400xi32, #tpu.memory_space<vmem>>, vector<16xi32>,
    tpu.vector_store %arg6[%swap3A_1742], %add3A_1741 {strides = array<i32>} : memref<400xi32, #tpu.memory_space<vmem>>, vector<16xi32>,
    %add3A_1744 = arith.constant 64 : i32
    %add3A_1745 = vector.broadcast %add3A_1744 : i32 to vector<16xi32>
    %add3A_1746 = arith.addi %iota3A, %add3A_1745 : vector<16xi32>
    %mul3A_1747 = arith.constant 784 : i32
    %mul3A_1748 = vector.broadcast %mul3A_1747 : i32 to vector<16xi32>
    %mul3A_1749 = arith.muli %add3A_1746, %mul3A_1748 : vector<16xi32>
    %add3A_1750 = arith.addi %mul3A_1749, %neg3A_1707 : vector<16xi32>
    %swap3A_1751 = arith.constant 64 : index
    %swap3A_1752 = tpu.vector_load %arg6[%swap3A_1751] {strides = array<i32>} : memref<400xi32, #tpu.memory_space<vmem>>, vector<16xi32>,
    tpu.vector_store %arg6[%swap3A_1751], %add3A_1750 {strides = array<i32>} : memref<400xi32, #tpu.memory_space<vmem>>, vector<16xi32>,
    %add3A_1753 = arith.constant 80 : i32
    %add3A_1754 = vector.broadcast %add3A_1753 : i32 to vector<16xi32>
    %add3A_1755 = arith.addi %iota3A, %add3A_1754 : vector<16xi32>
    %mul3A_1756 = arith.constant 784 : i32
    %mul3A_1757 = vector.broadcast %mul3A_1756 : i32 to vector<16xi32>
    %mul3A_1758 = arith.muli %add3A_1755, %mul3A_1757 : vector<16xi32>
    %add3A_1759 = arith.addi %mul3A_1758, %neg3A_1707 : vector<16xi32>
    %swap3A_1760 = arith.constant 80 : index
    %swap3A_1761 = tpu.vector_load %arg6[%swap3A_1760] {strides = array<i32>} : memref<400xi32, #tpu.memory_space<vmem>>, vector<16xi32>,
    tpu.vector_store %arg6[%swap3A_1760], %add3A_1759 {strides = array<i32>} : memref<400xi32, #tpu.memory_space<vmem>>, vector<16xi32>,
    %add3A_1762 = arith.constant 96 : i32
    %add3A_1763 = vector.broadcast %add3A_1762 : i32 to vector<16xi32>
    %add3A_1764 = arith.addi %iota3A, %add3A_1763 : vector<16xi32>
    %mul3A_1765 = arith.constant 784 : i32
    %mul3A_1766 = vector.broadcast %mul3A_1765 : i32 to vector<16xi32>
    %mul3A_1767 = arith.muli %add3A_1764, %mul3A_1766 : vector<16xi32>
    %add3A_1768 = arith.addi %mul3A_1767, %neg3A_1707 : vector<16xi32>
    %swap3A_1769 = arith.constant 96 : index
    %swap3A_1770 = tpu.vector_load %arg6[%swap3A_1769] {strides = array<i32>} : memref<400xi32, #tpu.memory_space<vmem>>, vector<16xi32>,
    tpu.vector_store %arg6[%swap3A_1769], %add3A_1768 {strides = array<i32>} : memref<400xi32, #tpu.memory_space<vmem>>, vector<16xi32>,
    %add3A_1771 = arith.constant 112 : i32
    %add3A_1772 = vector.broadcast %add3A_1771 : i32 to vector<16xi32>
    %add3A_1773 = arith.addi %iota3A, %add3A_1772 : vector<16xi32>
    %mul3A_1774 = arith.constant 784 : i32
    %mul3A_1775 = vector.broadcast %mul3A_1774 : i32 to vector<16xi32>
    %mul3A_1776 = arith.muli %add3A_1773, %mul3A_1775 : vector<16xi32>
    %add3A_1777 = arith.addi %mul3A_1776, %neg3A_1707 : vector<16xi32>
    %swap3A_1778 = arith.constant 112 : index
    %swap3A_1779 = tpu.vector_load %arg6[%swap3A_1778] {strides = array<i32>} : memref<400xi32, #tpu.memory_space<vmem>>, vector<16xi32>,
    tpu.vector_store %arg6[%swap3A_1778], %add3A_1777 {strides = array<i32>} : memref<400xi32, #tpu.memory_space<vmem>>, vector<16xi32>,
    %add3A_1780 = arith.constant 128 : i32
    %add3A_1781 = vector.broadcast %add3A_1780 : i32 to vector<16xi32>
    %add3A_1782 = arith.addi %iota3A, %add3A_1781 : vector<16xi32>
    %mul3A_1783 = arith.constant 784 : i32
    %mul3A_1784 = vector.broadcast %mul3A_1783 : i32 to vector<16xi32>
    %mul3A_1785 = arith.muli %add3A_1782, %mul3A_1784 : vector<16xi32>
    %add3A_1786 = arith.addi %mul3A_1785, %neg3A_1707 : vector<16xi32>
    %swap3A_1787 = arith.constant 128 : index
    %swap3A_1788 = tpu.vector_load %arg6[%swap3A_1787] {strides = array<i32>} : memref<400xi32, #tpu.memory_space<vmem>>, vector<16xi32>,
    tpu.vector_store %arg6[%swap3A_1787], %add3A_1786 {strides = array<i32>} : memref<400xi32, #tpu.memory_space<vmem>>, vector<16xi32>,
    %add3A_1789 = arith.constant 144 : i32
    %add3A_1790 = vector.broadcast %add3A_1789 : i32 to vector<16xi32>
    %add3A_1791 = arith.addi %iota3A, %add3A_1790 : vector<16xi32>
    %mul3A_1792 = arith.constant 784 : i32
    %mul3A_1793 = vector.broadcast %mul3A_1792 : i32 to vector<16xi32>
    %mul3A_1794 = arith.muli %add3A_1791, %mul3A_1793 : vector<16xi32>
    %add3A_1795 = arith.addi %mul3A_1794, %neg3A_1707 : vector<16xi32>
    %swap3A_1796 = arith.constant 144 : index
    %swap3A_1797 = tpu.vector_load %arg6[%swap3A_1796] {strides = array<i32>} : memref<400xi32, #tpu.memory_space<vmem>>, vector<16xi32>,
    tpu.vector_store %arg6[%swap3A_1796], %add3A_1795 {strides = array<i32>} : memref<400xi32, #tpu.memory_space<vmem>>, vector<16xi32>,
    %add3A_1798 = arith.constant 160 : i32
    %add3A_1799 = vector.broadcast %add3A_1798 : i32 to vector<16xi32>
    %add3A_1800 = arith.addi %iota3A, %add3A_1799 : vector<16xi32>
    %mul3A_1801 = arith.constant 784 : i32
    %mul3A_1802 = vector.broadcast %mul3A_1801 : i32 to vector<16xi32>
    %mul3A_1803 = arith.muli %add3A_1800, %mul3A_1802 : vector<16xi32>
    %add3A_1804 = arith.addi %mul3A_1803, %neg3A_1707 : vector<16xi32>
    %swap3A_1805 = arith.constant 160 : index
    %swap3A_1806 = tpu.vector_load %arg6[%swap3A_1805] {strides = array<i32>} : memref<400xi32, #tpu.memory_space<vmem>>, vector<16xi32>,
    tpu.vector_store %arg6[%swap3A_1805], %add3A_1804 {strides = array<i32>} : memref<400xi32, #tpu.memory_space<vmem>>, vector<16xi32>,
    %add3A_1807 = arith.constant 176 : i32
    %add3A_1808 = vector.broadcast %add3A_1807 : i32 to vector<16xi32>
    %add3A_1809 = arith.addi %iota3A, %add3A_1808 : vector<16xi32>
    %mul3A_1810 = arith.constant 784 : i32
    %mul3A_1811 = vector.broadcast %mul3A_1810 : i32 to vector<16xi32>
    %mul3A_1812 = arith.muli %add3A_1809, %mul3A_1811 : vector<16xi32>
    %add3A_1813 = arith.addi %mul3A_1812, %neg3A_1707 : vector<16xi32>
    %swap3A_1814 = arith.constant 176 : index
    %swap3A_1815 = tpu.vector_load %arg6[%swap3A_1814] {strides = array<i32>} : memref<400xi32, #tpu.memory_space<vmem>>, vector<16xi32>,
    tpu.vector_store %arg6[%swap3A_1814], %add3A_1813 {strides = array<i32>} : memref<400xi32, #tpu.memory_space<vmem>>, vector<16xi32>,
    %add3A_1816 = arith.constant 192 : i32
    %add3A_1817 = vector.broadcast %add3A_1816 : i32 to vector<16xi32>
    %add3A_1818 = arith.addi %iota3A, %add3A_1817 : vector<16xi32>
    %mul3A_1819 = arith.constant 784 : i32
    %mul3A_1820 = vector.broadcast %mul3A_1819 : i32 to vector<16xi32>
    %mul3A_1821 = arith.muli %add3A_1818, %mul3A_1820 : vector<16xi32>
    %add3A_1822 = arith.addi %mul3A_1821, %neg3A_1707 : vector<16xi32>
    %swap3A_1823 = arith.constant 192 : index
    %swap3A_1824 = tpu.vector_load %arg6[%swap3A_1823] {strides = array<i32>} : memref<400xi32, #tpu.memory_space<vmem>>, vector<16xi32>,
    tpu.vector_store %arg6[%swap3A_1823], %add3A_1822 {strides = array<i32>} : memref<400xi32, #tpu.memory_space<vmem>>, vector<16xi32>,
    %add3A_1825 = arith.constant 208 : i32
    %add3A_1826 = vector.broadcast %add3A_1825 : i32 to vector<16xi32>
    %add3A_1827 = arith.addi %iota3A, %add3A_1826 : vector<16xi32>
    %mul3A_1828 = arith.constant 784 : i32
    %mul3A_1829 = vector.broadcast %mul3A_1828 : i32 to vector<16xi32>
    %mul3A_1830 = arith.muli %add3A_1827, %mul3A_1829 : vector<16xi32>
    %add3A_1831 = arith.addi %mul3A_1830, %neg3A_1707 : vector<16xi32>
    %swap3A_1832 = arith.constant 208 : index
    %swap3A_1833 = tpu.vector_load %arg6[%swap3A_1832] {strides = array<i32>} : memref<400xi32, #tpu.memory_space<vmem>>, vector<16xi32>,
    tpu.vector_store %arg6[%swap3A_1832], %add3A_1831 {strides = array<i32>} : memref<400xi32, #tpu.memory_space<vmem>>, vector<16xi32>,
    %add3A_1834 = arith.constant 224 : i32
    %add3A_1835 = vector.broadcast %add3A_1834 : i32 to vector<16xi32>
    %add3A_1836 = arith.addi %iota3A, %add3A_1835 : vector<16xi32>
    %mul3A_1837 = arith.constant 784 : i32
    %mul3A_1838 = vector.broadcast %mul3A_1837 : i32 to vector<16xi32>
    %mul3A_1839 = arith.muli %add3A_1836, %mul3A_1838 : vector<16xi32>
    %add3A_1840 = arith.addi %mul3A_1839, %neg3A_1707 : vector<16xi32>
    %swap3A_1841 = arith.constant 224 : index
    %swap3A_1842 = tpu.vector_load %arg6[%swap3A_1841] {strides = array<i32>} : memref<400xi32, #tpu.memory_space<vmem>>, vector<16xi32>,
    tpu.vector_store %arg6[%swap3A_1841], %add3A_1840 {strides = array<i32>} : memref<400xi32, #tpu.memory_space<vmem>>, vector<16xi32>,
    %add3A_1843 = arith.constant 240 : i32
    %add3A_1844 = vector.broadcast %add3A_1843 : i32 to vector<16xi32>
    %add3A_1845 = arith.addi %iota3A, %add3A_1844 : vector<16xi32>
    %mul3A_1846 = arith.constant 784 : i32
    %mul3A_1847 = vector.broadcast %mul3A_1846 : i32 to vector<16xi32>
    %mul3A_1848 = arith.muli %add3A_1845, %mul3A_1847 : vector<16xi32>
    %add3A_1849 = arith.addi %mul3A_1848, %neg3A_1707 : vector<16xi32>
    %swap3A_1850 = arith.constant 240 : index
    %swap3A_1851 = tpu.vector_load %arg6[%swap3A_1850] {strides = array<i32>} : memref<400xi32, #tpu.memory_space<vmem>>, vector<16xi32>,
    tpu.vector_store %arg6[%swap3A_1850], %add3A_1849 {strides = array<i32>} : memref<400xi32, #tpu.memory_space<vmem>>, vector<16xi32>,
    %add3A_1852 = arith.constant 256 : i32
    %add3A_1853 = vector.broadcast %add3A_1852 : i32 to vector<16xi32>
    %add3A_1854 = arith.addi %iota3A, %add3A_1853 : vector<16xi32>
    %mul3A_1855 = arith.constant 784 : i32
    %mul3A_1856 = vector.broadcast %mul3A_1855 : i32 to vector<16xi32>
    %mul3A_1857 = arith.muli %add3A_1854, %mul3A_1856 : vector<16xi32>
    %add3A_1858 = arith.addi %mul3A_1857, %neg3A_1707 : vector<16xi32>
    %swap3A_1859 = arith.constant 256 : index
    %swap3A_1860 = tpu.vector_load %arg6[%swap3A_1859] {strides = array<i32>} : memref<400xi32, #tpu.memory_space<vmem>>, vector<16xi32>,
    tpu.vector_store %arg6[%swap3A_1859], %add3A_1858 {strides = array<i32>} : memref<400xi32, #tpu.memory_space<vmem>>, vector<16xi32>,
    %add3A_1861 = arith.constant 272 : i32
    %add3A_1862 = vector.broadcast %add3A_1861 : i32 to vector<16xi32>
    %add3A_1863 = arith.addi %iota3A, %add3A_1862 : vector<16xi32>
    %mul3A_1864 = arith.constant 784 : i32
    %mul3A_1865 = vector.broadcast %mul3A_1864 : i32 to vector<16xi32>
    %mul3A_1866 = arith.muli %add3A_1863, %mul3A_1865 : vector<16xi32>
    %add3A_1867 = arith.addi %mul3A_1866, %neg3A_1707 : vector<16xi32>
    %swap3A_1868 = arith.constant 272 : index
    %swap3A_1869 = tpu.vector_load %arg6[%swap3A_1868] {strides = array<i32>} : memref<400xi32, #tpu.memory_space<vmem>>, vector<16xi32>,
    tpu.vector_store %arg6[%swap3A_1868], %add3A_1867 {strides = array<i32>} : memref<400xi32, #tpu.memory_space<vmem>>, vector<16xi32>,
    %add3A_1870 = arith.constant 288 : i32
    %add3A_1871 = vector.broadcast %add3A_1870 : i32 to vector<16xi32>
    %add3A_1872 = arith.addi %iota3A, %add3A_1871 : vector<16xi32>
    %mul3A_1873 = arith.constant 784 : i32
    %mul3A_1874 = vector.broadcast %mul3A_1873 : i32 to vector<16xi32>
    %mul3A_1875 = arith.muli %add3A_1872, %mul3A_1874 : vector<16xi32>
    %add3A_1876 = arith.addi %mul3A_1875, %neg3A_1707 : vector<16xi32>
    %swap3A_1877 = arith.constant 288 : index
    %swap3A_1878 = tpu.vector_load %arg6[%swap3A_1877] {strides = array<i32>} : memref<400xi32, #tpu.memory_space<vmem>>, vector<16xi32>,
    tpu.vector_store %arg6[%swap3A_1877], %add3A_1876 {strides = array<i32>} : memref<400xi32, #tpu.memory_space<vmem>>, vector<16xi32>,
    %add3A_1879 = arith.constant 304 : i32
    %add3A_1880 = vector.broadcast %add3A_1879 : i32 to vector<16xi32>
    %add3A_1881 = arith.addi %iota3A, %add3A_1880 : vector<16xi32>
    %mul3A_1882 = arith.constant 784 : i32
    %mul3A_1883 = vector.broadcast %mul3A_1882 : i32 to vector<16xi32>
    %mul3A_1884 = arith.muli %add3A_1881, %mul3A_1883 : vector<16xi32>
    %add3A_1885 = arith.addi %mul3A_1884, %neg3A_1707 : vector<16xi32>
    %swap3A_1886 = arith.constant 304 : index
    %swap3A_1887 = tpu.vector_load %arg6[%swap3A_1886] {strides = array<i32>} : memref<400xi32, #tpu.memory_space<vmem>>, vector<16xi32>,
    tpu.vector_store %arg6[%swap3A_1886], %add3A_1885 {strides = array<i32>} : memref<400xi32, #tpu.memory_space<vmem>>, vector<16xi32>,
    %add3A_1888 = arith.constant 320 : i32
    %add3A_1889 = vector.broadcast %add3A_1888 : i32 to vector<16xi32>
    %add3A_1890 = arith.addi %iota3A, %add3A_1889 : vector<16xi32>
    %mul3A_1891 = arith.constant 784 : i32
    %mul3A_1892 = vector.broadcast %mul3A_1891 : i32 to vector<16xi32>
    %mul3A_1893 = arith.muli %add3A_1890, %mul3A_1892 : vector<16xi32>
    %add3A_1894 = arith.addi %mul3A_1893, %neg3A_1707 : vector<16xi32>
    %swap3A_1895 = arith.constant 320 : index
    %swap3A_1896 = tpu.vector_load %arg6[%swap3A_1895] {strides = array<i32>} : memref<400xi32, #tpu.memory_space<vmem>>, vector<16xi32>,
    tpu.vector_store %arg6[%swap3A_1895], %add3A_1894 {strides = array<i32>} : memref<400xi32, #tpu.memory_space<vmem>>, vector<16xi32>,
    %add3A_1897 = arith.constant 336 : i32
    %add3A_1898 = vector.broadcast %add3A_1897 : i32 to vector<16xi32>
    %add3A_1899 = arith.addi %iota3A, %add3A_1898 : vector<16xi32>
    %mul3A_1900 = arith.constant 784 : i32
    %mul3A_1901 = vector.broadcast %mul3A_1900 : i32 to vector<16xi32>
    %mul3A_1902 = arith.muli %add3A_1899, %mul3A_1901 : vector<16xi32>
    %add3A_1903 = arith.addi %mul3A_1902, %neg3A_1707 : vector<16xi32>
    %swap3A_1904 = arith.constant 336 : index
    %swap3A_1905 = tpu.vector_load %arg6[%swap3A_1904] {strides = array<i32>} : memref<400xi32, #tpu.memory_space<vmem>>, vector<16xi32>,
    tpu.vector_store %arg6[%swap3A_1904], %add3A_1903 {strides = array<i32>} : memref<400xi32, #tpu.memory_space<vmem>>, vector<16xi32>,
    %add3A_1906 = arith.constant 352 : i32
    %add3A_1907 = vector.broadcast %add3A_1906 : i32 to vector<16xi32>
    %add3A_1908 = arith.addi %iota3A, %add3A_1907 : vector<16xi32>
    %mul3A_1909 = arith.constant 784 : i32
    %mul3A_1910 = vector.broadcast %mul3A_1909 : i32 to vector<16xi32>
    %mul3A_1911 = arith.muli %add3A_1908, %mul3A_1910 : vector<16xi32>
    %add3A_1912 = arith.addi %mul3A_1911, %neg3A_1707 : vector<16xi32>
    %swap3A_1913 = arith.constant 352 : index
    %swap3A_1914 = tpu.vector_load %arg6[%swap3A_1913] {strides = array<i32>} : memref<400xi32, #tpu.memory_space<vmem>>, vector<16xi32>,
    tpu.vector_store %arg6[%swap3A_1913], %add3A_1912 {strides = array<i32>} : memref<400xi32, #tpu.memory_space<vmem>>, vector<16xi32>,
    %add3A_1915 = arith.constant 368 : i32
    %add3A_1916 = vector.broadcast %add3A_1915 : i32 to vector<16xi32>
    %add3A_1917 = arith.addi %iota3A, %add3A_1916 : vector<16xi32>
    %mul3A_1918 = arith.constant 784 : i32
    %mul3A_1919 = vector.broadcast %mul3A_1918 : i32 to vector<16xi32>
    %mul3A_1920 = arith.muli %add3A_1917, %mul3A_1919 : vector<16xi32>
    %add3A_1921 = arith.addi %mul3A_1920, %neg3A_1707 : vector<16xi32>
    %swap3A_1922 = arith.constant 368 : index
    %swap3A_1923 = tpu.vector_load %arg6[%swap3A_1922] {strides = array<i32>} : memref<400xi32, #tpu.memory_space<vmem>>, vector<16xi32>,
    tpu.vector_store %arg6[%swap3A_1922], %add3A_1921 {strides = array<i32>} : memref<400xi32, #tpu.memory_space<vmem>>, vector<16xi32>,
    %add3A_1924 = arith.constant 384 : i32
    %add3A_1925 = vector.broadcast %add3A_1924 : i32 to vector<16xi32>
    %add3A_1926 = arith.addi %iota3A, %add3A_1925 : vector<16xi32>
    %mul3A_1927 = arith.constant 784 : i32
    %mul3A_1928 = vector.broadcast %mul3A_1927 : i32 to vector<16xi32>
    %mul3A_1929 = arith.muli %add3A_1926, %mul3A_1928 : vector<16xi32>
    %add3A_1930 = arith.addi %mul3A_1929, %neg3A_1707 : vector<16xi32>
    %swap3A_1931 = arith.constant 384 : index
    %swap3A_1932 = tpu.vector_load %arg6[%swap3A_1931] {strides = array<i32>} : memref<400xi32, #tpu.memory_space<vmem>>, vector<16xi32>,
    tpu.vector_store %arg6[%swap3A_1931], %add3A_1930 {strides = array<i32>} : memref<400xi32, #tpu.memory_space<vmem>>, vector<16xi32>,
    %dma_start3A_1933 = arith.constant 0 : i32
    %dma_start3A_1934 = tpu.memref_slice %arg7[%dma_start3A_1933] : memref<400xf32, #tpu.memory_space<vmem>> -> memref<80xf32, #tpu.memory_space<vmem>>
    %dma_start3A_1935 = arith.constant 0 : i32
    %dma_start3A_1936 = tpu.memref_slice %arg6[%dma_start3A_1935] : memref<400xi32, #tpu.memory_space<vmem>> -> memref<80xi32, #tpu.memory_space<vmem>>
    %dma_start3A_1937 = arith.constant 0 : i32
    %dma_start3A_1938 = tpu.memref_slice %arg3[%dma_start3A_1937] : memref<313600xf32, #tpu.memory_space<hbm>> -> memref<313600xf32, #tpu.memory_space<hbm>>
    tpu.enqueue_indirect_dma source(%dma_start3A_1938 : memref<313600xf32, #tpu.memory_space<hbm>>) target(%dma_start3A_1934 : memref<80xf32, #tpu.memory_space<vmem>>) offsets(%dma_start3A_1936 : memref<80xi32, #tpu.memory_space<vmem>>) semaphore(%arg9 : memref<!tpu.dma_semaphore, #tpu.memory_space<semaphore_mem>>)
    %dma_start3A_1939 = arith.constant 80 : i32
    %dma_start3A_1940 = tpu.memref_slice %arg7[%dma_start3A_1939] : memref<400xf32, #tpu.memory_space<vmem>> -> memref<80xf32, #tpu.memory_space<vmem>>
    %dma_start3A_1941 = arith.constant 80 : i32
    %dma_start3A_1942 = tpu.memref_slice %arg6[%dma_start3A_1941] : memref<400xi32, #tpu.memory_space<vmem>> -> memref<80xi32, #tpu.memory_space<vmem>>
    %dma_start3A_1943 = arith.constant 0 : i32
    %dma_start3A_1944 = tpu.memref_slice %arg3[%dma_start3A_1943] : memref<313600xf32, #tpu.memory_space<hbm>> -> memref<313600xf32, #tpu.memory_space<hbm>>
    tpu.enqueue_indirect_dma source(%dma_start3A_1944 : memref<313600xf32, #tpu.memory_space<hbm>>) target(%dma_start3A_1940 : memref<80xf32, #tpu.memory_space<vmem>>) offsets(%dma_start3A_1942 : memref<80xi32, #tpu.memory_space<vmem>>) semaphore(%arg9 : memref<!tpu.dma_semaphore, #tpu.memory_space<semaphore_mem>>)
    %dma_start3A_1945 = arith.constant 160 : i32
    %dma_start3A_1946 = tpu.memref_slice %arg7[%dma_start3A_1945] : memref<400xf32, #tpu.memory_space<vmem>> -> memref<80xf32, #tpu.memory_space<vmem>>
    %dma_start3A_1947 = arith.constant 160 : i32
    %dma_start3A_1948 = tpu.memref_slice %arg6[%dma_start3A_1947] : memref<400xi32, #tpu.memory_space<vmem>> -> memref<80xi32, #tpu.memory_space<vmem>>
    %dma_start3A_1949 = arith.constant 0 : i32
    %dma_start3A_1950 = tpu.memref_slice %arg3[%dma_start3A_1949] : memref<313600xf32, #tpu.memory_space<hbm>> -> memref<313600xf32, #tpu.memory_space<hbm>>
    tpu.enqueue_indirect_dma source(%dma_start3A_1950 : memref<313600xf32, #tpu.memory_space<hbm>>) target(%dma_start3A_1946 : memref<80xf32, #tpu.memory_space<vmem>>) offsets(%dma_start3A_1948 : memref<80xi32, #tpu.memory_space<vmem>>) semaphore(%arg9 : memref<!tpu.dma_semaphore, #tpu.memory_space<semaphore_mem>>)
    %dma_start3A_1951 = arith.constant 240 : i32
    %dma_start3A_1952 = tpu.memref_slice %arg7[%dma_start3A_1951] : memref<400xf32, #tpu.memory_space<vmem>> -> memref<80xf32, #tpu.memory_space<vmem>>
    %dma_start3A_1953 = arith.constant 240 : i32
    %dma_start3A_1954 = tpu.memref_slice %arg6[%dma_start3A_1953] : memref<400xi32, #tpu.memory_space<vmem>> -> memref<80xi32, #tpu.memory_space<vmem>>
    %dma_start3A_1955 = arith.constant 0 : i32
    %dma_start3A_1956 = tpu.memref_slice %arg3[%dma_start3A_1955] : memref<313600xf32, #tpu.memory_space<hbm>> -> memref<313600xf32, #tpu.memory_space<hbm>>
    tpu.enqueue_indirect_dma source(%dma_start3A_1956 : memref<313600xf32, #tpu.memory_space<hbm>>) target(%dma_start3A_1952 : memref<80xf32, #tpu.memory_space<vmem>>) offsets(%dma_start3A_1954 : memref<80xi32, #tpu.memory_space<vmem>>) semaphore(%arg9 : memref<!tpu.dma_semaphore, #tpu.memory_space<semaphore_mem>>)
    %dma_start3A_1957 = arith.constant 320 : i32
    %dma_start3A_1958 = tpu.memref_slice %arg7[%dma_start3A_1957] : memref<400xf32, #tpu.memory_space<vmem>> -> memref<80xf32, #tpu.memory_space<vmem>>
    %dma_start3A_1959 = arith.constant 320 : i32
    %dma_start3A_1960 = tpu.memref_slice %arg6[%dma_start3A_1959] : memref<400xi32, #tpu.memory_space<vmem>> -> memref<80xi32, #tpu.memory_space<vmem>>
    %dma_start3A_1961 = arith.constant 0 : i32
    %dma_start3A_1962 = tpu.memref_slice %arg3[%dma_start3A_1961] : memref<313600xf32, #tpu.memory_space<hbm>> -> memref<313600xf32, #tpu.memory_space<hbm>>
    tpu.enqueue_indirect_dma source(%dma_start3A_1962 : memref<313600xf32, #tpu.memory_space<hbm>>) target(%dma_start3A_1958 : memref<80xf32, #tpu.memory_space<vmem>>) offsets(%dma_start3A_1960 : memref<80xi32, #tpu.memory_space<vmem>>) semaphore(%arg9 : memref<!tpu.dma_semaphore, #tpu.memory_space<semaphore_mem>>)
    %dma_wait3A_1963 = arith.constant 0 : i32
    %dma_wait3A_1964 = tpu.memref_slice %arg7[%dma_wait3A_1963] : memref<400xf32, #tpu.memory_space<vmem>> -> memref<80xf32, #tpu.memory_space<vmem>>
    %dma_wait3A_1965 = arith.constant 0 : i32
    %dma_wait3A_1966 = tpu.memref_slice %arg6[%dma_wait3A_1965] : memref<400xi32, #tpu.memory_space<vmem>> -> memref<80xi32, #tpu.memory_space<vmem>>
    %dma_wait3A_1967 = arith.constant 0 : i32
    %dma_wait3A_1968 = tpu.memref_slice %arg3[%dma_wait3A_1967] : memref<313600xf32, #tpu.memory_space<hbm>> -> memref<313600xf32, #tpu.memory_space<hbm>>
    tpu.wait_indirect_dma semaphore(%arg9 : memref<!tpu.dma_semaphore, #tpu.memory_space<semaphore_mem>>) src(%dma_wait3A_1968 : memref<313600xf32, #tpu.memory_space<hbm>>) dst(%dma_wait3A_1964 : memref<80xf32, #tpu.memory_space<vmem>>)
    %dma_wait3A_1969 = arith.constant 80 : i32
    %dma_wait3A_1970 = tpu.memref_slice %arg7[%dma_wait3A_1969] : memref<400xf32, #tpu.memory_space<vmem>> -> memref<80xf32, #tpu.memory_space<vmem>>
    %dma_wait3A_1971 = arith.constant 80 : i32
    %dma_wait3A_1972 = tpu.memref_slice %arg6[%dma_wait3A_1971] : memref<400xi32, #tpu.memory_space<vmem>> -> memref<80xi32, #tpu.memory_space<vmem>>
    %dma_wait3A_1973 = arith.constant 0 : i32
    %dma_wait3A_1974 = tpu.memref_slice %arg3[%dma_wait3A_1973] : memref<313600xf32, #tpu.memory_space<hbm>> -> memref<313600xf32, #tpu.memory_space<hbm>>
    tpu.wait_indirect_dma semaphore(%arg9 : memref<!tpu.dma_semaphore, #tpu.memory_space<semaphore_mem>>) src(%dma_wait3A_1974 : memref<313600xf32, #tpu.memory_space<hbm>>) dst(%dma_wait3A_1970 : memref<80xf32, #tpu.memory_space<vmem>>)
    %dma_wait3A_1975 = arith.constant 160 : i32
    %dma_wait3A_1976 = tpu.memref_slice %arg7[%dma_wait3A_1975] : memref<400xf32, #tpu.memory_space<vmem>> -> memref<80xf32, #tpu.memory_space<vmem>>
    %dma_wait3A_1977 = arith.constant 160 : i32
    %dma_wait3A_1978 = tpu.memref_slice %arg6[%dma_wait3A_1977] : memref<400xi32, #tpu.memory_space<vmem>> -> memref<80xi32, #tpu.memory_space<vmem>>
    %dma_wait3A_1979 = arith.constant 0 : i32
    %dma_wait3A_1980 = tpu.memref_slice %arg3[%dma_wait3A_1979] : memref<313600xf32, #tpu.memory_space<hbm>> -> memref<313600xf32, #tpu.memory_space<hbm>>
    tpu.wait_indirect_dma semaphore(%arg9 : memref<!tpu.dma_semaphore, #tpu.memory_space<semaphore_mem>>) src(%dma_wait3A_1980 : memref<313600xf32, #tpu.memory_space<hbm>>) dst(%dma_wait3A_1976 : memref<80xf32, #tpu.memory_space<vmem>>)
    %dma_wait3A_1981 = arith.constant 240 : i32
    %dma_wait3A_1982 = tpu.memref_slice %arg7[%dma_wait3A_1981] : memref<400xf32, #tpu.memory_space<vmem>> -> memref<80xf32, #tpu.memory_space<vmem>>
    %dma_wait3A_1983 = arith.constant 240 : i32
    %dma_wait3A_1984 = tpu.memref_slice %arg6[%dma_wait3A_1983] : memref<400xi32, #tpu.memory_space<vmem>> -> memref<80xi32, #tpu.memory_space<vmem>>
    %dma_wait3A_1985 = arith.constant 0 : i32
    %dma_wait3A_1986 = tpu.memref_slice %arg3[%dma_wait3A_1985] : memref<313600xf32, #tpu.memory_space<hbm>> -> memref<313600xf32, #tpu.memory_space<hbm>>
    tpu.wait_indirect_dma semaphore(%arg9 : memref<!tpu.dma_semaphore, #tpu.memory_space<semaphore_mem>>) src(%dma_wait3A_1986 : memref<313600xf32, #tpu.memory_space<hbm>>) dst(%dma_wait3A_1982 : memref<80xf32, #tpu.memory_space<vmem>>)
    %dma_wait3A_1987 = arith.constant 320 : i32
    %dma_wait3A_1988 = tpu.memref_slice %arg7[%dma_wait3A_1987] : memref<400xf32, #tpu.memory_space<vmem>> -> memref<80xf32, #tpu.memory_space<vmem>>
    %dma_wait3A_1989 = arith.constant 320 : i32
    %dma_wait3A_1990 = tpu.memref_slice %arg6[%dma_wait3A_1989] : memref<400xi32, #tpu.memory_space<vmem>> -> memref<80xi32, #tpu.memory_space<vmem>>
    %dma_wait3A_1991 = arith.constant 0 : i32
    %dma_wait3A_1992 = tpu.memref_slice %arg3[%dma_wait3A_1991] : memref<313600xf32, #tpu.memory_space<hbm>> -> memref<313600xf32, #tpu.memory_space<hbm>>
    tpu.wait_indirect_dma semaphore(%arg9 : memref<!tpu.dma_semaphore, #tpu.memory_space<semaphore_mem>>) src(%dma_wait3A_1992 : memref<313600xf32, #tpu.memory_space<hbm>>) dst(%dma_wait3A_1988 : memref<80xf32, #tpu.memory_space<vmem>>)
    %broadcast_in_dim3A_1993 = arith.constant 1.000000e-10 : f32
    %broadcast_in_dim3A_1994 = vector.broadcast %broadcast_in_dim3A_1993 : f32 to vector<16xf32>
    %get3A_1995 = arith.constant 0 : index
    %get3A_1996 = tpu.vector_load %arg7[%get3A_1995] {strides = array<i32>} : memref<400xf32, #tpu.memory_space<vmem>>, vector<16xf32>,
    %mul3A_1997 = arith.mulf %get3A_1996, %neg3A_1678 : vector<16xf32>
    %div3A_1998 = arith.divf %mul3A_1997, %broadcast_in_dim3A_1994 : vector<16xf32>
    %swap3A_1999 = arith.constant 0 : index
    %swap3A_2000 = tpu.vector_load %arg8[%swap3A_1999] {strides = array<i32>} : memref<400xf32, #tpu.memory_space<vmem>>, vector<16xf32>,
    tpu.vector_store %arg8[%swap3A_1999], %div3A_1998 {strides = array<i32>} : memref<400xf32, #tpu.memory_space<vmem>>, vector<16xf32>,
    %get3A_2001 = arith.constant 16 : index
    %get3A_2002 = tpu.vector_load %arg7[%get3A_2001] {strides = array<i32>} : memref<400xf32, #tpu.memory_space<vmem>>, vector<16xf32>,
    %mul3A_2003 = arith.mulf %get3A_2002, %neg3A_1678 : vector<16xf32>
    %div3A_2004 = arith.divf %mul3A_2003, %broadcast_in_dim3A_1994 : vector<16xf32>
    %swap3A_2005 = arith.constant 16 : index
    %swap3A_2006 = tpu.vector_load %arg8[%swap3A_2005] {strides = array<i32>} : memref<400xf32, #tpu.memory_space<vmem>>, vector<16xf32>,
    tpu.vector_store %arg8[%swap3A_2005], %div3A_2004 {strides = array<i32>} : memref<400xf32, #tpu.memory_space<vmem>>, vector<16xf32>,
    %get3A_2007 = arith.constant 32 : index
    %get3A_2008 = tpu.vector_load %arg7[%get3A_2007] {strides = array<i32>} : memref<400xf32, #tpu.memory_space<vmem>>, vector<16xf32>,
    %mul3A_2009 = arith.mulf %get3A_2008, %neg3A_1678 : vector<16xf32>
    %div3A_2010 = arith.divf %mul3A_2009, %broadcast_in_dim3A_1994 : vector<16xf32>
    %swap3A_2011 = arith.constant 32 : index
    %swap3A_2012 = tpu.vector_load %arg8[%swap3A_2011] {strides = array<i32>} : memref<400xf32, #tpu.memory_space<vmem>>, vector<16xf32>,
    tpu.vector_store %arg8[%swap3A_2011], %div3A_2010 {strides = array<i32>} : memref<400xf32, #tpu.memory_space<vmem>>, vector<16xf32>,
    %get3A_2013 = arith.constant 48 : index
    %get3A_2014 = tpu.vector_load %arg7[%get3A_2013] {strides = array<i32>} : memref<400xf32, #tpu.memory_space<vmem>>, vector<16xf32>,
    %mul3A_2015 = arith.mulf %get3A_2014, %neg3A_1678 : vector<16xf32>
    %div3A_2016 = arith.divf %mul3A_2015, %broadcast_in_dim3A_1994 : vector<16xf32>
    %swap3A_2017 = arith.constant 48 : index
    %swap3A_2018 = tpu.vector_load %arg8[%swap3A_2017] {strides = array<i32>} : memref<400xf32, #tpu.memory_space<vmem>>, vector<16xf32>,
    tpu.vector_store %arg8[%swap3A_2017], %div3A_2016 {strides = array<i32>} : memref<400xf32, #tpu.memory_space<vmem>>, vector<16xf32>,
    %get3A_2019 = arith.constant 64 : index
    %get3A_2020 = tpu.vector_load %arg7[%get3A_2019] {strides = array<i32>} : memref<400xf32, #tpu.memory_space<vmem>>, vector<16xf32>,
    %mul3A_2021 = arith.mulf %get3A_2020, %neg3A_1678 : vector<16xf32>
    %div3A_2022 = arith.divf %mul3A_2021, %broadcast_in_dim3A_1994 : vector<16xf32>
    %swap3A_2023 = arith.constant 64 : index
    %swap3A_2024 = tpu.vector_load %arg8[%swap3A_2023] {strides = array<i32>} : memref<400xf32, #tpu.memory_space<vmem>>, vector<16xf32>,
    tpu.vector_store %arg8[%swap3A_2023], %div3A_2022 {strides = array<i32>} : memref<400xf32, #tpu.memory_space<vmem>>, vector<16xf32>,
    %get3A_2025 = arith.constant 80 : index
    %get3A_2026 = tpu.vector_load %arg7[%get3A_2025] {strides = array<i32>} : memref<400xf32, #tpu.memory_space<vmem>>, vector<16xf32>,
    %mul3A_2027 = arith.mulf %get3A_2026, %neg3A_1678 : vector<16xf32>
    %div3A_2028 = arith.divf %mul3A_2027, %broadcast_in_dim3A_1994 : vector<16xf32>
    %swap3A_2029 = arith.constant 80 : index
    %swap3A_2030 = tpu.vector_load %arg8[%swap3A_2029] {strides = array<i32>} : memref<400xf32, #tpu.memory_space<vmem>>, vector<16xf32>,
    tpu.vector_store %arg8[%swap3A_2029], %div3A_2028 {strides = array<i32>} : memref<400xf32, #tpu.memory_space<vmem>>, vector<16xf32>,
    %get3A_2031 = arith.constant 96 : index
    %get3A_2032 = tpu.vector_load %arg7[%get3A_2031] {strides = array<i32>} : memref<400xf32, #tpu.memory_space<vmem>>, vector<16xf32>,
    %mul3A_2033 = arith.mulf %get3A_2032, %neg3A_1678 : vector<16xf32>
    %div3A_2034 = arith.divf %mul3A_2033, %broadcast_in_dim3A_1994 : vector<16xf32>
    %swap3A_2035 = arith.constant 96 : index
    %swap3A_2036 = tpu.vector_load %arg8[%swap3A_2035] {strides = array<i32>} : memref<400xf32, #tpu.memory_space<vmem>>, vector<16xf32>,
    tpu.vector_store %arg8[%swap3A_2035], %div3A_2034 {strides = array<i32>} : memref<400xf32, #tpu.memory_space<vmem>>, vector<16xf32>,
    %get3A_2037 = arith.constant 112 : index
    %get3A_2038 = tpu.vector_load %arg7[%get3A_2037] {strides = array<i32>} : memref<400xf32, #tpu.memory_space<vmem>>, vector<16xf32>,
    %mul3A_2039 = arith.mulf %get3A_2038, %neg3A_1678 : vector<16xf32>
    %div3A_2040 = arith.divf %mul3A_2039, %broadcast_in_dim3A_1994 : vector<16xf32>
    %swap3A_2041 = arith.constant 112 : index
    %swap3A_2042 = tpu.vector_load %arg8[%swap3A_2041] {strides = array<i32>} : memref<400xf32, #tpu.memory_space<vmem>>, vector<16xf32>,
    tpu.vector_store %arg8[%swap3A_2041], %div3A_2040 {strides = array<i32>} : memref<400xf32, #tpu.memory_space<vmem>>, vector<16xf32>,
    %get3A_2043 = arith.constant 128 : index
    %get3A_2044 = tpu.vector_load %arg7[%get3A_2043] {strides = array<i32>} : memref<400xf32, #tpu.memory_space<vmem>>, vector<16xf32>,
    %mul3A_2045 = arith.mulf %get3A_2044, %neg3A_1678 : vector<16xf32>
    %div3A_2046 = arith.divf %mul3A_2045, %broadcast_in_dim3A_1994 : vector<16xf32>
    %swap3A_2047 = arith.constant 128 : index
    %swap3A_2048 = tpu.vector_load %arg8[%swap3A_2047] {strides = array<i32>} : memref<400xf32, #tpu.memory_space<vmem>>, vector<16xf32>,
    tpu.vector_store %arg8[%swap3A_2047], %div3A_2046 {strides = array<i32>} : memref<400xf32, #tpu.memory_space<vmem>>, vector<16xf32>,
    %get3A_2049 = arith.constant 144 : index
    %get3A_2050 = tpu.vector_load %arg7[%get3A_2049] {strides = array<i32>} : memref<400xf32, #tpu.memory_space<vmem>>, vector<16xf32>,
    %mul3A_2051 = arith.mulf %get3A_2050, %neg3A_1678 : vector<16xf32>
    %div3A_2052 = arith.divf %mul3A_2051, %broadcast_in_dim3A_1994 : vector<16xf32>
    %swap3A_2053 = arith.constant 144 : index
    %swap3A_2054 = tpu.vector_load %arg8[%swap3A_2053] {strides = array<i32>} : memref<400xf32, #tpu.memory_space<vmem>>, vector<16xf32>,
    tpu.vector_store %arg8[%swap3A_2053], %div3A_2052 {strides = array<i32>} : memref<400xf32, #tpu.memory_space<vmem>>, vector<16xf32>,
    %get3A_2055 = arith.constant 160 : index
    %get3A_2056 = tpu.vector_load %arg7[%get3A_2055] {strides = array<i32>} : memref<400xf32, #tpu.memory_space<vmem>>, vector<16xf32>,
    %mul3A_2057 = arith.mulf %get3A_2056, %neg3A_1678 : vector<16xf32>
    %div3A_2058 = arith.divf %mul3A_2057, %broadcast_in_dim3A_1994 : vector<16xf32>
    %swap3A_2059 = arith.constant 160 : index
    %swap3A_2060 = tpu.vector_load %arg8[%swap3A_2059] {strides = array<i32>} : memref<400xf32, #tpu.memory_space<vmem>>, vector<16xf32>,
    tpu.vector_store %arg8[%swap3A_2059], %div3A_2058 {strides = array<i32>} : memref<400xf32, #tpu.memory_space<vmem>>, vector<16xf32>,
    %get3A_2061 = arith.constant 176 : index
    %get3A_2062 = tpu.vector_load %arg7[%get3A_2061] {strides = array<i32>} : memref<400xf32, #tpu.memory_space<vmem>>, vector<16xf32>,
    %mul3A_2063 = arith.mulf %get3A_2062, %neg3A_1678 : vector<16xf32>
    %div3A_2064 = arith.divf %mul3A_2063, %broadcast_in_dim3A_1994 : vector<16xf32>
    %swap3A_2065 = arith.constant 176 : index
    %swap3A_2066 = tpu.vector_load %arg8[%swap3A_2065] {strides = array<i32>} : memref<400xf32, #tpu.memory_space<vmem>>, vector<16xf32>,
    tpu.vector_store %arg8[%swap3A_2065], %div3A_2064 {strides = array<i32>} : memref<400xf32, #tpu.memory_space<vmem>>, vector<16xf32>,
    %get3A_2067 = arith.constant 192 : index
    %get3A_2068 = tpu.vector_load %arg7[%get3A_2067] {strides = array<i32>} : memref<400xf32, #tpu.memory_space<vmem>>, vector<16xf32>,
    %mul3A_2069 = arith.mulf %get3A_2068, %neg3A_1678 : vector<16xf32>
    %div3A_2070 = arith.divf %mul3A_2069, %broadcast_in_dim3A_1994 : vector<16xf32>
    %swap3A_2071 = arith.constant 192 : index
    %swap3A_2072 = tpu.vector_load %arg8[%swap3A_2071] {strides = array<i32>} : memref<400xf32, #tpu.memory_space<vmem>>, vector<16xf32>,
    tpu.vector_store %arg8[%swap3A_2071], %div3A_2070 {strides = array<i32>} : memref<400xf32, #tpu.memory_space<vmem>>, vector<16xf32>,
    %get3A_2073 = arith.constant 208 : index
    %get3A_2074 = tpu.vector_load %arg7[%get3A_2073] {strides = array<i32>} : memref<400xf32, #tpu.memory_space<vmem>>, vector<16xf32>,
    %mul3A_2075 = arith.mulf %get3A_2074, %neg3A_1678 : vector<16xf32>
    %div3A_2076 = arith.divf %mul3A_2075, %broadcast_in_dim3A_1994 : vector<16xf32>
    %swap3A_2077 = arith.constant 208 : index
    %swap3A_2078 = tpu.vector_load %arg8[%swap3A_2077] {strides = array<i32>} : memref<400xf32, #tpu.memory_space<vmem>>, vector<16xf32>,
    tpu.vector_store %arg8[%swap3A_2077], %div3A_2076 {strides = array<i32>} : memref<400xf32, #tpu.memory_space<vmem>>, vector<16xf32>,
    %get3A_2079 = arith.constant 224 : index
    %get3A_2080 = tpu.vector_load %arg7[%get3A_2079] {strides = array<i32>} : memref<400xf32, #tpu.memory_space<vmem>>, vector<16xf32>,
    %mul3A_2081 = arith.mulf %get3A_2080, %neg3A_1678 : vector<16xf32>
    %div3A_2082 = arith.divf %mul3A_2081, %broadcast_in_dim3A_1994 : vector<16xf32>
    %swap3A_2083 = arith.constant 224 : index
    %swap3A_2084 = tpu.vector_load %arg8[%swap3A_2083] {strides = array<i32>} : memref<400xf32, #tpu.memory_space<vmem>>, vector<16xf32>,
    tpu.vector_store %arg8[%swap3A_2083], %div3A_2082 {strides = array<i32>} : memref<400xf32, #tpu.memory_space<vmem>>, vector<16xf32>,
    %get3A_2085 = arith.constant 240 : index
    %get3A_2086 = tpu.vector_load %arg7[%get3A_2085] {strides = array<i32>} : memref<400xf32, #tpu.memory_space<vmem>>, vector<16xf32>,
    %mul3A_2087 = arith.mulf %get3A_2086, %neg3A_1678 : vector<16xf32>
    %div3A_2088 = arith.divf %mul3A_2087, %broadcast_in_dim3A_1994 : vector<16xf32>
    %swap3A_2089 = arith.constant 240 : index
    %swap3A_2090 = tpu.vector_load %arg8[%swap3A_2089] {strides = array<i32>} : memref<400xf32, #tpu.memory_space<vmem>>, vector<16xf32>,
    tpu.vector_store %arg8[%swap3A_2089], %div3A_2088 {strides = array<i32>} : memref<400xf32, #tpu.memory_space<vmem>>, vector<16xf32>,
    %get3A_2091 = arith.constant 256 : index
    %get3A_2092 = tpu.vector_load %arg7[%get3A_2091] {strides = array<i32>} : memref<400xf32, #tpu.memory_space<vmem>>, vector<16xf32>,
    %mul3A_2093 = arith.mulf %get3A_2092, %neg3A_1678 : vector<16xf32>
    %div3A_2094 = arith.divf %mul3A_2093, %broadcast_in_dim3A_1994 : vector<16xf32>
    %swap3A_2095 = arith.constant 256 : index
    %swap3A_2096 = tpu.vector_load %arg8[%swap3A_2095] {strides = array<i32>} : memref<400xf32, #tpu.memory_space<vmem>>, vector<16xf32>,
    tpu.vector_store %arg8[%swap3A_2095], %div3A_2094 {strides = array<i32>} : memref<400xf32, #tpu.memory_space<vmem>>, vector<16xf32>,
    %get3A_2097 = arith.constant 272 : index
    %get3A_2098 = tpu.vector_load %arg7[%get3A_2097] {strides = array<i32>} : memref<400xf32, #tpu.memory_space<vmem>>, vector<16xf32>,
    %mul3A_2099 = arith.mulf %get3A_2098, %neg3A_1678 : vector<16xf32>
    %div3A_2100 = arith.divf %mul3A_2099, %broadcast_in_dim3A_1994 : vector<16xf32>
    %swap3A_2101 = arith.constant 272 : index
    %swap3A_2102 = tpu.vector_load %arg8[%swap3A_2101] {strides = array<i32>} : memref<400xf32, #tpu.memory_space<vmem>>, vector<16xf32>,
    tpu.vector_store %arg8[%swap3A_2101], %div3A_2100 {strides = array<i32>} : memref<400xf32, #tpu.memory_space<vmem>>, vector<16xf32>,
    %get3A_2103 = arith.constant 288 : index
    %get3A_2104 = tpu.vector_load %arg7[%get3A_2103] {strides = array<i32>} : memref<400xf32, #tpu.memory_space<vmem>>, vector<16xf32>,
    %mul3A_2105 = arith.mulf %get3A_2104, %neg3A_1678 : vector<16xf32>
    %div3A_2106 = arith.divf %mul3A_2105, %broadcast_in_dim3A_1994 : vector<16xf32>
    %swap3A_2107 = arith.constant 288 : index
    %swap3A_2108 = tpu.vector_load %arg8[%swap3A_2107] {strides = array<i32>} : memref<400xf32, #tpu.memory_space<vmem>>, vector<16xf32>,
    tpu.vector_store %arg8[%swap3A_2107], %div3A_2106 {strides = array<i32>} : memref<400xf32, #tpu.memory_space<vmem>>, vector<16xf32>,
    %get3A_2109 = arith.constant 304 : index
    %get3A_2110 = tpu.vector_load %arg7[%get3A_2109] {strides = array<i32>} : memref<400xf32, #tpu.memory_space<vmem>>, vector<16xf32>,
    %mul3A_2111 = arith.mulf %get3A_2110, %neg3A_1678 : vector<16xf32>
    %div3A_2112 = arith.divf %mul3A_2111, %broadcast_in_dim3A_1994 : vector<16xf32>
    %swap3A_2113 = arith.constant 304 : index
    %swap3A_2114 = tpu.vector_load %arg8[%swap3A_2113] {strides = array<i32>} : memref<400xf32, #tpu.memory_space<vmem>>, vector<16xf32>,
    tpu.vector_store %arg8[%swap3A_2113], %div3A_2112 {strides = array<i32>} : memref<400xf32, #tpu.memory_space<vmem>>, vector<16xf32>,
    %get3A_2115 = arith.constant 320 : index
    %get3A_2116 = tpu.vector_load %arg7[%get3A_2115] {strides = array<i32>} : memref<400xf32, #tpu.memory_space<vmem>>, vector<16xf32>,
    %mul3A_2117 = arith.mulf %get3A_2116, %neg3A_1678 : vector<16xf32>
    %div3A_2118 = arith.divf %mul3A_2117, %broadcast_in_dim3A_1994 : vector<16xf32>
    %swap3A_2119 = arith.constant 320 : index
    %swap3A_2120 = tpu.vector_load %arg8[%swap3A_2119] {strides = array<i32>} : memref<400xf32, #tpu.memory_space<vmem>>, vector<16xf32>,
    tpu.vector_store %arg8[%swap3A_2119], %div3A_2118 {strides = array<i32>} : memref<400xf32, #tpu.memory_space<vmem>>, vector<16xf32>,
    %get3A_2121 = arith.constant 336 : index
    %get3A_2122 = tpu.vector_load %arg7[%get3A_2121] {strides = array<i32>} : memref<400xf32, #tpu.memory_space<vmem>>, vector<16xf32>,
    %mul3A_2123 = arith.mulf %get3A_2122, %neg3A_1678 : vector<16xf32>
    %div3A_2124 = arith.divf %mul3A_2123, %broadcast_in_dim3A_1994 : vector<16xf32>
    %swap3A_2125 = arith.constant 336 : index
    %swap3A_2126 = tpu.vector_load %arg8[%swap3A_2125] {strides = array<i32>} : memref<400xf32, #tpu.memory_space<vmem>>, vector<16xf32>,
    tpu.vector_store %arg8[%swap3A_2125], %div3A_2124 {strides = array<i32>} : memref<400xf32, #tpu.memory_space<vmem>>, vector<16xf32>,
    %get3A_2127 = arith.constant 352 : index
    %get3A_2128 = tpu.vector_load %arg7[%get3A_2127] {strides = array<i32>} : memref<400xf32, #tpu.memory_space<vmem>>, vector<16xf32>,
    %mul3A_2129 = arith.mulf %get3A_2128, %neg3A_1678 : vector<16xf32>
    %div3A_2130 = arith.divf %mul3A_2129, %broadcast_in_dim3A_1994 : vector<16xf32>
    %swap3A_2131 = arith.constant 352 : index
    %swap3A_2132 = tpu.vector_load %arg8[%swap3A_2131] {strides = array<i32>} : memref<400xf32, #tpu.memory_space<vmem>>, vector<16xf32>,
    tpu.vector_store %arg8[%swap3A_2131], %div3A_2130 {strides = array<i32>} : memref<400xf32, #tpu.memory_space<vmem>>, vector<16xf32>,
    %get3A_2133 = arith.constant 368 : index
    %get3A_2134 = tpu.vector_load %arg7[%get3A_2133] {strides = array<i32>} : memref<400xf32, #tpu.memory_space<vmem>>, vector<16xf32>,
    %mul3A_2135 = arith.mulf %get3A_2134, %neg3A_1678 : vector<16xf32>
    %div3A_2136 = arith.divf %mul3A_2135, %broadcast_in_dim3A_1994 : vector<16xf32>
    %swap3A_2137 = arith.constant 368 : index
    %swap3A_2138 = tpu.vector_load %arg8[%swap3A_2137] {strides = array<i32>} : memref<400xf32, #tpu.memory_space<vmem>>, vector<16xf32>,
    tpu.vector_store %arg8[%swap3A_2137], %div3A_2136 {strides = array<i32>} : memref<400xf32, #tpu.memory_space<vmem>>, vector<16xf32>,
    %get3A_2139 = arith.constant 384 : index
    %get3A_2140 = tpu.vector_load %arg7[%get3A_2139] {strides = array<i32>} : memref<400xf32, #tpu.memory_space<vmem>>, vector<16xf32>,
    %mul3A_2141 = arith.mulf %get3A_2140, %neg3A_1678 : vector<16xf32>
    %div3A_2142 = arith.divf %mul3A_2141, %broadcast_in_dim3A_1994 : vector<16xf32>
    %swap3A_2143 = arith.constant 384 : index
    %swap3A_2144 = tpu.vector_load %arg8[%swap3A_2143] {strides = array<i32>} : memref<400xf32, #tpu.memory_space<vmem>>, vector<16xf32>,
    tpu.vector_store %arg8[%swap3A_2143], %div3A_2142 {strides = array<i32>} : memref<400xf32, #tpu.memory_space<vmem>>, vector<16xf32>,
    "tpu.region"() ({
      %run_scoped3A = tpu.sem_alloc : memref<!tpu.dma_semaphore, #tpu.memory_space<semaphore_mem>>
      %dma_start3A_2145 = arith.constant 0 : i32
      %dma_start3A_2146 = tpu.memref_slice %arg4[%add3A_1069, %dma_start3A_2145] : memref<64x400xf32, #tpu.memory_space<hbm>> -> memref<1x400xf32, #tpu.memory_space<hbm>>
      %dma_start3A_2147 = tpu.memref_squeeze %dma_start3A_2146 : memref<1x400xf32, #tpu.memory_space<hbm>> -> memref<400xf32, #tpu.memory_space<hbm>>
      %dma_start3A_2148 = arith.constant 0 : i32
      %dma_start3A_2149 = tpu.memref_slice %arg4[%add3A_1069, %dma_start3A_2148] : memref<64x400xf32, #tpu.memory_space<hbm>> -> memref<1x400xf32, #tpu.memory_space<hbm>>
      %dma_start3A_2150 = tpu.memref_squeeze %dma_start3A_2149 : memref<1x400xf32, #tpu.memory_space<hbm>> -> memref<400xf32, #tpu.memory_space<hbm>>
      tpu.enqueue_dma source(%arg8 : memref<400xf32, #tpu.memory_space<vmem>>) target(%dma_start3A_2150 : memref<400xf32, #tpu.memory_space<hbm>>) target_semaphore(%run_scoped3A : memref<!tpu.dma_semaphore, #tpu.memory_space<semaphore_mem>>)
      %dma_wait3A_2151 = arith.constant 0 : i32
      %dma_wait3A_2152 = tpu.memref_slice %arg4[%add3A_1069, %dma_wait3A_2151] : memref<64x400xf32, #tpu.memory_space<hbm>> -> memref<1x400xf32, #tpu.memory_space<hbm>>
      %dma_wait3A_2153 = tpu.memref_squeeze %dma_wait3A_2152 : memref<1x400xf32, #tpu.memory_space<hbm>> -> memref<400xf32, #tpu.memory_space<hbm>>
      %dma_wait3A_2154 = arith.constant 0 : i32
      %dma_wait3A_2155 = tpu.memref_slice %arg4[%add3A_1069, %dma_wait3A_2154] : memref<64x400xf32, #tpu.memory_space<hbm>> -> memref<1x400xf32, #tpu.memory_space<hbm>>
      %dma_wait3A_2156 = tpu.memref_squeeze %dma_wait3A_2155 : memref<1x400xf32, #tpu.memory_space<hbm>> -> memref<400xf32, #tpu.memory_space<hbm>>
      tpu.wait_dma2 semaphore(%run_scoped3A : memref<!tpu.dma_semaphore, #tpu.memory_space<semaphore_mem>>) src(%arg8 : memref<400xf32, #tpu.memory_space<vmem>>) dst(%dma_wait3A_2156 : memref<400xf32, #tpu.memory_space<hbm>>)
      tpu.yield
    }) : () -> ()
    return
  }
}

</mosaic_0001>

<sc_bundles>
// kernel: kernel.3.cloned.1.call-start
scs
__scs_entry_jumppad:
0x0: {  	(pc) =	sbr.rel $0x88, $3  }
0x1: {  	(tag) =	ssettag $0x0;
	lr =	simm.s32 $0x1  }
0x2: {  	[smem:$0x3F9F] =	sst lr;
	_ =	strace $0xD0000000  }
0x3: {  	_ = 	snop  }
0x4: {  	_ = 	snop  }
0x5: {  	_ = 	snop  }
0x6: {  	_ = 	snop  }
0x7: {  	_ = 	snop  }
__scs_overlays_trampoline_lowered:
0x8: {  	[smem:$0x3FAE] =	sst s0  }
0x9: {  	[smem:$0x3FAF] =	sst s1  }
0xa: {  	[smem:$0x3FB0] =	sst s2  }
0xb: {  	[smem:$0x3FB1] =	sst s3  }
0xc: {  	[smem:$0x3FB2] =	sst s4  }
0xd: {  	[smem:$0x3FB3] =	sst s5  }
0xe: {  	[smem:$0x3FB4] =	sst s6  }
0xf: {  	[smem:$0x3FB5] =	sst s7  }
0x10: {  	[smem:$0x3FB6] =	sst s8  }
0x11: {  	[smem:$0x3FB7] =	sst s9;
	s0 =	simm.s32 @!p0 $0x0  }
0x12: {  	s1 =	sld [smem:$0x3F9D];
	s0 =	simm.s32 @p0 $0x1  }
0x13: {  	[smem:$0x3FB8] =	sst s0;
	s0 =	simm.s32 @!p1 $0x0  }
0x14: {  	s2 =	sld [smem:$0x3F9C];
	s0 =	simm.s32 @p1 $0x1  }
0x15: {  	[smem:$0x3FB9] =	sst s0;
	s0 =	simm.s32 @!p2 $0x0  }
0x16: {  	s3 =	sld [smem:$0x3FDB];
	s0 =	simm.s32 @p2 $0x1  }
0x17: {  	s4 =	simm.s32 $0x1BF5;
	[smem:$0x3FBB] =	sst s0  }
0x18: {  	s0 =	sld [smem:$0x3F9E];
	_ =	swait.ge [sflag:s4], $0x0  }
0x19: {  	s7 =	sld [smem:$0x3F9F]  }
0x1a: {  	s8 =	sadd.s32 $0xFFFFE003, lr  }
0x1b: {  	s9 =	sadd.s32 $0xFFFFFEF7, lr;
	s5 =	simm.s32 $0xFFFFFFFF;
	p2 =	slt.u32 s8, $0xFFFFF086  }
0x1c: {  	p1 =	slt.u32 s9, $0xF7A;
	s5 =	simm.s32 @!p2 $0x0  }
0x1d: {  	s5 =	simm.s32 @p1 $0x1;
	p0 =	seq.s32 s7, s2  }
0x1e: {  	s7 =	smul.u32 @!p0 $0xF7A, s2;
	p2 =	seq.s32 @!p0 s5, $0x0  }
0x1f: {  	s9 =	smul.u32 $0xF7A, s1;
	s8 =	simm.s32 @!p0 $0x1BF5;
	p2 =	por !p2, p0  }
0x20: {  	[sflag:s8] =	ssyncset.s32 @!p0 $0xFFFFF086;
	s6 =	sadd.s32 @!p0 s3, s7;
	s7 =	simm.s32 @!p0 $0x108  }
0x21: {  	s3 =	sadd.s32 s3, s9;
	s6 =	sadd.s32 @!p0 $0x88, s6;
	s7 =	simm.s32 @p2 $0x1082  }
0x22: {  	[simem:s7], [sflag:s8] =	dma.local @!p0 [hbm:s6], $0xF7A  }
0x23: {  	s9 =	sor.u32 $0xD0000000, s2;
	s6 =	simm.s32 $0x108;
	_ =	swait.ge @!p0 [sflag:s8], $0x0  }
0x24: {  	s3 =	sadd.s32 $0x88, s3;
	s6 =	simm.s32 @!p1 $0x1082;
	[sflag:s4] =	ssyncset.s32 $0xFFFFF086  }
0x25: {  	[simem:s6], [sflag:s4] =	dma.local [hbm:s3], $0xF7A  }
0x26: {  	[smem:$0x3F9F] =	sst s1;
	(tag) =	ssettag s2;
	_ =	strace s9  }
0x27: {  	s1 =	sld [smem:$0x3FAF]  }
0x28: {  	s2 =	sld [smem:$0x3FB0]  }
0x29: {  	s4 =	sld [smem:$0x3FB2]  }
0x2a: {  	p0 =	seq.s32 s5, $0x0;
	s5 =	sld [smem:$0x3FB3]  }
0x2b: {  	s6 =	sld [smem:$0x3FB4]  }
0x2c: {  	s7 =	sld [smem:$0x3FB5]  }
0x2d: {  	s3 =	simm.s32 $0x108;
	s8 =	sld [smem:$0x3FB6]  }
0x2e: {  	s3 =	simm.s32 @!p0 $0x1082;
	s9 =	sld [smem:$0x3FB7]  }
0x2f: {  	lr =	sadd.s32 s0, s3;
	s0 =	sld [smem:$0x3FAE]  }
0x30: {  	s3 =	sld [smem:$0x3FB1]  }
0x31: {  	[smem:$0x3FBA] =	sst s10  }
0x32: {  	s10 =	sld [smem:$0x3FB8];
	_ =	sdelay $0x3  }
0x33: {  	p0 =	seq.s32 s10, $0x1;
	s10 =	sld [smem:$0x3FBA];
	_ =	sdelay $0x3  }
0x34: {  	[smem:$0x3FBA] =	sst s10  }
0x35: {  	s10 =	sld [smem:$0x3FB9];
	_ =	sdelay $0x3  }
0x36: {  	p1 =	seq.s32 s10, $0x1;
	s10 =	sld [smem:$0x3FBA];
	_ =	sdelay $0x3  }
0x37: {  	[smem:$0x3FBA] =	sst s10  }
0x38: {  	s10 =	sld [smem:$0x3FBB]  }
0x39: {  	_ = 	snop;
	(pc) =	sbr.ind lr, $3  }
0x3a: {  	_ = 	snop  }
0x3b: {  	_ = 	snop  }
0x3c: {  	p2 =	seq.s32 s10, $0x1;
	s10 =	sld [smem:$0x3FBA]  }
0x3d: {  	_ =	shalt  }
0x3e: {  	_ =	shalt  }
0x3f: {  	_ =	shalt  }
0x40: {  	_ =	shalt  }
0x41: {  	_ =	shalt  }
0x42: {  	_ =	shalt  }
0x43: {  	_ =	shalt  }
0x44: {  	_ =	shalt  }
0x45: {  	_ =	shalt  }
0x46: {  	_ =	shalt  }
0x47: {  	_ =	shalt  }
0x48: {  	_ =	shalt  }
0x49: {  	_ =	shalt  }
0x4a: {  	_ =	shalt  }
0x4b: {  	_ =	shalt  }
0x4c: {  	_ =	shalt  }
0x4d: {  	_ =	shalt  }
0x4e: {  	_ =	shalt  }
0x4f: {  	_ =	shalt  }
0x50: {  	_ =	shalt  }
0x51: {  	_ =	shalt  }
0x52: {  	_ =	shalt  }
0x53: {  	_ =	shalt  }
0x54: {  	_ =	shalt  }
0x55: {  	_ =	shalt  }
0x56: {  	_ =	shalt  }
0x57: {  	_ =	shalt  }
0x58: {  	_ =	shalt  }
0x59: {  	_ =	shalt  }
0x5a: {  	_ =	shalt  }
0x5b: {  	_ =	shalt  }
0x5c: {  	_ =	shalt  }
0x5d: {  	_ =	shalt  }
0x5e: {  	_ =	shalt  }
0x5f: {  	_ =	shalt  }
0x60: {  	_ =	shalt  }
0x61: {  	_ =	shalt  }
0x62: {  	_ =	shalt  }
0x63: {  	_ =	shalt  }
0x64: {  	_ =	shalt  }
0x65: {  	_ =	shalt  }
0x66: {  	_ =	shalt  }
0x67: {  	_ =	shalt  }
0x68: {  	_ =	shalt  }
0x69: {  	_ =	shalt  }
0x6a: {  	_ =	shalt  }
0x6b: {  	_ =	shalt  }
0x6c: {  	_ =	shalt  }
0x6d: {  	_ =	shalt  }
0x6e: {  	_ =	shalt  }
0x6f: {  	_ =	shalt  }
0x70: {  	_ =	shalt  }
0x71: {  	_ =	shalt  }
0x72: {  	_ =	shalt  }
0x73: {  	_ =	shalt  }
0x74: {  	_ =	shalt  }
0x75: {  	_ =	shalt  }
0x76: {  	_ =	shalt  }
0x77: {  	_ =	shalt  }
0x78: {  	_ =	shalt  }
0x79: {  	_ =	shalt  }
0x7a: {  	_ =	shalt  }
0x7b: {  	_ =	shalt  }
0x7c: {  	_ =	shalt  }
0x7d: {  	_ =	shalt  }
0x7e: {  	_ =	shalt  }
0x7f: {  	_ =	shalt  }
0x80: {  	_ =	shalt  }
0x81: {  	_ =	shalt  }
0x82: {  	_ =	shalt  }
0x83: {  	_ =	shalt  }
0x84: {  	_ =	shalt  }
0x85: {  	_ =	shalt  }
0x86: {  	_ =	shalt  }
0x87: {  	_ =	shalt  }
.Lfunc_end0:
.L_simem_size_0:
called_computation_lowered:
.L_overlay_start_0:
0x88: {  	s2 =	sld [smem:$0x3FD9]  }
0x89: {  	s3 =	sld [smem:$0x3FFE];
	_ =	sdelay $0x1  }
0x8a: {  	s1 =	srdreg.scid  }
0x8b: {  	s0 =	sand.u32 $0x1, s1  }
0x8c: {  	s17 =	sshll.u32 s0, $0xA;
	s2 =	sadd.s32 s3, s2  }
0x8d: {  	s2 =	sadd.s32 s2, s17  }
0x8e: {  	[smem:$0x3FC6] =	sst s2  }
0x8f: {  	_ = 	snop  }
0x90: {  	s2 =	sld [smem:$0x3FC9]  }
0x91: {  	s18 =	sld [smem:$0x3FD0];
	(tm) =	ssettm $0x1  }
0x92: {  	s4 =	sld [smem:$0x3FFB];
	_ =	sdelay $0x3  }
0x93: {  	_ =	strace s4  }
0x94: {  	s4 =	sld [smem:$0x3FFC];
	_ =	sdelay $0x3  }
0x95: {  	_ =	strace s4  }
0x96: {  	s4 =	sld [smem:$0x3FFD];
	_ =	sdelay $0x3  }
0x97: {  	_ =	strace s4  }
0x98: {  	_ =	strace $0x8FFFFFFF  }
0x99: {  	s19 =	sld [smem:$0x3FDB];
	_ =	sdelay $0x1  }
0x9a: {  	s5 =	simm.s32 $_scs_section_size  }
0x9b: {  	s6 =	simm.s32 $_size__tile_overlayer_lowered;
	s7 =	simm.s32 $_tile_overlayer_lowered  }
0x9c: {  	s22 =	simm.s32 $0x1BFF;
	s21 =	sshll.u32 s7, $0x1;
	s4 =	sadd.s32 s5, s19  }
0x9d: {  	s8 =	simm.s32 $0x0;
	s20 =	sshll.u32 s6, $0x1;
	s6 =	sadd.s32 s21, s4  }
0x9e: {  	[timem:s8], [sflag:s22] =	dma.local [hbm:s6], s20  }
0x9f: {  	_ =	swait.ge [sflag:s22], s20  }
0xa0: {  	s5 =	ssub.s32 $0x0, s20;
	[sflag:s22] =	ssyncset.done $0x0  }
0xa1: {  	[sflag:s22] =	ssyncadd.s32 s5;
	_ =	sdelay $0x1  }
0xa2: {  	s23 =	simm.s32 $0x1B8B  }
0xa3: {  	_ =	swait.ge [sflag:s23], $0x1  }
0xa4: {  	[sflag:s23] =	ssyncset.done $0x0  }
0xa5: {  	s25 =	simm.s32 $0x1B8E;
	s24 =	sld [smem:$0x3FFE];
	[sflag:s23] =	ssyncadd.s32 $0xFFFFFFFF  }
0xa6: {  	s26 =	simm.s32 $execute0_lowered;
	[smem:$0x3FD2] =	sst s25  }
0xa7: {  	s6 =	sshll.u32 s26, $0x1;
	_ =	strace $0x80000046;
	[dreg:$0x1] =	wrdreg $0xFFFFFFFF  }
0xa8: {  	s28 =	simm.s32 $_size_execute0_lowered;
	s4 =	sadd.s32 s4, s6;
	[dreg:$0x0] =	wrdreg $0x0  }
0xa9: {  	s6 =	sshll.u32 s28, $0x1;
	[dreg:$0x2] =	wrdreg s4  }
0xaa: {  	[dreg:$0x3] =	wrdreg s6  }
0xab: {  	[dreg:$0x4] =	wrdreg $0xC0  }
0xac: {  	_ =	task [dreg:s8], $0x5FFFF  }
0xad: {  	[dreg:$0x1] =	wrdreg $0xFFFFFFFF  }
0xae: {  	[dreg:$0x0] =	wrdreg $0x60  }
0xaf: {  	[dreg:$0x2] =	wrdreg s2  }
0xb0: {  	[dreg:$0x3] =	wrdreg s24  }
0xb1: {  	[dreg:$0x4] =	wrdreg s18  }
0xb2: {  	[dreg:$0x5] =	wrdreg $0x9  }
0xb3: {  	_ =	task.clear_ibuf [dreg:s8], $0x6FFFF;
	_ =	strace $0x90000046  }
0xb4: {  	s29 =	simm.s32 $0x9;
	_ =	strace $0x80000048  }
0xb5: {  	_ =	swait.ge [sflag:s29], $0x1  }
0xb6: {  	[sflag:s29] =	ssyncadd.s32 $0xFFFFFFFF  }
0xb7: {  	_ =	strace $0x90000048  }
0xb8: {  	_ =	sfence  }
0xb9: {  	s30 =	sld [smem:$0x0];
	_ =	sdelay $0x2  }
0xba: {  	s31 =	sshll.u32 s1, $0xD;
	s1 =	sshrl.u32 s1, $0x2  }
0xbb: {  	s3 =	sand.u32 $0x4000, s31;
	s1 =	sadd.s32 s1, s30  }
0xbc: {  	s0 =	sor.u32 s3, s0;
	s1 =	sshll.u32 s1, $0x11  }
0xbd: {  	s0 =	sor.u32 s1, s0  }
0xbe: {  	s0 =	sadd.s32 $0x8F2B, s0  }
0xbf: {  	[sflag:s0] =	ssyncadd.remote.s32 $0x1  }
0xc0: {  	_ =	sfence.sel $0xFFFF  }
0xc1: {  	[dreg:$0x0] =	wrdreg $0xFFFFFFFF;
	(pc) =	sbr.abs _section_cstart, $3  }
0xc2: {  	[dreg:$0x1] =	wrdreg $0xFFFFFFFF  }
0xc3: {  	_ =	task.clear_ibuf [dreg:s8], $0x2FFFF;
	_ =	strace $0x9FFFFFFF  }
0xc4: {  	(tm) =	ssettm $0x7FFFFFFF  }
0xc5: {  	_ =	shalt  }
tec
execute0_lowered:
.L_overlay_start_1:
0x0: {  	(tag) =	ssettag $0x1  }
0x1: {  	s7 =	rddreg [dreg:$0x0];
	v0 =	vlaneseq.u32  }
0x2: {  	s3 =	rddreg [dreg:$0x1];
	v1 =	vmul.u32 $0xFFFFFFFF, v0  }
0x3: {  	s8 =	rddreg [dreg:$0x2];
	s2 =	simm.s32 $0x0  }
0x4: {  	[smem:$0x7FF] =	sst s2;
	v4 =	vadd.s32 $0x7FFFFFF0, v1  }
0x5: {  	s0 =	rddreg [dreg:$0x3];
	_ =	strace $0x80000047;
	v5 =	vadd.s32 $0x7FFFFFE0, v1;
	[tilespmem:$0x1FC40] =	vst v4  }
0x6: {  	v6 =	vadd.s32 $0x7FFFFFD0, v1;
	[tilespmem:$0x1FC50] =	vst v5  }
0x7: {  	v7 =	vadd.s32 $0x7FFFFFC0, v1;
	[tilespmem:$0x1FC60] =	vst v6  }
0x8: {  	v8 =	vadd.s32 $0x7FFFFFB0, v1;
	[tilespmem:$0x1FC70] =	vst v7  }
0x9: {  	v9 =	vadd.s32 $0x7FFFFFA0, v1;
	[tilespmem:$0x1FC80] =	vst v8  }
0xa: {  	v10 =	vadd.s32 $0x7FFFFF90, v1;
	[tilespmem:$0x1FC90] =	vst v9  }
0xb: {  	v11 =	vadd.s32 $0x7FFFFF80, v1;
	[tilespmem:$0x1FCA0] =	vst v10  }
0xc: {  	v12 =	vadd.s32 $0x7FFFFF70, v1;
	[tilespmem:$0x1FCB0] =	vst v11  }
0xd: {  	v13 =	vadd.s32 $0x7FFFFF60, v1;
	[tilespmem:$0x1FCC0] =	vst v12  }
0xe: {  	v14 =	vadd.s32 $0x7FFFFF50, v1;
	[tilespmem:$0x1FCD0] =	vst v13  }
0xf: {  	v15 =	vadd.s32 $0x7FFFFF40, v1;
	[tilespmem:$0x1FCE0] =	vst v14  }
0x10: {  	v16 =	vadd.s32 $0x7FFFFF30, v1;
	[tilespmem:$0x1FCF0] =	vst v15  }
0x11: {  	v17 =	vadd.s32 $0x7FFFFF20, v1;
	[tilespmem:$0x1FD00] =	vst v16  }
0x12: {  	v18 =	vadd.s32 $0x7FFFFF10, v1;
	[tilespmem:$0x1FD10] =	vst v17  }
0x13: {  	v19 =	vadd.s32 $0x7FFFFF00, v1;
	[tilespmem:$0x1FD20] =	vst v18  }
0x14: {  	v20 =	vadd.s32 $0x7FFFFEF0, v1;
	[tilespmem:$0x1FD30] =	vst v19  }
0x15: {  	v21 =	vadd.s32 $0x7FFFFEE0, v1;
	[tilespmem:$0x1FD40] =	vst v20  }
0x16: {  	v22 =	vadd.s32 $0x7FFFFED0, v1;
	[tilespmem:$0x1FD50] =	vst v21  }
0x17: {  	v23 =	vadd.s32 $0x7FFFFEC0, v1;
	[tilespmem:$0x1FD60] =	vst v22  }
0x18: {  	v24 =	vadd.s32 $0x7FFFFEB0, v1;
	[tilespmem:$0x1FD70] =	vst v23  }
0x19: {  	v25 =	vadd.s32 $0x7FFFFEA0, v1;
	[tilespmem:$0x1FD80] =	vst v24  }
0x1a: {  	v26 =	vadd.s32 $0x7FFFFE90, v1;
	[tilespmem:$0x1FD90] =	vst v25  }
0x1b: {  	v27 =	vadd.s32 $0x7FFFFE80, v1;
	[tilespmem:$0x1FDA0] =	vst v26  }
0x1c: {  	v28 =	vadd.s32 $0x7FFFFE70, v1;
	[tilespmem:$0x1FDB0] =	vst v27  }
0x1d: {  	v29 =	vadd.s32 $0x7FFFFE60, v1;
	[tilespmem:$0x1FDC0] =	vst v28  }
0x1e: {  	v30 =	vadd.s32 $0x7FFFFE50, v1;
	[tilespmem:$0x1FDD0] =	vst v29  }
0x1f: {  	v31 =	vadd.s32 $0x7FFFFE40, v1;
	[tilespmem:$0x1FDE0] =	vst v30  }
0x20: {  	v32 =	vadd.s32 $0x7FFFFE30, v1;
	[tilespmem:$0x1FDF0] =	vst v31  }
0x21: {  	v33 =	vadd.s32 $0x7FFFFE20, v1;
	[tilespmem:$0x1FE00] =	vst v32  }
0x22: {  	v34 =	vadd.s32 $0x7FFFFE10, v1;
	[tilespmem:$0x1FE10] =	vst v33  }
0x23: {  	v35 =	vadd.s32 $0x7FFFFE00, v1;
	[tilespmem:$0x1FE20] =	vst v34  }
0x24: {  	v36 =	vadd.s32 $0x7FFFFDF0, v1;
	[tilespmem:$0x1FE30] =	vst v35  }
0x25: {  	v37 =	vadd.s32 $0x7FFFFDE0, v1;
	[tilespmem:$0x1FE40] =	vst v36  }
0x26: {  	v38 =	vadd.s32 $0x7FFFFDD0, v1;
	[tilespmem:$0x1FE50] =	vst v37  }
0x27: {  	v39 =	vadd.s32 $0x7FFFFDC0, v1;
	[tilespmem:$0x1FE60] =	vst v38  }
0x28: {  	v40 =	vadd.s32 $0x7FFFFDB0, v1;
	[tilespmem:$0x1FE70] =	vst v39  }
0x29: {  	v41 =	vadd.s32 $0x7FFFFDA0, v1;
	[tilespmem:$0x1FE80] =	vst v40  }
0x2a: {  	v42 =	vadd.s32 $0x7FFFFD90, v1;
	[tilespmem:$0x1FE90] =	vst v41  }
0x2b: {  	v43 =	vadd.s32 $0x7FFFFD80, v1;
	[tilespmem:$0x1FEA0] =	vst v42  }
0x2c: {  	v44 =	vadd.s32 $0x7FFFFD70, v1;
	[tilespmem:$0x1FEB0] =	vst v43  }
0x2d: {  	v45 =	vadd.s32 $0x7FFFFD60, v1;
	[tilespmem:$0x1FEC0] =	vst v44  }
0x2e: {  	v46 =	vadd.s32 $0x7FFFFD50, v1;
	[tilespmem:$0x1FED0] =	vst v45  }
0x2f: {  	v47 =	vadd.s32 $0x7FFFFD40, v1;
	[tilespmem:$0x1FEE0] =	vst v46  }
0x30: {  	v48 =	vadd.s32 $0x7FFFFD30, v1;
	[tilespmem:$0x1FEF0] =	vst v47  }
0x31: {  	v49 =	vadd.s32 $0xF, v1;
	[tilespmem:$0x1FF00] =	vst v48  }
0x32: {  	s14 =	simm.s32 $0x580;
	s15 =	simm.s32 $0x3D0;
	v50 =	vadd.s32 $0x7FFFFD20, v1;
	[tilespmem:$0x1FF10] =	vst v49  }
0x33: {  	s1 =	stileid.u32;
	s16 =	simm.s32 $0x5D0;
	s17 =	simm.s32 $0x420;
	v51 =	vadd.s32 $0x7FFFFD10, v1;
	[tilespmem:$0x1FF20] =	vst v50  }
0x34: {  	s18 =	simm.s32 $0x620;
	s19 =	simm.s32 $0x470;
	s20 =	simm.s32 $0x670;
	v52 =	vadd.s32 $0x80000000, v1;
	v45 =	vmul.u32 $0x310, v0;
	[tilespmem:$0x1FF30] =	vst v51  }
0x35: {  	s10 =	srdreg.scid;
	s21 =	simm.s32 $0x4C0;
	s22 =	simm.s32 $0x6C0;
	v53 =	vadd.s32 $0x7FFFFD00, v1;
	[tilespmem:$0x1FF40] =	vst v52  }
0x36: {  	v2 =	vimm.f32 $1.000000010e-10;
	s23 =	simm.s32 $0x1;
	s24 =	simm.s32 $0x780;
	s4 =	sshrl.u32 s1, $0x1;
	[tilespmem:$0x1FF50] =	vst v53;
	v54 =	vor.u32 $0x1, v45  }
0x37: {  	s3 =	sadd.s32 $0x400, s3;
	s5 =	sshll.u32 s1, $0x9;
	s10 =	sand.u32 $0x1, s10;
	(erf) = vrcp.f32 v2;
	v55 =	vadd.s32 $0x3101, v45;
	[tilespmem:$0x1FF60] =	vst v54  }
0x38: {  	s6 =	smul.u32 $0x1C00, s4;
	s5 =	sand.u32 $0x200, s5;
	s11 =	sshll.u32 s10, $0x8;
	v56 =	vadd.s32 $0x6201, v45;
	[tilespmem:$0x1FF70] =	vst v55  }
0x39: {  	s9 =	sshll.u32 s4, $0xC;
	s10 =	ssub.s32 $0x2, s10;
	s11 =	sor.u32 s11, s5;
	v57 =	vadd.s32 $0x9301, v45;
	[tilespmem:$0x1FF80] =	vst v56  }
0x3a: {  	s4 =	simm.s32 $0x400;
	s28 =	sshrl.u32 s10, $0x1;
	s12 =	sor.u32 s6, s11;
	v58 =	vadd.s32 $0xC401, v45;
	[tilespmem:$0x1FF90] =	vst v57  }
0x3b: {  	s10 =	ssub.s32 s10, s28;
	s30 =	sor.u32 s9, s11;
	s11 =	sor.u32 $0x80, s11;
	v59 =	vadd.s32 $0xF501, v45;
	[tilespmem:$0x1FFA0] =	vst v58  }
0x3c: {  	s29 =	sshrl.u32 s12, $0x3;
	s12 =	sshrl.u32 s30, $0x3;
	s13 =	sor.u32 s6, s11;
	v60 =	vadd.s32 $0x12601, v45;
	[tilespmem:$0x1FFB0] =	vst v59  }
0x3d: {  	s9 =	sor.u32 s9, s11;
	s11 =	simm.s32 $0x2;
	s5 =	sadd.s32 s7, s29;
	v61 =	vadd.s32 $0x15701, v45;
	[tilespmem:$0x1FFC0] =	vst v60  }
0x3e: {  	s6 =	sadd.s32 s8, s12;
	s31 =	sshrl.u32 s13, $0x3;
	s9 =	sshrl.u32 s9, $0x3;
	v62 =	vadd.s32 $0x18801, v45;
	[tilespmem:$0x1FFD0] =	vst v61  }
0x3f: {  	s12 =	simm.s32 $0x50;
	s13 =	simm.s32 $0x380;
	v63 =	vadd.s32 $0x1B901, v45;
	s7 =	sadd.s32 s7, s31;
	[tilespmem:$0x1FFE0] =	vst v62  }
0x40: {  	s8 =	sadd.s32 s8, s9;
	s9 =	smax.u32 s10, $0x1;
	s10 =	simm.s32 $0x80;
	[tilespmem:$0x1FFF0] =	vst v63;
	v58 =	vpop (erf)  }
.LBB2_1:
0x41: {  	[tilespmem:s2], [sflag:$0x2] =	stream.strided.gather [hbm4b:s5+s10], $0x380, s4, s10, $0x38;
	[tilespmem:$0x980] =	vst v63  }
0x42: {  	_ =	swait.ge [sflag:s11], $0x380  }
0x43: {  	[sflag:s11] =	ssyncset.done $0x0  }
0x44: {  	[sflag:s11] =	ssyncadd.s32 $0xFFFFFC80  }
0x45: {  	v0 =	vld [tilespmem:$0x0]  }
0x46: {  	v1 =	vld [tilespmem:$0x10]  }
0x47: {  	v2 =	vld [tilespmem:$0x20]  }
0x48: {  	v3 =	vld [tilespmem:$0x30]  }
0x49: {  	v4 =	vld [tilespmem:$0x40]  }
0x4a: {  	v31 =	vld [tilespmem:$0x60]  }
0x4b: {  	v33 =	vld [tilespmem:$0x70]  }
0x4c: {  	v34 =	vld [tilespmem:$0x80];
	v0 =	vmul.f32 $1.789999960e+00, v0  }
0x4d: {  	v5 =	vld [tilespmem:$0x90];
	v1 =	vmul.f32 $1.789999960e+00, v1  }
0x4e: {  	v41 =	vld [tilespmem:$0xB0];
	v27 =	vmul.f32 $1.789999960e+00, v2;
	v0 =	vmul.f32 $1.442695020e+00, v0  }
0x4f: {  	v43 =	vld [tilespmem:$0xC0];
	v29 =	vmul.f32 $1.789999960e+00, v3;
	v30 =	vmul.f32 $1.789999960e+00, v4  }
0x50: {  	v28 =	vld [tilespmem:$0x50];
	v4 =	vmul.f32 $1.789999960e+00, v31;
	(erf) = vpow2.f32 v0  }
0x51: {  	v50 =	vld [tilespmem:$0xE0];
	v2 =	vmul.f32 $1.789999960e+00, v33;
	v26 =	vmul.f32 $1.442695020e+00, v1  }
0x52: {  	v53 =	vld [tilespmem:$0xF0];
	v38 =	vmul.f32 $1.789999960e+00, v34;
	v5 =	vmul.f32 $1.789999960e+00, v5  }
0x53: {  	v60 =	vld [tilespmem:$0x110];
	v1 =	vmul.f32 $1.442695020e+00, v27;
	(erf) = vpow2.f32 v26  }
0x54: {  	v48 =	vmul.f32 $1.789999960e+00, v41;
	v51 =	vmul.f32 $1.789999960e+00, v43  }
0x55: {  	v63 =	vld [tilespmem:$0x120];
	v32 =	vmul.f32 $1.442695020e+00, v29;
	(erf) = vpow2.f32 v1  }
0x56: {  	v14 =	vld [tilespmem:$0x140];
	v57 =	vmul.f32 $1.789999960e+00, v50;
	v3 =	vmul.f32 $1.442695020e+00, v30  }
0x57: {  	v17 =	vld [tilespmem:$0x150];
	v0 =	vmul.f32 $1.789999960e+00, v28;
	(erf) = vpow2.f32 v32  }
0x58: {  	v7 =	vimm.s32 $0x0;
	v61 =	vmul.f32 $1.789999960e+00, v53;
	v12 =	vmul.f32 $1.789999960e+00, v60  }
0x59: {  	v8 =	vimm.s32 $0x0;
	v0 =	vmul.f32 $1.442695020e+00, v0;
	(erf) = vpow2.f32 v3;
	v35 =	vpop (erf)  }
0x5a: {  	v15 =	vmul.f32 $1.789999960e+00, v63;
	vm0 =	vlt.f32 v35, $+Inf;
	vm1 =	vgt.f32 v35, $+Inf  }
0x5b: {  	v37 =	vld [tilespmem:$0xA0];
	v36 =	vmul.f32 $1.442695020e+00, v4;
	(erf) = vpow2.f32 v0;
	vm15 =	vmor vm1, vm0  }
0x5c: {  	v21 =	vmul.f32 $1.789999960e+00, v14;
	v24 =	vmul.f32 $1.789999960e+00, v17;
	v6 =	vpop (erf);
	v3 =	vnsel vm15, $0x7F800000, v35  }
0x5d: {  	v46 =	vld [tilespmem:$0xD0];
	v2 =	vmul.f32 $1.442695020e+00, v2;
	(erf) = vpow2.f32 v36;
	vm10 =	vlt.f32 v6, v3  }
0x5e: {  	v31 =	vimm.s32 $0x0;
	v43 =	vimm.s32 $0x0;
	v40 =	vpop (erf);
	v39 =	vsel vm10, v6, v3  }
0x5f: {  	v0 =	vmul.f32 $1.442695020e+00, v38;
	(erf) = vpow2.f32 v2;
	vm14 =	vlt.f32 v40, v39  }
0x60: {  	v53 =	vimm.s32 $0x0;
	v4 =	vmul.f32 $1.789999960e+00, v37;
	v42 =	vpop (erf);
	v1 =	vsel vm14, v40, v39  }
0x61: {  	v44 =	vmul.f32 $1.442695020e+00, v5;
	(erf) = vpow2.f32 v0;
	vm12 =	vlt.f32 v42, v1  }
0x62: {  	v23 =	vld [tilespmem:$0x170];
	v14 =	vimm.s32 $0x0;
	v5 =	vmul.f32 $1.789999960e+00, v46;
	v47 =	vpop (erf);
	v1 =	vsel vm12, v42, v1  }
0x63: {  	v4 =	vmul.f32 $1.442695020e+00, v4;
	(erf) = vpow2.f32 v44;
	vm13 =	vlt.f32 v47, v1  }
0x64: {  	v50 =	vld [tilespmem:$0x1E0];
	v54 =	vmul.f32 $1.442695020e+00, v51;
	v9 =	vmul.f32 $1.442695020e+00, v61;
	v49 =	vpop (erf);
	v1 =	vsel vm13, v47, v1  }
0x65: {  	v26 =	vld [tilespmem:$0x180];
	v0 =	vmul.f32 $1.442695020e+00, v48;
	(erf) = vpow2.f32 v4;
	vm11 =	vlt.f32 v49, v1  }
0x66: {  	v18 =	vmul.f32 $1.442695020e+00, v15;
	v27 =	vmul.f32 $1.442695020e+00, v24;
	v52 =	vpop (erf);
	v1 =	vsel vm11, v49, v1  }
0x67: {  	v63 =	vld [tilespmem:$0x210];
	v30 =	vmul.f32 $1.789999960e+00, v23;
	(erf) = vpow2.f32 v0;
	vm8 =	vlt.f32 v52, v1  }
0x68: {  	v55 =	vld [tilespmem:$0x100];
	v61 =	vimm.s32 $0x0;
	v23 =	vimm.s32 $0x0;
	v56 =	vpop (erf);
	v1 =	vsel vm8, v52, v1  }
0x69: {  	v5 =	vmul.f32 $1.442695020e+00, v5;
	(erf) = vpow2.f32 v54;
	vm9 =	vlt.f32 v56, v1  }
0x6a: {  	v60 =	vmul.f32 $1.789999960e+00, v50;
	v34 =	vmul.f32 $1.789999960e+00, v26;
	v59 =	vpop (erf);
	v1 =	vsel vm9, v56, v1  }
0x6b: {  	v33 =	vld [tilespmem:$0x1A0];
	v0 =	vmul.f32 $1.442695020e+00, v57;
	(erf) = vpow2.f32 v5;
	vm7 =	vlt.f32 v59, v1  }
0x6c: {  	v37 =	vld [tilespmem:$0x1B0];
	v17 =	vmul.f32 $1.789999960e+00, v63;
	v38 =	vmul.f32 $1.442695020e+00, v34;
	v62 =	vpop (erf);
	v1 =	vsel vm7, v59, v1  }
0x6d: {  	v46 =	vld [tilespmem:$0x1D0];
	v4 =	vmul.f32 $1.789999960e+00, v55;
	(erf) = vpow2.f32 v0;
	vm5 =	vlt.f32 v62, v1  }
0x6e: {  	v10 =	vld [tilespmem:$0x130];
	v35 =	vimm.s32 $0x0;
	v48 =	vimm.s32 $0x0;
	v11 =	vpop (erf);
	v1 =	vsel vm5, v62, v1  }
0x6f: {  	v4 =	vmul.f32 $1.442695020e+00, v4;
	(erf) = vpow2.f32 v9;
	vm6 =	vlt.f32 v11, v1  }
0x70: {  	v40 =	vimm.s32 $0x0;
	v42 =	vmul.f32 $1.789999960e+00, v33;
	v13 =	vpop (erf);
	v1 =	vsel vm6, v11, v1  }
0x71: {  	v0 =	vmul.f32 $1.442695020e+00, v12;
	(erf) = vpow2.f32 v4;
	vm3 =	vlt.f32 v13, v1  }
0x72: {  	v55 =	vmul.f32 $1.789999960e+00, v46;
	v47 =	vmul.f32 $1.789999960e+00, v37;
	v16 =	vpop (erf);
	v1 =	vsel vm3, v13, v1  }
0x73: {  	v19 =	vld [tilespmem:$0x160];
	v5 =	vmul.f32 $1.789999960e+00, v10;
	(erf) = vpow2.f32 v0;
	vm4 =	vlt.f32 v16, v1  }
0x74: {  	v46 =	vimm.s32 $0x0;
	v51 =	vmul.f32 $1.442695020e+00, v47;
	v20 =	vpop (erf);
	v1 =	vsel vm4, v16, v1  }
0x75: {  	v5 =	vmul.f32 $1.442695020e+00, v5;
	(erf) = vpow2.f32 v18;
	vm1 =	vlt.f32 v20, v1  }
0x76: {  	v28 =	vld [tilespmem:$0x190];
	v56 =	vimm.s32 $0x0;
	v9 =	vmul.f32 $1.442695020e+00, v60;
	v22 =	vpop (erf);
	v1 =	vsel vm1, v20, v1  }
0x77: {  	v0 =	vmul.f32 $1.442695020e+00, v21;
	(erf) = vpow2.f32 v5;
	vm2 =	vlt.f32 v22, v1  }
0x78: {  	v4 =	vmul.f32 $1.789999960e+00, v19;
	v21 =	vmul.f32 $1.442695020e+00, v17;
	v25 =	vpop (erf);
	v1 =	vsel vm2, v22, v1  }
0x79: {  	v7 =	vsel vm4, $0xFFFFFFFF, v7;
	(erf) = vpow2.f32 v0;
	vm4 =	vlt.f32 v25, v1  }
0x7a: {  	v59 =	vld [tilespmem:$0x200];
	v4 =	vmul.f32 $1.442695020e+00, v4;
	v18 =	vimm.s32 $0x0;
	v29 =	vpop (erf);
	v1 =	vsel vm4, v25, v1  }
0x7b: {  	v5 =	vmul.f32 $1.789999960e+00, v28;
	(erf) = vpow2.f32 v27;
	vm0 =	vlt.f32 v29, v1  }
0x7c: {  	v39 =	vld [tilespmem:$0x1C0];
	v11 =	vimm.s32 $0x0;
	v0 =	vmul.f32 $1.442695020e+00, v30;
	v32 =	vpop (erf);
	v1 =	vsel vm0, v29, v1  }
0x7d: {  	(erf) = vpow2.f32 v4;
	v3 =	vsel vm0, $0xFFFFFFFF, v31;
	vm0 =	vlt.f32 v32, v1  }
0x7e: {  	v5 =	vmul.f32 $1.442695020e+00, v5;
	v16 =	vld [tilespmem:$0x230];
	v36 =	vpop (erf);
	(erf) = vpow2.f32 v0;
	v1 =	vsel vm0, v32, v1  }
0x7f: {  	v13 =	vmul.f32 $1.789999960e+00, v59;
	v30 =	vld [tilespmem:$0x260];
	v6 =	vsel vm0, $0xFFFFFFFF, v35;
	vm0 =	vlt.f32 v36, v1  }
0x80: {  	v27 =	vimm.s32 $0x0;
	v41 =	vpop (erf);
	(erf) = vpow2.f32 v38;
	v1 =	vsel vm0, v36, v1  }
0x81: {  	[tilespmem:$0x1F9C0] =	vst v7;
	v4 =	vmul.f32 $1.789999960e+00, v39;
	v7 =	vsel vm0, $0xFFFFFFFF, v40;
	vm0 =	vlt.f32 v41, v1  }
0x82: {  	v0 =	vmul.f32 $1.442695020e+00, v42;
	v44 =	vpop (erf);
	(erf) = vpow2.f32 v5;
	v1 =	vsel vm0, v41, v1  }
0x83: {  	v52 =	vld [tilespmem:$0x1F0];
	v4 =	vmul.f32 $1.442695020e+00, v4;
	[tilespmem:$0x1F9D0] =	vst v3;
	v3 =	vsel vm0, $0xFFFFFFFF, v43;
	vm0 =	vlt.f32 v44, v1  }
0x84: {  	v26 =	vmul.f32 $1.789999960e+00, v16;
	v39 =	vmul.f32 $1.789999960e+00, v30;
	v49 =	vpop (erf);
	v1 =	vsel vm0, v44, v1  }
0x85: {  	(erf) = vpow2.f32 v0;
	[tilespmem:$0x1F9E0] =	vst v6;
	v6 =	vsel vm0, $0xFFFFFFFF, v48;
	vm0 =	vlt.f32 v49, v1  }
0x86: {  	v0 =	vmul.f32 $1.442695020e+00, v55;
	v54 =	vpop (erf);
	(erf) = vpow2.f32 v51;
	v1 =	vsel vm0, v49, v1  }
0x87: {  	v10 =	vld [tilespmem:$0x220];
	v57 =	vpop (erf);
	(erf) = vpow2.f32 v4;
	[tilespmem:$0x1F9F0] =	vst v7;
	v7 =	vsel vm0, $0xFFFFFFFF, v53;
	vm0 =	vlt.f32 v54, v1  }
0x88: {  	v31 =	vimm.s32 $0x0;
	v5 =	vmul.f32 $1.789999960e+00, v52;
	v1 =	vsel vm0, v54, v1  }
0x89: {  	v62 =	vpop (erf);
	(erf) = vpow2.f32 v0;
	[tilespmem:$0x1FA00] =	vst v3;
	v3 =	vsel vm0, $0xFFFFFFFF, v56;
	vm0 =	vlt.f32 v57, v1  }
0x8a: {  	v52 =	vimm.s32 $0x0;
	v5 =	vmul.f32 $1.442695020e+00, v5;
	v1 =	vsel vm0, v57, v1  }
0x8b: {  	v22 =	vld [tilespmem:$0x250];
	[tilespmem:$0x1FA10] =	vst v6;
	v12 =	vpop (erf);
	(erf) = vpow2.f32 v9;
	v6 =	vsel vm0, $0xFFFFFFFF, v61;
	vm0 =	vlt.f32 v62, v1  }
0x8c: {  	v4 =	vmul.f32 $1.789999960e+00, v10;
	v40 =	vimm.s32 $0x0;
	v1 =	vsel vm0, v62, v1  }
0x8d: {  	v0 =	vmul.f32 $1.442695020e+00, v13;
	[tilespmem:$0x1FA20] =	vst v7;
	v7 =	vsel vm0, $0xFFFFFFFF, v11;
	vm0 =	vlt.f32 v12, v1  }
0x8e: {  	v20 =	vld [tilespmem:$0x240];
	v4 =	vmul.f32 $1.442695020e+00, v4;
	v15 =	vpop (erf);
	(erf) = vpow2.f32 v5;
	v1 =	vsel vm0, v12, v1  }
0x8f: {  	v24 =	vld [tilespmem:$0x1FF40];
	v19 =	vpop (erf);
	(erf) = vpow2.f32 v0;
	[tilespmem:$0x1FA30] =	vst v3;
	v3 =	vsel vm0, $0xFFFFFFFF, v14;
	vm0 =	vlt.f32 v15, v1  }
0x90: {  	v5 =	vmul.f32 $1.789999960e+00, v22;
	v25 =	vpop (erf);
	(erf) = vpow2.f32 v21;
	v1 =	vsel vm0, v15, v1  }
0x91: {  	v63 =	vld [tilespmem:$0x1FC40];
	v0 =	vmul.f32 $1.442695020e+00, v26;
	[tilespmem:$0x1FA40] =	vst v6;
	v6 =	vsel vm0, $0xFFFFFFFF, v18;
	vm0 =	vlt.f32 v19, v1  }
0x92: {  	v34 =	vld [tilespmem:$0x270];
	v5 =	vmul.f32 $1.442695020e+00, v5;
	v29 =	vpop (erf);
	(erf) = vpow2.f32 v4;
	[tilespmem:$0x1FA50] =	vst v7;
	v1 =	vsel vm0, v19, v1  }
0x93: {  	v37 =	vld [tilespmem:$0x1FC60];
	[tilespmem:$0x1FA70] =	vst v6;
	v6 =	vmul.f32 $1.789999960e+00, v20;
	v7 =	vsel vm0, $0xFFFFFFFF, v23;
	vm0 =	vlt.f32 v25, v1  }
0x94: {  	v47 =	vld [tilespmem:$0x1FC80];
	v33 =	vpop (erf);
	(erf) = vpow2.f32 v0;
	[tilespmem:$0x1FA80] =	vst v7;
	v7 =	vnsel vm15, $0x80000000, v24;
	v1 =	vsel vm0, v25, v1  }
0x95: {  	v36 =	vld [tilespmem:$0x280];
	[tilespmem:$0x1FA60] =	vst v3;
	v35 =	vmul.f32 $1.442695020e+00, v6;
	v3 =	vsel vm0, $0xFFFFFFFF, v27;
	vm0 =	vlt.f32 v29, v1  }
0x96: {  	v43 =	vld [tilespmem:$0x290];
	v0 =	vmul.f32 $1.442695020e+00, v39;
	v28 =	vsel vm10, v63, v7;
	v1 =	vsel vm0, v29, v1  }
0x97: {  	v49 =	vld [tilespmem:$0x2A0];
	v38 =	vpop (erf);
	(erf) = vpow2.f32 v35;
	v7 =	vsel vm0, $0xFFFFFFFF, v31;
	vm0 =	vlt.f32 v33, v1  }
0x98: {  	v51 =	vld [tilespmem:$0x2B0];
	v44 =	vmul.f32 $1.789999960e+00, v34;
	v42 =	vpop (erf);
	(erf) = vpow2.f32 v5;
	v1 =	vsel vm0, v33, v1  }
0x99: {  	v60 =	vld [tilespmem:$0x2D0];
	v48 =	vpop (erf);
	(erf) = vpow2.f32 v0;
	v8 =	vsel vm0, $0xFFFFFFFF, v8;
	vm0 =	vlt.f32 v38, v1  }
0x9a: {  	v32 =	vld [tilespmem:$0x1FC50];
	v50 =	vmul.f32 $1.442695020e+00, v44;
	v6 =	vmul.f32 $1.789999960e+00, v36;
	v1 =	vsel vm0, v38, v1  }
0x9b: {  	v30 =	vld [tilespmem:$0x1FCB0];
	v54 =	vmul.f32 $1.789999960e+00, v43;
	v4 =	vsel vm0, $0xFFFFFFFF, v40;
	vm0 =	vlt.f32 v42, v1  }
0x9c: {  	v41 =	vld [tilespmem:$0x1FC70];
	v57 =	vmul.f32 $1.789999960e+00, v49;
	v6 =	vmul.f32 $1.442695020e+00, v6;
	v1 =	vsel vm0, v42, v1  }
0x9d: {  	v56 =	vld [tilespmem:$0x2C0];
	v5 =	vmul.f32 $1.789999960e+00, v51;
	[tilespmem:$0x1FAA0] =	vst v7;
	v7 =	vsel vm0, $0xFFFFFFFF, v46;
	vm0 =	vlt.f32 v48, v1  }
0x9e: {  	v62 =	vld [tilespmem:$0x2E0];
	v53 =	vpop (erf);
	v0 =	vmul.f32 $1.442695020e+00, v54;
	(erf) = vpow2.f32 v50;
	[tilespmem:$0x1FAB0] =	vst v8;
	v8 =	vsel vm0, $0xFFFFFFFF, v52  }
0x9f: {  	v61 =	vmul.f32 $1.442695020e+00, v57;
	[tilespmem:$0x1FA90] =	vst v3;
	v3 =	vsel vm14, v32, v28;
	v28 =	vld [tilespmem:$0x1FC90];
	v55 =	vpop (erf);
	(erf) = vpow2.f32 v6  }
0xa0: {  	v32 =	vld [tilespmem:$0x1FCD0];
	v5 =	vmul.f32 $1.442695020e+00, v5;
	[tilespmem:$0x1FAC0] =	vst v4;
	v59 =	vpop (erf);
	(erf) = vpow2.f32 v0  }
0xa1: {  	v29 =	vld [tilespmem:$0x1FCA0];
	[tilespmem:$0x1FAE0] =	vst v8;
	v8 =	vpop (erf);
	(erf) = vpow2.f32 v61  }
0xa2: {  	v31 =	vld [tilespmem:$0x1FCC0];
	[tilespmem:$0x1FAD0] =	vst v7;
	v10 =	vpop (erf);
	(erf) = vpow2.f32 v5  }
0xa3: {  	v11 =	vld [tilespmem:$0x2F0]  }
0xa4: {  	v33 =	vld [tilespmem:$0x1FCE0]  }
0xa5: {  	v14 =	vld [tilespmem:$0x300]  }
0xa6: {  	v34 =	vld [tilespmem:$0x1FCF0]  }
0xa7: {  	v16 =	vld [tilespmem:$0x1F9C0]  }
0xa8: {  	v35 =	vld [tilespmem:$0x1FD00]  }
0xa9: {  	v36 =	vld [tilespmem:$0x1FD10]  }
0xaa: {  	v3 =	vsel vm12, v37, v3;
	v37 =	vld [tilespmem:$0x1FD20]  }
0xab: {  	v38 =	vld [tilespmem:$0x1FD30]  }
0xac: {  	v25 =	vld [tilespmem:$0x1F9D0]  }
0xad: {  	v1 =	vsel vm0, v48, v1;
	v39 =	vld [tilespmem:$0x1FD40]  }
0xae: {  	vm14 =	vlt.f32 v53, v1;
	v26 =	vld [tilespmem:$0x1F9E0]  }
0xaf: {  	v1 =	vsel vm14, v53, v1;
	v40 =	vld [tilespmem:$0x1FD50]  }
0xb0: {  	v3 =	vsel vm13, v41, v3;
	vm13 =	vlt.f32 v55, v1;
	v44 =	vld [tilespmem:$0x1F9F0]  }
0xb1: {  	v12 =	vmul.f32 $1.789999960e+00, v60;
	v1 =	vsel vm13, v55, v1;
	v41 =	vld [tilespmem:$0x1FD60]  }
0xb2: {  	vm12 =	vlt.f32 v59, v1;
	v46 =	vld [tilespmem:$0x1FA00]  }
0xb3: {  	v9 =	vmul.f32 $1.789999960e+00, v56;
	v15 =	vmul.f32 $1.442695020e+00, v12;
	v42 =	vld [tilespmem:$0x1FD70];
	v1 =	vsel vm12, v59, v1  }
0xb4: {  	v3 =	vsel vm11, v47, v3;
	v6 =	vmul.f32 $1.789999960e+00, v62;
	v48 =	vld [tilespmem:$0x1FA10];
	vm11 =	vlt.f32 v8, v1  }
0xb5: {  	v3 =	vsel vm8, v28, v3;
	v0 =	vmul.f32 $1.442695020e+00, v9;
	v43 =	vld [tilespmem:$0x1FD80];
	v1 =	vsel vm11, v8, v1  }
0xb6: {  	v3 =	vsel vm9, v29, v3;
	v18 =	vmul.f32 $1.442695020e+00, v6;
	v49 =	vld [tilespmem:$0x1FA20];
	vm10 =	vlt.f32 v10, v1  }
0xb7: {  	v3 =	vsel vm7, v30, v3;
	v13 =	vpop (erf);
	(erf) = vpow2.f32 v0;
	v51 =	vld [tilespmem:$0x1FA30];
	v1 =	vsel vm10, v10, v1  }
0xb8: {  	v3 =	vsel vm5, v31, v3;
	v52 =	vld [tilespmem:$0x1FA40];
	v17 =	vpop (erf);
	(erf) = vpow2.f32 v15;
	vm9 =	vlt.f32 v13, v1  }
0xb9: {  	v3 =	vsel vm6, v32, v3;
	v54 =	vld [tilespmem:$0x1FA50];
	v20 =	vpop (erf);
	(erf) = vpow2.f32 v18;
	v1 =	vsel vm9, v13, v1  }
0xba: {  	v55 =	vld [tilespmem:$0x1FA60];
	v3 =	vsel vm3, v33, v3;
	vm15 =	vnez.u8 v16;
	vm8 =	vlt.f32 v17, v1  }
0xbb: {  	v57 =	vld [tilespmem:$0x1FA70];
	v19 =	vmul.f32 $1.789999960e+00, v11;
	v21 =	vmul.f32 $1.789999960e+00, v14;
	v1 =	vsel vm8, v17, v1  }
0xbc: {  	v60 =	vld [tilespmem:$0x1FA90];
	vm5 =	vnez.u8 v25;
	v3 =	vsel vm15, v34, v3;
	vm7 =	vlt.f32 v20, v1  }
0xbd: {  	v62 =	vld [tilespmem:$0x1FAA0];
	vm15 =	vnez.u8 v26;
	v3 =	vsel vm1, v35, v3;
	v22 =	vpop (erf);
	v1 =	vsel vm7, v20, v1  }
0xbe: {  	v6 =	vld [tilespmem:$0x1FAB0];
	v0 =	vmul.f32 $1.442695020e+00, v19;
	v3 =	vsel vm2, v36, v3;
	vm6 =	vlt.f32 v22, v1  }
0xbf: {  	v7 =	vld [tilespmem:$0x1FAC0];
	v23 =	vmul.f32 $1.442695020e+00, v21;
	v24 =	vpop (erf);
	v3 =	vsel vm4, v37, v3;
	v1 =	vsel vm6, v22, v1  }
0xc0: {  	v9 =	vld [tilespmem:$0x1FAE0];
	(erf) = vpow2.f32 v0;
	v3 =	vsel vm5, v38, v3;
	vm5 =	vlt.f32 v24, v1  }
0xc1: {  	v59 =	vld [tilespmem:$0x1FA80];
	v27 =	vpop (erf);
	vm4 =	vnez.u8 v44;
	v0 =	vsel vm15, v39, v3;
	v1 =	vsel vm5, v24, v1  }
0xc2: {  	v8 =	vld [tilespmem:$0x1FAD0];
	v0 =	vsel vm4, v40, v0;
	vm4 =	vlt.f32 v27, v1  }
0xc3: {  	v44 =	vld [tilespmem:$0x1FD90];
	(erf) = vpow2.f32 v23;
	v47 =	vpop (erf);
	v1 =	vsel vm4, v27, v1  }
0xc4: {  	v23 =	vld [tilespmem:$0x1FF10];
	vm3 =	vlt.f32 v47, v1  }
0xc5: {  	vm15 =	vnez.u8 v46;
	v1 =	vsel vm3, v47, v1;
	v47 =	vld [tilespmem:$0x1FDA0]  }
0xc6: {  	v0 =	vsel vm15, v41, v0;
	vm15 =	vnez.u8 v48;
	v50 =	vpop (erf);
	v48 =	vld [tilespmem:$0x1FDB0]  }
0xc7: {  	v0 =	vsel vm15, v42, v0;
	vm15 =	vnez.u8 v49;
	v49 =	vld [tilespmem:$0x1FDC0];
	vm2 =	vlt.f32 v50, v1  }
0xc8: {  	v0 =	vsel vm15, v43, v0;
	vm15 =	vnez.u8 v51;
	v1 =	vsel vm2, v50, v1;
	v50 =	vld [tilespmem:$0x1FDD0]  }
0xc9: {  	v51 =	vld [tilespmem:$0x1FDE0];
	v0 =	vsel vm15, v44, v0;
	vm15 =	vnez.u8 v52;
	v53 =	vpop (erf)  }
0xca: {  	v52 =	vld [tilespmem:$0x1FDF0];
	vm1 =	vlt.f32 v53, v1;
	v0 =	vsel vm15, v47, v0;
	vm15 =	vnez.u8 v54  }
0xcb: {  	v1 =	vsel vm1, v53, v1;
	v53 =	vld [tilespmem:$0x1FE00];
	v0 =	vsel vm15, v48, v0;
	vm15 =	vnez.u8 v55  }
0xcc: {  	v56 =	vpop (erf);
	v54 =	vld [tilespmem:$0x1FE10];
	v0 =	vsel vm15, v49, v0;
	vm15 =	vnez.u8 v57  }
0xcd: {  	vm0 =	vlt.f32 v56, v1;
	v55 =	vld [tilespmem:$0x1FE20];
	v0 =	vsel vm15, v50, v0;
	vm15 =	vnez.u8 v59  }
0xce: {  	v1 =	vsel vm0, v56, v1;
	v56 =	vld [tilespmem:$0x1FE30];
	v0 =	vsel vm15, v51, v0;
	vm15 =	vnez.u8 v60  }
0xcf: {  	v61 =	vsub.f32 $0.0e+00, v1;
	v57 =	vld [tilespmem:$0x1FE40];
	v0 =	vsel vm15, v52, v0;
	vm15 =	vnez.u8 v62  }
0xd0: {  	v59 =	vld [tilespmem:$0x1FE50];
	v0 =	vsel vm15, v53, v0;
	vm15 =	vnez.u8 v6  }
0xd1: {  	(xrf0) =	vmax.scan.msk.f32 $0xffff, v61;
	v60 =	vld [tilespmem:$0x1FE60];
	v0 =	vsel vm15, v54, v0;
	vm15 =	vnez.u8 v7  }
0xd2: {  	v61 =	vld [tilespmem:$0x1FE70];
	v0 =	vsel vm15, v55, v0;
	vm15 =	vnez.u8 v8  }
0xd3: {  	v46 =	vld [tilespmem:$0x1FE80];
	v0 =	vsel vm15, v56, v0;
	vm15 =	vnez.u8 v9  }
0xd4: {  	v62 =	vld [tilespmem:$0x1FE90];
	v0 =	vsel vm15, v57, v0  }
0xd5: {  	v25 =	vld [tilespmem:$0x1FEA0];
	v0 =	vsel vm14, v59, v0  }
0xd6: {  	v11 =	vld [tilespmem:$0x1FEB0];
	v0 =	vsel vm13, v60, v0  }
0xd7: {  	v12 =	vld [tilespmem:$0x1FEC0];
	v10, _, _ =	vpop (xrf0);
	v0 =	vsel vm12, v61, v0  }
0xd8: {  	v13 =	vld [tilespmem:$0x1FED0];
	v2 =	vperm.xlane v10, v23;
	v0 =	vsel vm11, v46, v0  }
0xd9: {  	v14 =	vld [tilespmem:$0x1FEE0];
	v0 =	vsel vm10, v62, v0  }
0xda: {  	v15 =	vld [tilespmem:$0x1FEF0];
	(xrf0) =	vmax.scan.msk.f32 $0xffff, v2;
	v0 =	vsel vm9, v25, v0  }
0xdb: {  	v24 =	vld [tilespmem:$0x1FF00];
	v0 =	vsel vm8, v11, v0  }
0xdc: {  	v26 =	vld [tilespmem:$0x1FF20];
	v0 =	vsel vm7, v12, v0  }
0xdd: {  	v17 =	vld [tilespmem:$0x1FF30];
	v0 =	vsel vm6, v13, v0  }
0xde: {  	v27 =	vld [tilespmem:$0x1FF50];
	v0 =	vsel vm5, v14, v0  }
0xdf: {  	v0 =	vsel vm4, v15, v0  }
0xe0: {  	v16, _, _ =	vpop (xrf0);
	v0 =	vsel vm3, v24, v0  }
0xe1: {  	v13 =	vsub.f32 $0.0e+00, v16;
	v0 =	vsel vm2, v26, v0  }
0xe2: {  	v0 =	vsel vm1, v17, v0  }
0xe3: {  	vm13 =	veq.f32 v1, v13;
	v0 =	vsel vm0, v27, v0  }
0xe4: {  	v0 =	vnsel vm13, $0x7FF66E00, v0  }
0xe5: {  	(xrf0) =	vmax.scan.msk.u32 $0xffff, v0;
	_ =	sdelay $0x5  }
0xe6: {  	v0, _, _ =	vpop (xrf0)  }
0xe7: {  	v0 =	vxor.u32 $0x80000000, v0  }
0xe8: {  	v0 =	vperm.xlane v0, v23;
	_ =	sdelay $0x1  }
0xe9: {  	v0 =	vxor.u32 $0x80000000, v0  }
0xea: {  	(xrf0) =	vmax.scan.msk.u32 $0xffff, v0;
	_ =	sdelay $0x2  }
0xeb: {  	v18 =	vld [tilespmem:$0x1FF60];
	_ =	sdelay $0x2  }
0xec: {  	v9 =	vadd.s32 $0x1EA01, v45;
	v0, _, _ =	vpop (xrf0)  }
0xed: {  	[tilespmem:$0x1FC20] =	vst v9;
	v11 =	vadd.s32 $0x21B01, v45;
	v14 =	vxor.u32 $0x7FFFFFFF, v0  }
0xee: {  	v19 =	vld [tilespmem:$0x1FF70];
	[tilespmem:$0x1FC30] =	vst v11;
	v0 =	vadd.s32 v18, v14  }
0xef: {  	v20 =	vld [tilespmem:$0x1FF80];
	v10 =	vadd.s32 v9, v14;
	[tilespmem:$0x380] =	vst v0  }
0xf0: {  	v2 =	vadd.s32 $0x2AE01, v45;
	v1 =	vadd.s32 v11, v14;
	[tilespmem:$0x420] =	vst v10  }
0xf1: {  	v21 =	vld [tilespmem:$0x1FF90];
	v3 =	vadd.s32 $0x2DF01, v45;
	v16 =	vadd.s32 v2, v14;
	[tilespmem:$0x430] =	vst v1  }
0xf2: {  	v22 =	vld [tilespmem:$0x1FFA0];
	v17 =	vadd.s32 v3, v14;
	[tilespmem:$0x460] =	vst v16  }
0xf3: {  	v4 =	vld [tilespmem:$0x1FFB0];
	v0 =	vadd.s32 v19, v14;
	[tilespmem:$0x470] =	vst v17  }
0xf4: {  	v5 =	vld [tilespmem:$0x1FFC0];
	v1 =	vadd.s32 $0x27D01, v45;
	[tilespmem:$0x390] =	vst v0;
	v0 =	vadd.s32 v20, v14  }
0xf5: {  	v15 =	vadd.s32 v1, v14;
	[tilespmem:$0x3A0] =	vst v0  }
0xf6: {  	v6 =	vld [tilespmem:$0x1FFD0];
	v0 =	vadd.s32 v21, v14;
	[tilespmem:$0x450] =	vst v15  }
0xf7: {  	[tilespmem:$0x3B0] =	vst v0;
	v0 =	vadd.s32 v22, v14  }
0xf8: {  	v7 =	vld [tilespmem:$0x1FFE0];
	[tilespmem:$0x3C0] =	vst v0;
	v0 =	vadd.s32 v4, v14  }
0xf9: {  	v4 =	vadd.s32 $0x31001, v45;
	[tilespmem:$0x3D0] =	vst v0;
	v0 =	vadd.s32 v5, v14  }
0xfa: {  	v8 =	vld [tilespmem:$0x1FFF0];
	v18 =	vadd.s32 v4, v14;
	[tilespmem:$0x3E0] =	vst v0  }
0xfb: {  	v5 =	vadd.s32 $0x34101, v45;
	v0 =	vadd.s32 v6, v14;
	[tilespmem:$0x480] =	vst v18  }
0xfc: {  	v19 =	vadd.s32 v5, v14;
	[tilespmem:$0x3F0] =	vst v0  }
0xfd: {  	v6 =	vadd.s32 $0x37201, v45;
	v0 =	vadd.s32 v7, v14;
	[tilespmem:$0x490] =	vst v19  }
0xfe: {  	v20 =	vadd.s32 v6, v14;
	[tilespmem:$0x400] =	vst v0  }
0xff: {  	v7 =	vadd.s32 $0x3A301, v45;
	v0 =	vadd.s32 v8, v14;
	[tilespmem:$0x4A0] =	vst v20  }
0x100: {  	v9 =	vadd.s32 v7, v14;
	v8 =	vadd.s32 $0x3D401, v45;
	[tilespmem:$0x410] =	vst v0  }
0x101: {  	v0 =	vadd.s32 $0x24C01, v45;
	[tilespmem:$0x4B0] =	vst v9;
	v10 =	vadd.s32 v8, v14  }
0x102: {  	v9 =	vadd.s32 $0x40501, v45;
	v12 =	vadd.s32 v0, v14;
	[tilespmem:$0x4C0] =	vst v10  }
0x103: {  	v11 =	vadd.s32 v9, v14;
	v10 =	vadd.s32 $0x43601, v45;
	[tilespmem:$0x440] =	vst v12  }
0x104: {  	[tilespmem:$0x4D0] =	vst v11;
	v12 =	vadd.s32 v10, v14;
	v11 =	vadd.s32 $0x46701, v45  }
0x105: {  	[tilespmem:$0x4E0] =	vst v12;
	v15 =	vadd.s32 v11, v14;
	v12 =	vadd.s32 $0x49801, v45  }
0x106: {  	[tilespmem:$0x4F0] =	vst v15;
	v14 =	vadd.s32 v12, v14  }
0x107: {  	[tilespmem:$0x500] =	vst v14  }
0x108: {  	[tilespmem:s14], [sflag:$0x1] =	stream.indirect.gather [hbm4b:s3+s12], $0x1, s13, s12, $0xb8;
	[tilespmem:$0x980] =	vst v63  }
0x109: {  	_ = 	snop  }
0x10a: {  	[tilespmem:s16], [sflag:$0x1] =	stream.indirect.gather [hbm4b:s3+s12], $0x1, s15, s12, $0xb8;
	[tilespmem:$0x980] =	vst v63  }
0x10b: {  	_ = 	snop  }
0x10c: {  	[tilespmem:s18], [sflag:$0x1] =	stream.indirect.gather [hbm4b:s3+s12], $0x1, s17, s12, $0xb8;
	[tilespmem:$0x980] =	vst v63  }
0x10d: {  	_ = 	snop  }
0x10e: {  	[tilespmem:s20], [sflag:$0x1] =	stream.indirect.gather [hbm4b:s3+s12], $0x1, s19, s12, $0xb8;
	[tilespmem:$0x980] =	vst v63  }
0x10f: {  	_ = 	snop  }
0x110: {  	[tilespmem:s22], [sflag:$0x1] =	stream.indirect.gather [hbm4b:s3+s12], $0x1, s21, s12, $0xb8;
	[tilespmem:$0x980] =	vst v63  }
0x111: {  	_ =	swait.ge [sflag:s23], $0x50  }
0x112: {  	[sflag:s23] =	ssyncset.done $0x0  }
0x113: {  	[sflag:s23] =	ssyncadd.s32 $0xFFFFFFB0  }
0x114: {  	_ =	swait.ge [sflag:s23], $0x50  }
0x115: {  	[sflag:s23] =	ssyncset.done $0x0  }
0x116: {  	[sflag:s23] =	ssyncadd.s32 $0xFFFFFFB0  }
0x117: {  	_ =	swait.ge [sflag:s23], $0x50  }
0x118: {  	[sflag:s23] =	ssyncset.done $0x0  }
0x119: {  	[sflag:s23] =	ssyncadd.s32 $0xFFFFFFB0  }
0x11a: {  	_ =	swait.ge [sflag:s23], $0x50  }
0x11b: {  	[sflag:s23] =	ssyncset.done $0x0  }
0x11c: {  	[sflag:s23] =	ssyncadd.s32 $0xFFFFFFB0  }
0x11d: {  	_ =	swait.ge [sflag:s23], $0x50  }
0x11e: {  	[sflag:s23] =	ssyncset.done $0x0  }
0x11f: {  	[sflag:s23] =	ssyncadd.s32 $0xFFFFFFB0  }
0x120: {  	v21 =	vld [tilespmem:$0x580]  }
0x121: {  	v22 =	vld [tilespmem:$0x590]  }
0x122: {  	v16 =	vld [tilespmem:$0x5A0]  }
0x123: {  	v17 =	vld [tilespmem:$0x5B0]  }
0x124: {  	v18 =	vld [tilespmem:$0x5C0]  }
0x125: {  	v19 =	vld [tilespmem:$0x5D0];
	v14 =	vmul.f32 v21, v13  }
0x126: {  	v20 =	vld [tilespmem:$0x5E0];
	v15 =	vmul.f32 v22, v13  }
0x127: {  	v16 =	vmul.f32 v16, v13;
	v21 =	vld [tilespmem:$0x5F0];
	v14 =	vmul.f32 v14, v58  }
0x128: {  	v17 =	vmul.f32 v17, v13;
	v22 =	vld [tilespmem:$0x600];
	v15 =	vmul.f32 v15, v58  }
0x129: {  	[tilespmem:$0x780] =	vst v14;
	v14 =	vmul.f32 v16, v58;
	v16 =	vmul.f32 v18, v13;
	v18 =	vld [tilespmem:$0x610]  }
0x12a: {  	[tilespmem:$0x790] =	vst v15;
	v15 =	vmul.f32 v17, v58;
	v17 =	vmul.f32 v19, v13;
	v19 =	vld [tilespmem:$0x620]  }
0x12b: {  	[tilespmem:$0x7A0] =	vst v14;
	v14 =	vmul.f32 v16, v58;
	v16 =	vmul.f32 v20, v13;
	v20 =	vld [tilespmem:$0x630]  }
0x12c: {  	[tilespmem:$0x7B0] =	vst v15;
	v15 =	vmul.f32 v17, v58;
	v17 =	vmul.f32 v21, v13;
	v21 =	vld [tilespmem:$0x640]  }
0x12d: {  	[tilespmem:$0x7C0] =	vst v14;
	v14 =	vmul.f32 v16, v58;
	v16 =	vmul.f32 v22, v13;
	v22 =	vld [tilespmem:$0x650]  }
0x12e: {  	[tilespmem:$0x7D0] =	vst v15;
	v15 =	vmul.f32 v17, v58;
	v17 =	vmul.f32 v18, v13;
	v18 =	vld [tilespmem:$0x660]  }
0x12f: {  	[tilespmem:$0x7E0] =	vst v14;
	v14 =	vmul.f32 v16, v58;
	v16 =	vmul.f32 v19, v13;
	v19 =	vld [tilespmem:$0x670]  }
0x130: {  	[tilespmem:$0x7F0] =	vst v15;
	v15 =	vmul.f32 v17, v58;
	v17 =	vmul.f32 v20, v13;
	v20 =	vld [tilespmem:$0x680]  }
0x131: {  	[tilespmem:$0x800] =	vst v14;
	v14 =	vmul.f32 v16, v58;
	v16 =	vmul.f32 v21, v13;
	v21 =	vld [tilespmem:$0x690]  }
0x132: {  	[tilespmem:$0x810] =	vst v15;
	v15 =	vmul.f32 v17, v58;
	v17 =	vmul.f32 v22, v13;
	v22 =	vld [tilespmem:$0x6A0]  }
0x133: {  	[tilespmem:$0x820] =	vst v14;
	v14 =	vmul.f32 v16, v58;
	v16 =	vmul.f32 v18, v13;
	v18 =	vld [tilespmem:$0x6B0]  }
0x134: {  	[tilespmem:$0x830] =	vst v15;
	v15 =	vmul.f32 v17, v58;
	v17 =	vmul.f32 v19, v13;
	v19 =	vld [tilespmem:$0x6C0]  }
0x135: {  	[tilespmem:$0x840] =	vst v14;
	v14 =	vmul.f32 v16, v58;
	v16 =	vmul.f32 v20, v13;
	v20 =	vld [tilespmem:$0x6D0]  }
0x136: {  	[tilespmem:$0x850] =	vst v15;
	v15 =	vmul.f32 v17, v58;
	v17 =	vmul.f32 v21, v13;
	v21 =	vld [tilespmem:$0x6E0]  }
0x137: {  	[tilespmem:$0x860] =	vst v14;
	v14 =	vmul.f32 v16, v58;
	v16 =	vmul.f32 v22, v13;
	v22 =	vld [tilespmem:$0x6F0]  }
0x138: {  	[tilespmem:$0x870] =	vst v15;
	v15 =	vmul.f32 v17, v58;
	v17 =	vmul.f32 v18, v13;
	v18 =	vld [tilespmem:$0x700]  }
0x139: {  	[tilespmem:$0x880] =	vst v14;
	v14 =	vmul.f32 v16, v58;
	v16 =	vmul.f32 v19, v13  }
0x13a: {  	[tilespmem:$0x890] =	vst v15;
	v15 =	vmul.f32 v17, v58;
	v20 =	vmul.f32 v20, v13  }
0x13b: {  	[tilespmem:$0x8A0] =	vst v14;
	v14 =	vmul.f32 v16, v58;
	v21 =	vmul.f32 v21, v13  }
0x13c: {  	[tilespmem:$0x8B0] =	vst v15;
	v15 =	vmul.f32 v20, v58;
	v20 =	vmul.f32 v22, v13  }
0x13d: {  	[tilespmem:$0x8C0] =	vst v14;
	v21 =	vmul.f32 v21, v58;
	v13 =	vmul.f32 v18, v13  }
0x13e: {  	[tilespmem:$0x8D0] =	vst v15;
	v22 =	vmul.f32 v20, v58  }
0x13f: {  	[tilespmem:$0x8E0] =	vst v21;
	v13 =	vmul.f32 v13, v58  }
0x140: {  	[tilespmem:$0x8F0] =	vst v22  }
0x141: {  	[tilespmem:$0x900] =	vst v13  }
0x142: {  	[hbm4b:s6+s10] =	stream.strided.scatter [tilespmem:s24], [sflag:$0x2], $0x200, s4, s10, $0x38;
	[tilespmem:$0x980] =	vst v63  }
0x143: {  	_ =	swait.ge [sflag:s11], $0x200  }
0x144: {  	[sflag:s11] =	ssyncset.done $0x0  }
0x145: {  	[sflag:s11] =	ssyncadd.s32 $0xFFFFFE00  }
0x146: {  	[tilespmem:s2], [sflag:$0x2] =	stream.strided.gather [hbm4b:s7+s10], $0x380, s4, s10, $0x38;
	[tilespmem:$0x980] =	vst v63  }
0x147: {  	_ =	swait.ge [sflag:s11], $0x380  }
0x148: {  	[sflag:s11] =	ssyncset.done $0x0  }
0x149: {  	[sflag:s11] =	ssyncadd.s32 $0xFFFFFC80  }
0x14a: {  	v18 =	vld [tilespmem:$0x0];
	_ =	sdelay $0x2  }
0x14b: {  	v19 =	vld [tilespmem:$0x10];
	_ =	sdelay $0x1  }
0x14c: {  	v20 =	vld [tilespmem:$0x20];
	v13 =	vmul.f32 $1.789999960e+00, v18  }
0x14d: {  	v21 =	vld [tilespmem:$0x30]  }
0x14e: {  	v13 =	vmul.f32 $1.442695020e+00, v13  }
0x14f: {  	v14 =	vmul.f32 $1.789999960e+00, v19  }
0x150: {  	v22 =	vld [tilespmem:$0x40];
	(erf) = vpow2.f32 v13  }
0x151: {  	v20 =	vmul.f32 $1.789999960e+00, v20;
	v19 =	vmul.f32 $1.442695020e+00, v14  }
0x152: {  	v17 =	vld [tilespmem:$0x60];
	v21 =	vmul.f32 $1.789999960e+00, v21  }
0x153: {  	v14 =	vmul.f32 $1.442695020e+00, v20;
	v13 =	vld [tilespmem:$0x50];
	(erf) = vpow2.f32 v19  }
0x154: {  	v20 =	vmul.f32 $1.442695020e+00, v21;
	v21 =	vld [tilespmem:$0x70]  }
0x155: {  	v22 =	vmul.f32 $1.789999960e+00, v22;
	(erf) = vpow2.f32 v14;
	_ =	sdelay $0x1  }
0x156: {  	v17 =	vmul.f32 $1.789999960e+00, v17;
	v16 =	vmul.f32 $1.442695020e+00, v22  }
0x157: {  	(erf) = vpow2.f32 v20;
	v13 =	vmul.f32 $1.789999960e+00, v13  }
0x158: {  	v14 =	vld [tilespmem:$0x80];
	v15 =	vmul.f32 $1.789999960e+00, v21;
	(erf) = vpow2.f32 v16;
	v22 =	vpop (erf)  }
0x159: {  	v18 =	vld [tilespmem:$0x90];
	v13 =	vmul.f32 $1.442695020e+00, v13;
	vm14 =	vlt.f32 v22, $+Inf;
	vm15 =	vgt.f32 v22, $+Inf  }
0x15a: {  	v21 =	vmul.f32 $1.442695020e+00, v17;
	vm15 =	vmor vm15, vm14  }
0x15b: {  	v15 =	vmul.f32 $1.442695020e+00, v15;
	(erf) = vpow2.f32 v13;
	v16 =	vnsel vm15, $0x7F800000, v22;
	v22 =	vpop (erf)  }
0x15c: {  	v17 =	vld [tilespmem:$0xA0];
	(erf) = vpow2.f32 v21;
	vm10 =	vlt.f32 v22, v16  }
0x15d: {  	v20 =	vmul.f32 $1.789999960e+00, v14;
	v21 =	vsel vm10, v22, v16;
	v22 =	vpop (erf);
	(erf) = vpow2.f32 v15;
	v15 =	vld [tilespmem:$0xB0]  }
0x15e: {  	v18 =	vmul.f32 $1.789999960e+00, v18  }
0x15f: {  	v19 =	vld [tilespmem:$0xC0];
	v13 =	vmul.f32 $1.442695020e+00, v20;
	vm14 =	vlt.f32 v22, v21  }
0x160: {  	v14 =	vsel vm14, v22, v21;
	v22 =	vmul.f32 $1.442695020e+00, v18;
	v21 =	vpop (erf)  }
0x161: {  	v17 =	vmul.f32 $1.789999960e+00, v17;
	(erf) = vpow2.f32 v13;
	vm12 =	vlt.f32 v21, v14  }
0x162: {  	v18 =	vld [tilespmem:$0xD0];
	v14 =	vsel vm12, v21, v14;
	v21 =	vpop (erf);
	(erf) = vpow2.f32 v22;
	v22 =	vmul.f32 $1.789999960e+00, v15  }
0x163: {  	v17 =	vmul.f32 $1.442695020e+00, v17;
	v16 =	vld [tilespmem:$0xE0];
	vm13 =	vlt.f32 v21, v14  }
0x164: {  	v20 =	vpop (erf);
	v14 =	vsel vm13, v21, v14;
	v21 =	vmul.f32 $1.789999960e+00, v19  }
0x165: {  	(erf) = vpow2.f32 v17;
	v13 =	vmul.f32 $1.442695020e+00, v22;
	vm11 =	vlt.f32 v20, v14  }
0x166: {  	v19 =	vld [tilespmem:$0xF0];
	v14 =	vsel vm11, v20, v14;
	v22 =	vpop (erf);
	v21 =	vmul.f32 $1.442695020e+00, v21  }
0x167: {  	v17 =	vld [tilespmem:$0x100];
	v18 =	vmul.f32 $1.789999960e+00, v18;
	(erf) = vpow2.f32 v13;
	vm8 =	vlt.f32 v22, v14  }
0x168: {  	v20 =	vmul.f32 $1.789999960e+00, v16;
	v14 =	vsel vm8, v22, v14;
	v22 =	vpop (erf)  }
0x169: {  	v18 =	vmul.f32 $1.442695020e+00, v18;
	(erf) = vpow2.f32 v21;
	vm9 =	vlt.f32 v22, v14  }
0x16a: {  	v16 =	vld [tilespmem:$0x110];
	v13 =	vmul.f32 $1.442695020e+00, v20;
	v14 =	vsel vm9, v22, v14;
	v21 =	vpop (erf)  }
0x16b: {  	(erf) = vpow2.f32 v18;
	v22 =	vmul.f32 $1.789999960e+00, v19;
	v19 =	vld [tilespmem:$0x120];
	vm7 =	vlt.f32 v21, v14  }
0x16c: {  	v17 =	vmul.f32 $1.789999960e+00, v17;
	v14 =	vsel vm7, v21, v14;
	v21 =	vpop (erf)  }
0x16d: {  	(erf) = vpow2.f32 v13;
	v22 =	vmul.f32 $1.442695020e+00, v22;
	vm5 =	vlt.f32 v21, v14  }
0x16e: {  	v18 =	vld [tilespmem:$0x130];
	v17 =	vmul.f32 $1.442695020e+00, v17;
	v14 =	vsel vm5, v21, v14;
	v21 =	vpop (erf)  }
0x16f: {  	(erf) = vpow2.f32 v22;
	v22 =	vmul.f32 $1.789999960e+00, v16;
	vm6 =	vlt.f32 v21, v14  }
0x170: {  	v20 =	vpop (erf);
	(erf) = vpow2.f32 v17;
	v17 =	vmul.f32 $1.789999960e+00, v19;
	v14 =	vsel vm6, v21, v14  }
0x171: {  	v16 =	vld [tilespmem:$0x140];
	vm3 =	vlt.f32 v20, v14  }
0x172: {  	v19 =	vld [tilespmem:$0x150];
	v13 =	vmul.f32 $1.442695020e+00, v22;
	v15 =	vpop (erf);
	v21 =	vmul.f32 $1.442695020e+00, v17;
	v14 =	vsel vm3, v20, v14  }
0x173: {  	v18 =	vmul.f32 $1.789999960e+00, v18;
	vm4 =	vlt.f32 v15, v14  }
0x174: {  	v17 =	vld [tilespmem:$0x160];
	v20 =	vimm.s32 $0x0;
	(erf) = vpow2.f32 v13;
	v22 =	vpop (erf);
	v14 =	vsel vm4, v15, v14  }
0x175: {  	v18 =	vmul.f32 $1.442695020e+00, v18;
	v20 =	vsel vm4, $0xFFFFFFFF, v20;
	vm1 =	vlt.f32 v22, v14  }
0x176: {  	(erf) = vpow2.f32 v21;
	[tilespmem:$0x1FAF0] =	vst v20;
	v20 =	vmul.f32 $1.789999960e+00, v16;
	v21 =	vpop (erf);
	v16 =	vld [tilespmem:$0x170];
	v14 =	vsel vm1, v22, v14  }
0x177: {  	(erf) = vpow2.f32 v18;
	v18 =	vld [tilespmem:$0x190];
	v22 =	vmul.f32 $1.789999960e+00, v19;
	vm2 =	vlt.f32 v21, v14  }
0x178: {  	v19 =	vld [tilespmem:$0x180];
	v13 =	vmul.f32 $1.442695020e+00, v20;
	v14 =	vsel vm2, v21, v14;
	v21 =	vpop (erf)  }
0x179: {  	v17 =	vmul.f32 $1.789999960e+00, v17;
	v22 =	vmul.f32 $1.442695020e+00, v22;
	vm4 =	vlt.f32 v21, v14  }
0x17a: {  	v20 =	vimm.s32 $0x0;
	(erf) = vpow2.f32 v13;
	v14 =	vsel vm4, v21, v14;
	v21 =	vpop (erf)  }
0x17b: {  	v17 =	vmul.f32 $1.442695020e+00, v17;
	(erf) = vpow2.f32 v22;
	vm0 =	vlt.f32 v21, v14  }
0x17c: {  	v22 =	vmul.f32 $1.789999960e+00, v16;
	v18 =	vmul.f32 $1.789999960e+00, v18;
	v16 =	vsel vm0, $0xFFFFFFFF, v20  }
0x17d: {  	v15 =	vpop (erf);
	(erf) = vpow2.f32 v17;
	v14 =	vsel vm0, v21, v14;
	v21 =	vmul.f32 $1.789999960e+00, v19;
	[tilespmem:$0x1FB00] =	vst v16;
	v16 =	vld [tilespmem:$0x1A0]  }
0x17e: {  	v13 =	vmul.f32 $1.442695020e+00, v22;
	v22 =	vimm.s32 $0x0;
	vm0 =	vlt.f32 v15, v14  }
0x17f: {  	v20 =	vimm.s32 $0x0;
	v19 =	vsel vm0, $0xFFFFFFFF, v22;
	v14 =	vsel vm0, v15, v14;
	v15 =	vpop (erf)  }
0x180: {  	v18 =	vmul.f32 $1.442695020e+00, v18;
	(erf) = vpow2.f32 v13;
	[tilespmem:$0x1FB10] =	vst v19;
	v19 =	vld [tilespmem:$0x1B0];
	vm0 =	vlt.f32 v15, v14  }
0x181: {  	v13 =	vmul.f32 $1.442695020e+00, v21;
	v20 =	vsel vm0, $0xFFFFFFFF, v20;
	v14 =	vsel vm0, v15, v14;
	v21 =	vpop (erf)  }
0x182: {  	v17 =	vld [tilespmem:$0x1C0];
	[tilespmem:$0x1FB20] =	vst v20;
	vm0 =	vlt.f32 v21, v14;
	v20 =	vimm.s32 $0x0;
	v22 =	vmul.f32 $1.789999960e+00, v16  }
0x183: {  	(erf) = vpow2.f32 v13;
	v16 =	vsel vm0, $0xFFFFFFFF, v20;
	v14 =	vsel vm0, v21, v14;
	v15 =	vpop (erf)  }
0x184: {  	vm0 =	vlt.f32 v15, v14;
	v13 =	vmul.f32 $1.442695020e+00, v22;
	v22 =	vimm.s32 $0x0  }
0x185: {  	[tilespmem:$0x1FB30] =	vst v16;
	v16 =	vld [tilespmem:$0x1D0];
	v21 =	vmul.f32 $1.789999960e+00, v19;
	v19 =	vsel vm0, $0xFFFFFFFF, v22  }
0x186: {  	(erf) = vpow2.f32 v18;
	v14 =	vsel vm0, v15, v14;
	v15 =	vpop (erf);
	[tilespmem:$0x1FB40] =	vst v19;
	v19 =	vld [tilespmem:$0x1E0]  }
0x187: {  	v17 =	vmul.f32 $1.789999960e+00, v17;
	v20 =	vimm.s32 $0x0;
	vm0 =	vlt.f32 v15, v14  }
0x188: {  	(erf) = vpow2.f32 v13;
	v13 =	vmul.f32 $1.442695020e+00, v21;
	v20 =	vsel vm0, $0xFFFFFFFF, v20  }
0x189: {  	v17 =	vmul.f32 $1.442695020e+00, v17;
	v14 =	vsel vm0, v15, v14;
	[tilespmem:$0x1FB50] =	vst v20;
	v20 =	vimm.s32 $0x0;
	v21 =	vpop (erf)  }
0x18a: {  	v18 =	vld [tilespmem:$0x1F0];
	(erf) = vpow2.f32 v13;
	v22 =	vmul.f32 $1.789999960e+00, v16;
	vm0 =	vlt.f32 v21, v14  }
0x18b: {  	v15 =	vpop (erf);
	v16 =	vsel vm0, $0xFFFFFFFF, v20;
	v14 =	vsel vm0, v21, v14;
	v21 =	vmul.f32 $1.789999960e+00, v19  }
0x18c: {  	v13 =	vmul.f32 $1.442695020e+00, v22;
	v22 =	vimm.s32 $0x0;
	[tilespmem:$0x1FB60] =	vst v16;
	v16 =	vld [tilespmem:$0x200];
	vm0 =	vlt.f32 v15, v14  }
0x18d: {  	(erf) = vpow2.f32 v17;
	v19 =	vsel vm0, $0xFFFFFFFF, v22;
	v14 =	vsel vm0, v15, v14;
	v15 =	vpop (erf)  }
0x18e: {  	(erf) = vpow2.f32 v13;
	v13 =	vmul.f32 $1.442695020e+00, v21;
	vm0 =	vlt.f32 v15, v14  }
0x18f: {  	v18 =	vmul.f32 $1.789999960e+00, v18;
	v20 =	vimm.s32 $0x0;
	[tilespmem:$0x1FB70] =	vst v19;
	v19 =	vld [tilespmem:$0x210];
	v14 =	vsel vm0, v15, v14;
	v21 =	vpop (erf)  }
0x190: {  	v20 =	vsel vm0, $0xFFFFFFFF, v20;
	(erf) = vpow2.f32 v13;
	vm0 =	vlt.f32 v21, v14  }
0x191: {  	[tilespmem:$0x1FB80] =	vst v20;
	v20 =	vimm.s32 $0x0;
	v22 =	vmul.f32 $1.789999960e+00, v16;
	v15 =	vpop (erf);
	v14 =	vsel vm0, v21, v14  }
0x192: {  	v16 =	vsel vm0, $0xFFFFFFFF, v20;
	v20 =	vimm.s32 $0x0;
	vm0 =	vlt.f32 v15, v14  }
0x193: {  	v13 =	vmul.f32 $1.442695020e+00, v22;
	v22 =	vimm.s32 $0x0;
	v14 =	vsel vm0, v15, v14;
	v15 =	vpop (erf)  }
0x194: {  	v21 =	vmul.f32 $1.789999960e+00, v19;
	v19 =	vsel vm0, $0xFFFFFFFF, v22;
	vm0 =	vlt.f32 v15, v14  }
0x195: {  	[tilespmem:$0x1FB90] =	vst v16;
	v16 =	vld [tilespmem:$0x230];
	v20 =	vsel vm0, $0xFFFFFFFF, v20  }
0x196: {  	v18 =	vmul.f32 $1.442695020e+00, v18;
	[tilespmem:$0x1FBB0] =	vst v20;
	v20 =	vld [tilespmem:$0x1FF40];
	_ =	sdelay $0x1  }
0x197: {  	v17 =	vld [tilespmem:$0x220];
	(erf) = vpow2.f32 v18  }
0x198: {  	v22 =	vimm.s32 $0x0;
	(erf) = vpow2.f32 v13;
	v14 =	vsel vm0, v15, v14;
	v15 =	vpop (erf)  }
0x199: {  	v13 =	vmul.f32 $1.442695020e+00, v21;
	vm0 =	vlt.f32 v15, v14;
	v21 =	vmul.f32 $1.789999960e+00, v16  }
0x19a: {  	v16 =	vsel vm0, $0xFFFFFFFF, v22;
	v14 =	vsel vm0, v15, v14;
	v15 =	vpop (erf);
	v20 =	vnsel vm15, $0x80000000, v20  }
0x19b: {  	[tilespmem:$0x1FBC0] =	vst v16;
	vm0 =	vlt.f32 v15, v14;
	v16 =	vsel vm10, v63, v20;
	v63 =	vimm.s32 $0x0  }
0x19c: {  	v17 =	vmul.f32 $1.789999960e+00, v17;
	v20 =	vsel vm0, $0xFFFFFFFF, v63;
	v63 =	vld [tilespmem:$0x1FC50];
	_ =	sdelay $0x1  }
0x19d: {  	v18 =	vld [tilespmem:$0x250];
	v17 =	vmul.f32 $1.442695020e+00, v17  }
0x19e: {  	[tilespmem:$0x1FBA0] =	vst v19;
	v19 =	vld [tilespmem:$0x240];
	(erf) = vpow2.f32 v13  }
0x19f: {  	(erf) = vpow2.f32 v17;
	v14 =	vsel vm0, v15, v14;
	v15 =	vpop (erf)  }
0x1a0: {  	v17 =	vld [tilespmem:$0x260];
	vm0 =	vlt.f32 v15, v14;
	v16 =	vsel vm14, v63, v16;
	v63 =	vimm.s32 $0x0  }
0x1a1: {  	v13 =	vmul.f32 $1.442695020e+00, v21;
	v21 =	vsel vm0, $0xFFFFFFFF, v63;
	v63 =	vld [tilespmem:$0x1FC60]  }
0x1a2: {  	v18 =	vmul.f32 $1.789999960e+00, v18  }
0x1a3: {  	v19 =	vmul.f32 $1.789999960e+00, v19  }
0x1a4: {  	v18 =	vmul.f32 $1.442695020e+00, v18;
	[tilespmem:$0x1FBD0] =	vst v20;
	v20 =	vld [tilespmem:$0x270];
	v14 =	vsel vm0, v15, v14;
	v15 =	vpop (erf)  }
0x1a5: {  	(erf) = vpow2.f32 v13;
	v13 =	vmul.f32 $1.442695020e+00, v19;
	vm0 =	vlt.f32 v15, v14  }
0x1a6: {  	[tilespmem:$0x1FBE0] =	vst v21;
	v21 =	vimm.s32 $0x0;
	v16 =	vsel vm12, v63, v16;
	v63 =	vmul.f32 $1.789999960e+00, v17  }
0x1a7: {  	(erf) = vpow2.f32 v13;
	v14 =	vsel vm0, v15, v14;
	v15 =	vpop (erf);
	v17 =	vsel vm0, $0xFFFFFFFF, v21  }
0x1a8: {  	v22 =	vld [tilespmem:$0x1FC70];
	vm0 =	vlt.f32 v15, v14;
	v13 =	vmul.f32 $1.442695020e+00, v63;
	v63 =	vimm.s32 $0x0  }
0x1a9: {  	(erf) = vpow2.f32 v18;
	v18 =	vmul.f32 $1.789999960e+00, v20;
	v20 =	vsel vm0, $0xFFFFFFFF, v63;
	v63 =	vld [tilespmem:$0x1FC80];
	_ =	sdelay $0x2  }
0x1aa: {  	v19 =	vld [tilespmem:$0x280]  }
0x1ab: {  	v16 =	vsel vm13, v22, v16;
	v14 =	vsel vm0, v15, v14;
	v15 =	vpop (erf)  }
0x1ac: {  	[tilespmem:$0x1FBF0] =	vst v17;
	v17 =	vld [tilespmem:$0x290];
	vm0 =	vlt.f32 v15, v14;
	v16 =	vsel vm11, v63, v16;
	v63 =	vimm.s32 $0x0  }
0x1ad: {  	[tilespmem:$0x1FC00] =	vst v20;
	v20 =	vld [tilespmem:$0x2A0];
	v21 =	vsel vm0, $0xFFFFFFFF, v63;
	_ =	sdelay $0x1  }
0x1ae: {  	v19 =	vmul.f32 $1.789999960e+00, v19  }
0x1af: {  	(erf) = vpow2.f32 v13;
	v13 =	vmul.f32 $1.442695020e+00, v18;
	v14 =	vsel vm0, v15, v14;
	[tilespmem:$0x1FC10] =	vst v21;
	v21 =	vpop (erf)  }
0x1b0: {  	v22 =	vmul.f32 $1.789999960e+00, v17;
	v17 =	vld [tilespmem:$0x2C0];
	v16 =	vsel vm8, v28, v16;
	vm14 =	vlt.f32 v21, v14  }
0x1b1: {  	v18 =	vld [tilespmem:$0x2B0];
	v16 =	vsel vm9, v29, v16;
	v29 =	vmul.f32 $1.789999960e+00, v20;
	v28 =	vpop (erf);
	v14 =	vsel vm14, v21, v14  }
0x1b2: {  	v19 =	vmul.f32 $1.442695020e+00, v19;
	(erf) = vpow2.f32 v13;
	vm13 =	vlt.f32 v28, v14  }
0x1b3: {  	v14 =	vsel vm13, v28, v14;
	v28 =	vmul.f32 $1.442695020e+00, v29;
	v29 =	vld [tilespmem:$0x2E0]  }
0x1b4: {  	v16 =	vsel vm7, v30, v16;
	(erf) = vpow2.f32 v19  }
0x1b5: {  	v63 =	vld [tilespmem:$0x2D0];
	v13 =	vmul.f32 $1.442695020e+00, v22;
	v16 =	vsel vm5, v31, v16;
	v31 =	vmul.f32 $1.789999960e+00, v17;
	v30 =	vpop (erf)  }
0x1b6: {  	v18 =	vmul.f32 $1.789999960e+00, v18;
	vm12 =	vlt.f32 v30, v14  }
0x1b7: {  	(erf) = vpow2.f32 v13;
	v13 =	vmul.f32 $1.442695020e+00, v31;
	v31 =	vld [tilespmem:$0x1FAF0];
	v14 =	vsel vm12, v30, v14;
	v30 =	vpop (erf)  }
0x1b8: {  	vm11 =	vlt.f32 v30, v14;
	v19 =	vmul.f32 $1.789999960e+00, v29;
	v29 =	vld [tilespmem:$0x300]  }
0x1b9: {  	v18 =	vmul.f32 $1.442695020e+00, v18;
	v16 =	vsel vm6, v32, v16;
	v32 =	vpop (erf);
	v14 =	vsel vm11, v30, v14  }
0x1ba: {  	v63 =	vmul.f32 $1.789999960e+00, v63;
	(erf) = vpow2.f32 v28;
	vm10 =	vlt.f32 v32, v14  }
0x1bb: {  	v17 =	vld [tilespmem:$0x2F0];
	v16 =	vsel vm3, v33, v16;
	(erf) = vpow2.f32 v18;
	v28 =	vpop (erf);
	v14 =	vsel vm10, v32, v14  }
0x1bc: {  	vm15 =	vnez.u8 v31;
	v30 =	vmul.f32 $1.442695020e+00, v63;
	vm9 =	vlt.f32 v28, v14  }
0x1bd: {  	(erf) = vpow2.f32 v13;
	v32 =	vpop (erf);
	v14 =	vsel vm9, v28, v14;
	v20 =	vmul.f32 $1.789999960e+00, v29;
	v29 =	vld [tilespmem:$0x1FB00]  }
0x1be: {  	(erf) = vpow2.f32 v30;
	v30 =	vld [tilespmem:$0x1FB10];
	v33 =	vmul.f32 $1.442695020e+00, v19;
	vm8 =	vlt.f32 v32, v14  }
0x1bf: {  	v16 =	vsel vm15, v34, v16;
	v14 =	vsel vm8, v32, v14;
	v32 =	vld [tilespmem:$0x1FB20]  }
0x1c0: {  	v34 =	vmul.f32 $1.789999960e+00, v17;
	v16 =	vsel vm1, v35, v16;
	(erf) = vpow2.f32 v33;
	v33 =	vld [tilespmem:$0x1FB30]  }
0x1c1: {  	v35 =	vld [tilespmem:$0x1FB40];
	v16 =	vsel vm2, v36, v16  }
0x1c2: {  	v13 =	vmul.f32 $1.442695020e+00, v34;
	v36 =	vld [tilespmem:$0x1FB50];
	v16 =	vsel vm4, v37, v16;
	vm5 =	vnez.u8 v29  }
0x1c3: {  	vm15 =	vnez.u8 v30;
	v16 =	vsel vm5, v38, v16;
	v38 =	vld [tilespmem:$0x1FB60]  }
0x1c4: {  	v63 =	vpop (erf);
	(erf) = vpow2.f32 v13;
	vm4 =	vnez.u8 v32;
	v13 =	vsel vm15, v39, v16;
	v39 =	vld [tilespmem:$0x1FB70]  }
0x1c5: {  	vm15 =	vnez.u8 v33;
	v13 =	vsel vm4, v40, v13  }
0x1c6: {  	vm7 =	vlt.f32 v63, v14;
	v13 =	vsel vm15, v41, v13;
	vm15 =	vnez.u8 v35  }
0x1c7: {  	v14 =	vsel vm7, v63, v14;
	v41 =	vld [tilespmem:$0x1FB80];
	v13 =	vsel vm15, v42, v13;
	vm15 =	vnez.u8 v36  }
0x1c8: {  	v21 =	vpop (erf);
	v22 =	vmul.f32 $1.442695020e+00, v20;
	v42 =	vld [tilespmem:$0x1FB90];
	v13 =	vsel vm15, v43, v13;
	vm15 =	vnez.u8 v38  }
0x1c9: {  	vm6 =	vlt.f32 v21, v14;
	v13 =	vsel vm15, v44, v13;
	vm15 =	vnez.u8 v39;
	v44 =	vld [tilespmem:$0x1FBA0]  }
0x1ca: {  	v28 =	vpop (erf);
	v14 =	vsel vm6, v21, v14;
	v13 =	vsel vm15, v47, v13;
	v47 =	vld [tilespmem:$0x1FBB0]  }
0x1cb: {  	(erf) = vpow2.f32 v22;
	vm5 =	vlt.f32 v28, v14  }
0x1cc: {  	v31 =	vpop (erf);
	v14 =	vsel vm5, v28, v14;
	vm15 =	vnez.u8 v41  }
0x1cd: {  	vm4 =	vlt.f32 v31, v14;
	v13 =	vsel vm15, v48, v13;
	vm15 =	vnez.u8 v42  }
0x1ce: {  	v34 =	vpop (erf);
	v14 =	vsel vm4, v31, v14;
	v48 =	vld [tilespmem:$0x1FBC0];
	v13 =	vsel vm15, v49, v13;
	vm15 =	vnez.u8 v44  }
0x1cf: {  	vm3 =	vlt.f32 v34, v14;
	v13 =	vsel vm15, v50, v13;
	vm15 =	vnez.u8 v47;
	v50 =	vld [tilespmem:$0x1FBD0]  }
0x1d0: {  	v37 =	vpop (erf);
	v14 =	vsel vm3, v34, v14;
	v13 =	vsel vm15, v51, v13;
	v51 =	vld [tilespmem:$0x1FBE0]  }
0x1d1: {  	vm2 =	vlt.f32 v37, v14  }
0x1d2: {  	v40 =	vpop (erf);
	v14 =	vsel vm2, v37, v14  }
0x1d3: {  	vm1 =	vlt.f32 v40, v14;
	vm15 =	vnez.u8 v48  }
0x1d4: {  	v43 =	vpop (erf);
	v14 =	vsel vm1, v40, v14;
	v13 =	vsel vm15, v52, v13;
	v52 =	vld [tilespmem:$0x1FBF0];
	vm15 =	vnez.u8 v50  }
0x1d5: {  	vm0 =	vlt.f32 v43, v14;
	v13 =	vsel vm15, v53, v13;
	vm15 =	vnez.u8 v51;
	v53 =	vld [tilespmem:$0x1FC00]  }
0x1d6: {  	v14 =	vsel vm0, v43, v14;
	v13 =	vsel vm15, v54, v13;
	v54 =	vld [tilespmem:$0x1FC10]  }
0x1d7: {  	v49 =	vsub.f32 $0.0e+00, v14;
	_ =	sdelay $0x1  }
0x1d8: {  	(xrf0) =	vmax.scan.msk.f32 $0xffff, v49;
	vm15 =	vnez.u8 v52  }
0x1d9: {  	v13 =	vsel vm15, v55, v13;
	vm15 =	vnez.u8 v53  }
0x1da: {  	v13 =	vsel vm15, v56, v13;
	vm15 =	vnez.u8 v54  }
0x1db: {  	v13 =	vsel vm15, v57, v13  }
0x1dc: {  	v13 =	vsel vm14, v59, v13  }
0x1dd: {  	v56 =	vld [tilespmem:$0x1FEB0];
	v13 =	vsel vm13, v60, v13  }
0x1de: {  	v55, _, _ =	vpop (xrf0);
	v57 =	vld [tilespmem:$0x1FEC0];
	v13 =	vsel vm12, v61, v13  }
0x1df: {  	v15 =	vperm.xlane v55, v23;
	v59 =	vld [tilespmem:$0x1FED0];
	v13 =	vsel vm11, v46, v13  }
0x1e0: {  	v60 =	vld [tilespmem:$0x1FEE0];
	v13 =	vsel vm10, v62, v13  }
0x1e1: {  	(xrf0) =	vmax.scan.msk.f32 $0xffff, v15;
	v61 =	vld [tilespmem:$0x1FEF0];
	v13 =	vsel vm9, v25, v13  }
0x1e2: {  	v13 =	vsel vm8, v56, v13  }
0x1e3: {  	v13 =	vsel vm7, v57, v13  }
0x1e4: {  	v19 =	vld [tilespmem:$0x1FF30];
	v13 =	vsel vm6, v59, v13  }
0x1e5: {  	v13 =	vsel vm5, v60, v13  }
0x1e6: {  	v13 =	vsel vm4, v61, v13  }
0x1e7: {  	v62, _, _ =	vpop (xrf0);
	v13 =	vsel vm3, v24, v13  }
0x1e8: {  	v63 =	vsel vm2, v26, v13;
	v13 =	vsub.f32 $0.0e+00, v62  }
0x1e9: {  	v15 =	vsel vm1, v19, v63  }
0x1ea: {  	v15 =	vsel vm0, v27, v15;
	vm15 =	veq.f32 v14, v13  }
0x1eb: {  	v14 =	vnsel vm15, $0x7FF66E00, v15  }
0x1ec: {  	(xrf0) =	vmax.scan.msk.u32 $0xffff, v14;
	_ =	sdelay $0x5  }
0x1ed: {  	v14, _, _ =	vpop (xrf0)  }
0x1ee: {  	v14 =	vxor.u32 $0x80000000, v14  }
0x1ef: {  	v14 =	vperm.xlane v14, v23;
	_ =	sdelay $0x1  }
0x1f0: {  	v14 =	vxor.u32 $0x80000000, v14  }
0x1f1: {  	(xrf0) =	vmax.scan.msk.u32 $0xffff, v14;
	_ =	sdelay $0x2  }
0x1f2: {  	v20 =	vld [tilespmem:$0x1FF60];
	_ =	sdelay $0x2  }
0x1f3: {  	v14, _, _ =	vpop (xrf0)  }
0x1f4: {  	v14 =	vxor.u32 $0x7FFFFFFF, v14  }
0x1f5: {  	v15 =	vadd.s32 v20, v14  }
0x1f6: {  	v0 =	vadd.s32 v0, v14;
	[tilespmem:$0x380] =	vst v15  }
0x1f7: {  	v32 =	vadd.s32 v1, v14;
	[tilespmem:$0x440] =	vst v0  }
0x1f8: {  	v33 =	vadd.s32 v2, v14;
	[tilespmem:$0x450] =	vst v32  }
0x1f9: {  	v34 =	vadd.s32 v3, v14;
	[tilespmem:$0x460] =	vst v33  }
0x1fa: {  	v35 =	vadd.s32 v4, v14;
	[tilespmem:$0x470] =	vst v34  }
0x1fb: {  	v36 =	vadd.s32 v5, v14;
	[tilespmem:$0x480] =	vst v35  }
0x1fc: {  	v37 =	vadd.s32 v6, v14;
	[tilespmem:$0x490] =	vst v36  }
0x1fd: {  	v38 =	vadd.s32 v7, v14;
	[tilespmem:$0x4A0] =	vst v37  }
0x1fe: {  	v21 =	vld [tilespmem:$0x1FF70];
	v39 =	vadd.s32 v8, v14;
	[tilespmem:$0x4B0] =	vst v38  }
0x1ff: {  	v22 =	vld [tilespmem:$0x1FF80];
	v40 =	vadd.s32 v9, v14;
	[tilespmem:$0x4C0] =	vst v39  }
0x200: {  	v23 =	vld [tilespmem:$0x1FF90];
	v41 =	vadd.s32 v10, v14;
	[tilespmem:$0x4D0] =	vst v40  }
0x201: {  	v24 =	vld [tilespmem:$0x1FFA0];
	v42 =	vadd.s32 v11, v14;
	[tilespmem:$0x4E0] =	vst v41  }
0x202: {  	v25 =	vld [tilespmem:$0x1FFB0];
	v43 =	vadd.s32 v12, v14;
	[tilespmem:$0x4F0] =	vst v42  }
0x203: {  	v26 =	vld [tilespmem:$0x1FFC0];
	v15 =	vadd.s32 v21, v14;
	[tilespmem:$0x500] =	vst v43  }
0x204: {  	v27 =	vld [tilespmem:$0x1FFD0];
	[tilespmem:$0x390] =	vst v15;
	v15 =	vadd.s32 v22, v14  }
0x205: {  	v28 =	vld [tilespmem:$0x1FFE0];
	[tilespmem:$0x3A0] =	vst v15;
	v15 =	vadd.s32 v23, v14  }
0x206: {  	v29 =	vld [tilespmem:$0x1FFF0];
	[tilespmem:$0x3B0] =	vst v15;
	v15 =	vadd.s32 v24, v14  }
0x207: {  	v30 =	vld [tilespmem:$0x1FC20];
	[tilespmem:$0x3C0] =	vst v15;
	v15 =	vadd.s32 v25, v14  }
0x208: {  	v31 =	vld [tilespmem:$0x1FC30];
	[tilespmem:$0x3D0] =	vst v15;
	v15 =	vadd.s32 v26, v14  }
0x209: {  	[tilespmem:$0x3E0] =	vst v15;
	v15 =	vadd.s32 v27, v14  }
0x20a: {  	[tilespmem:$0x3F0] =	vst v15;
	v15 =	vadd.s32 v28, v14  }
0x20b: {  	[tilespmem:$0x400] =	vst v15;
	v15 =	vadd.s32 v29, v14  }
0x20c: {  	[tilespmem:$0x410] =	vst v15;
	v15 =	vadd.s32 v30, v14  }
0x20d: {  	[tilespmem:$0x420] =	vst v15;
	v15 =	vadd.s32 v31, v14  }
0x20e: {  	[tilespmem:$0x430] =	vst v15  }
0x20f: {  	[tilespmem:s14], [sflag:$0x1] =	stream.indirect.gather [hbm4b:s3+s12], $0x1, s13, s12, $0xb8;
	[tilespmem:$0x980] =	vst v63  }
0x210: {  	_ = 	snop  }
0x211: {  	[tilespmem:s16], [sflag:$0x1] =	stream.indirect.gather [hbm4b:s3+s12], $0x1, s15, s12, $0xb8;
	[tilespmem:$0x980] =	vst v63  }
0x212: {  	_ = 	snop  }
0x213: {  	[tilespmem:s18], [sflag:$0x1] =	stream.indirect.gather [hbm4b:s3+s12], $0x1, s17, s12, $0xb8;
	[tilespmem:$0x980] =	vst v63  }
0x214: {  	_ = 	snop  }
0x215: {  	[tilespmem:s20], [sflag:$0x1] =	stream.indirect.gather [hbm4b:s3+s12], $0x1, s19, s12, $0xb8;
	[tilespmem:$0x980] =	vst v63  }
0x216: {  	_ = 	snop  }
0x217: {  	[tilespmem:s22], [sflag:$0x1] =	stream.indirect.gather [hbm4b:s3+s12], $0x1, s21, s12, $0xb8;
	[tilespmem:$0x980] =	vst v63  }
0x218: {  	_ =	swait.ge [sflag:s23], $0x50  }
0x219: {  	[sflag:s23] =	ssyncset.done $0x0  }
0x21a: {  	[sflag:s23] =	ssyncadd.s32 $0xFFFFFFB0  }
0x21b: {  	_ =	swait.ge [sflag:s23], $0x50  }
0x21c: {  	[sflag:s23] =	ssyncset.done $0x0  }
0x21d: {  	[sflag:s23] =	ssyncadd.s32 $0xFFFFFFB0  }
0x21e: {  	_ =	swait.ge [sflag:s23], $0x50  }
0x21f: {  	[sflag:s23] =	ssyncset.done $0x0  }
0x220: {  	[sflag:s23] =	ssyncadd.s32 $0xFFFFFFB0  }
0x221: {  	_ =	swait.ge [sflag:s23], $0x50  }
0x222: {  	[sflag:s23] =	ssyncset.done $0x0  }
0x223: {  	[sflag:s23] =	ssyncadd.s32 $0xFFFFFFB0  }
0x224: {  	_ =	swait.ge [sflag:s23], $0x50  }
0x225: {  	[sflag:s23] =	ssyncset.done $0x0  }
0x226: {  	[sflag:s23] =	ssyncadd.s32 $0xFFFFFFB0  }
0x227: {  	v44 =	vld [tilespmem:$0x580]  }
0x228: {  	v46 =	vld [tilespmem:$0x590]  }
0x229: {  	v47 =	vld [tilespmem:$0x5A0]  }
0x22a: {  	v48 =	vld [tilespmem:$0x5B0]  }
0x22b: {  	v49 =	vld [tilespmem:$0x5C0]  }
0x22c: {  	v50 =	vld [tilespmem:$0x5D0];
	v0 =	vmul.f32 v44, v13  }
0x22d: {  	v51 =	vld [tilespmem:$0x5E0];
	v1 =	vmul.f32 v46, v13  }
0x22e: {  	v52 =	vld [tilespmem:$0x5F0];
	v2 =	vmul.f32 v47, v13;
	v0 =	vmul.f32 v0, v58  }
0x22f: {  	v53 =	vld [tilespmem:$0x600];
	v3 =	vmul.f32 v48, v13;
	v1 =	vmul.f32 v1, v58  }
0x230: {  	v56 =	vld [tilespmem:$0x610];
	v55 =	vmul.f32 v49, v13;
	v54 =	vmul.f32 v2, v58;
	[tilespmem:$0x780] =	vst v0  }
0x231: {  	v60 =	vld [tilespmem:$0x620];
	v59 =	vmul.f32 v50, v13;
	v57 =	vmul.f32 v3, v58;
	[tilespmem:$0x790] =	vst v1  }
0x232: {  	v63 =	vld [tilespmem:$0x630];
	v62 =	vmul.f32 v51, v13;
	v61 =	vmul.f32 v55, v58;
	[tilespmem:$0x7A0] =	vst v54  }
0x233: {  	v15 =	vld [tilespmem:$0x640];
	v14 =	vmul.f32 v52, v13;
	v12 =	vmul.f32 v59, v58;
	[tilespmem:$0x7B0] =	vst v57  }
0x234: {  	v18 =	vld [tilespmem:$0x650];
	v17 =	vmul.f32 v53, v13;
	v16 =	vmul.f32 v62, v58;
	[tilespmem:$0x7C0] =	vst v61  }
0x235: {  	v21 =	vld [tilespmem:$0x660];
	v20 =	vmul.f32 v56, v13;
	v19 =	vmul.f32 v14, v58;
	[tilespmem:$0x7D0] =	vst v12  }
0x236: {  	v24 =	vld [tilespmem:$0x670];
	v23 =	vmul.f32 v60, v13;
	v22 =	vmul.f32 v17, v58;
	[tilespmem:$0x7E0] =	vst v16  }
0x237: {  	v27 =	vld [tilespmem:$0x680];
	v26 =	vmul.f32 v63, v13;
	v25 =	vmul.f32 v20, v58;
	[tilespmem:$0x7F0] =	vst v19  }
0x238: {  	v30 =	vld [tilespmem:$0x690];
	v29 =	vmul.f32 v15, v13;
	v28 =	vmul.f32 v23, v58;
	[tilespmem:$0x800] =	vst v22  }
0x239: {  	v33 =	vld [tilespmem:$0x6A0];
	v32 =	vmul.f32 v18, v13;
	v31 =	vmul.f32 v26, v58;
	[tilespmem:$0x810] =	vst v25  }
0x23a: {  	v36 =	vld [tilespmem:$0x6B0];
	v35 =	vmul.f32 v21, v13;
	v34 =	vmul.f32 v29, v58;
	[tilespmem:$0x820] =	vst v28  }
0x23b: {  	v42 =	vld [tilespmem:$0x6D0];
	v38 =	vmul.f32 v24, v13;
	v37 =	vmul.f32 v32, v58;
	[tilespmem:$0x830] =	vst v31  }
0x23c: {  	v39 =	vld [tilespmem:$0x6C0];
	v41 =	vmul.f32 v27, v13;
	v40 =	vmul.f32 v35, v58;
	[tilespmem:$0x840] =	vst v34  }
0x23d: {  	v44 =	vmul.f32 v30, v13;
	v46 =	vld [tilespmem:$0x6E0];
	v43 =	vmul.f32 v38, v58;
	[tilespmem:$0x850] =	vst v37  }
0x23e: {  	v48 =	vmul.f32 v33, v13;
	v49 =	vld [tilespmem:$0x6F0];
	v47 =	vmul.f32 v41, v58;
	[tilespmem:$0x860] =	vst v40  }
0x23f: {  	v51 =	vmul.f32 v36, v13;
	v52 =	vld [tilespmem:$0x700];
	v50 =	vmul.f32 v44, v58;
	[tilespmem:$0x870] =	vst v43  }
0x240: {  	v56 =	vmul.f32 v42, v13;
	v53 =	vmul.f32 v48, v58;
	[tilespmem:$0x880] =	vst v47  }
0x241: {  	v55 =	vmul.f32 v51, v58;
	v54 =	vmul.f32 v39, v13;
	[tilespmem:$0x890] =	vst v50  }
0x242: {  	v60 =	vmul.f32 v56, v58;
	[tilespmem:$0x8A0] =	vst v53;
	v59 =	vmul.f32 v46, v13  }
0x243: {  	[tilespmem:$0x8B0] =	vst v55;
	v61 =	vmul.f32 v49, v13;
	v57 =	vmul.f32 v54, v58  }
0x244: {  	[tilespmem:$0x8D0] =	vst v60;
	v62 =	vmul.f32 v52, v13;
	v2 =	vmul.f32 v59, v58  }
0x245: {  	v63 =	vmul.f32 v61, v58;
	[tilespmem:$0x8C0] =	vst v57  }
0x246: {  	v0 =	vmul.f32 v62, v58;
	[tilespmem:$0x8E0] =	vst v2  }
0x247: {  	p0 =	sne.s32 s9, $0x1;
	[tilespmem:$0x8F0] =	vst v63  }
.Ltmp0:
0x248: {  	[tilespmem:$0x900] =	vst v0;
	(pc) =	sbr.rel @p0 .LBB2_1-.Ltmp0, $4  }
0x249: {  	[hbm4b:s8+s10] =	stream.strided.scatter [tilespmem:s24], [sflag:$0x2], $0x200, s4, s10, $0x38;
	[tilespmem:$0x980] =	vst v63  }
0x24a: {  	_ =	swait.ge [sflag:s11], $0x200  }
0x24b: {  	[sflag:s11] =	ssyncset.done $0x0  }
0x24c: {  	s9 =	sadd.s32 $0xFFFFFFFF, s9;
	[sflag:s11] =	ssyncadd.s32 $0xFFFFFE00  }
0x24d: {  	_ =	sfence.sel $0x180000  }
0x24e: {  	[bflag:$0x0] =	sbarrier.arrive $0xFFFF  }
0x24f: {  	p0 =	sne.s32 s1, $0x0;
	_ =	strace $0x90000047  }
0x250: {  	s0 =	sadd.s32 @!p0 $0x100000, s0;
	[bflag:$0x2] =	sbarrier.arrive $0xFFFF  }
0x251: {  	[sflag:s0] =	ssyncadd.tile.s32 @!p0 $0x1;
	_ =	shalt  }
.Lfunc_end2:
_tile_overlayer_lowered:
.L_overlay_start_2:
0x252: {  	(tag) =	ssettag $0x2  }
0x253: {  	s0 =	rddreg [dreg:$0x0];
	s2 =	stileid.u32  }
0x254: {  	s1 =	rddreg [dreg:$0x1];
	p0 =	sne.s32 s2, $0x0  }
0x255: {  	s3 =	rddreg [dreg:$0x2];
	[bflag:$0x3] =	sbarrier.arrive $0xFFFF;
	s2 =	simm.s32 @!p0 $0x1C02  }
0x256: {  	[timem:s3], [sflag:s2] =	dma.local @!p0 [hbm:s0], s1  }
0x257: {  	s0 =	simm.s32 @!p0 $0x2  }
0x258: {  	_ =	swait.ge @!p0 [sflag:s0], s1  }
0x259: {  	s1 =	ssub.s32 @!p0 $0x0, s1;
	[sflag:s0] =	ssyncset.done @!p0 $0x0  }
0x25a: {  	[sflag:s0] =	ssyncadd.s32 @!p0 s1  }
0x25b: {  	[bflag:$0x3] =	sbarrier.arrive $0xFFFF  }
0x25c: {  	_ =	shalt  }

</sc_bundles>
